<compile_context>
chip_gen: v7x
topology: tpu7x:2x2x1
jax: 0.10.2.dev20260603
libtpu: 0.0.44.dev20260713+nightly
codegen_flags: <defaults>
</compile_context>

<pallas_src>
import dataclasses
import functools

import jax
import jax.numpy as jnp
import numpy as np
from jax import lax
from jax._src import config as _jax_config
from jax.experimental import pallas as pl
from jax.experimental.pallas import tpu as pltpu
from jax.experimental.pallas import tpu_sc as plsc

N = 10000
E = 320000
D = 128
CH = 128
NC = 2
NS = 16
ROWS = 2560
EP = ROWS * CH
RPT = ROWS // (NC * NS)
PH = 2
RPP = RPT // PH
H = 10240
HPT = H // NS
VL = 16


@functools.lru_cache(maxsize=None)
def _build_sc_kernels():
    mesh = plsc.VectorSubcoreMesh(core_axis_name="c", subcore_axis_name="s",
                                  num_cores=NC, num_subcores=NS)
    cp = pltpu.CompilerParams()
    if "needs_layout_passes" in pltpu.CompilerParams.__dataclass_fields__:
        cp = dataclasses.replace(cp, needs_layout_passes=False)


    @functools.partial(
        pl.kernel,
        out_type=jax.ShapeDtypeStruct((NC, H), jnp.float32),
        mesh=mesh,
        scratch_types=[
            pltpu.VMEM((RPT, 1, CH), jnp.int32),
            pltpu.VMEM((H,), jnp.float32),
            pltpu.VMEM((NS, HPT), jnp.float32),
            pltpu.VMEM((HPT,), jnp.float32),
            pltpu.VMEM_SHARED((NS, H), jnp.float32),
        ],
        compiler_params=cp,
    )
    def sc_deg(dst_hbm, out_hbm, dst_ts, hist_ts, red_ts, acc_ts, hist_sh):
        c = lax.axis_index("c")
        s = lax.axis_index("s")
        base = (c * jnp.int32(NS) + s) * jnp.int32(RPT)
        pltpu.sync_copy(dst_hbm.at[pl.ds(base, RPT)], dst_ts)
        zero16 = jnp.zeros((VL,), jnp.float32)
        one16 = jnp.ones((VL,), jnp.float32)

        @pl.loop(0, H // VL)
        def _(g):
            hist_ts[pl.ds(g * jnp.int32(VL), VL)] = zero16

        @pl.loop(0, RPT)
        def _(j):
            for k in range(CH // VL):
                plsc.addupdate_scatter(
                    hist_ts, [dst_ts[j, 0, pl.ds(k * VL, VL)]], one16)

        pltpu.sync_copy(hist_ts, hist_sh.at[s])
        plsc.subcore_barrier()
        pltpu.sync_copy(hist_sh.at[:, pl.ds(s * jnp.int32(HPT), HPT)], red_ts)

        @pl.loop(0, HPT // VL)
        def _(g):
            sl = pl.ds(g * jnp.int32(VL), VL)
            tot = red_ts[0, sl]
            for k in range(1, NS):
                tot = tot + red_ts[k, sl]
            acc_ts[sl] = tot

        pltpu.sync_copy(acc_ts, out_hbm.at[c, pl.ds(s * jnp.int32(HPT), HPT)])


    @functools.partial(
        pl.kernel,
        out_type=jax.ShapeDtypeStruct((NC, H, D), jnp.float32),
        mesh=mesh,
        scratch_types=[
            pltpu.VMEM((RPP, 1, CH), jnp.int32),
            pltpu.VMEM((RPP, 1, CH), jnp.int32),
            pltpu.VMEM((CH, D), jnp.float32),
            pltpu.VMEM((CH, D), jnp.float32),
            pltpu.VMEM_SHARED((H, D), jnp.float32),
            pltpu.SemaphoreType.DMA,
            pltpu.SemaphoreType.DMA,
            pltpu.SemaphoreType.DMA,
        ],
        compiler_params=cp,
    )
    def sc_edge(y_hbm, src_hbm, dst_hbm, zeros_hbm, out_hbm,
                src_ts, dst_ts, rows0, rows1, acc_sh, sem0, sem1, semz):
        c = lax.axis_index("c")
        s = lax.axis_index("s")
        base = (c * jnp.int32(NS) + s) * jnp.int32(RPT)
        hslc = pl.ds(s * jnp.int32(HPT), HPT)
        pltpu.async_copy(zeros_hbm.at[hslc], acc_sh.at[hslc], semz)

        for p in range(PH):
            pbase = base + jnp.int32(p * RPP)
            pltpu.sync_copy(src_hbm.at[pl.ds(pbase, RPP)], src_ts)
            pltpu.sync_copy(dst_hbm.at[pl.ds(pbase, RPP)], dst_ts)
            pltpu.async_copy(y_hbm.at[src_ts.at[0, 0]], rows0, sem0)
            if p == 0:
                pltpu.make_async_copy(zeros_hbm.at[hslc], acc_sh.at[hslc],
                                      semz).wait()
                plsc.subcore_barrier()

            @pl.loop(0, RPP // 2 - 1)
            def _(jj):
                j0 = jj * jnp.int32(2)
                j1 = j0 + jnp.int32(1)
                pltpu.async_copy(y_hbm.at[src_ts.at[j1, 0]], rows1, sem1)
                pltpu.make_async_copy(
                    y_hbm.at[src_ts.at[j0, 0]], rows0, sem0).wait()
                pltpu.sync_copy(rows0, acc_sh.at[dst_ts.at[j0, 0]], add=True)
                pltpu.async_copy(
                    y_hbm.at[src_ts.at[j0 + jnp.int32(2), 0]], rows0, sem0)
                pltpu.make_async_copy(
                    y_hbm.at[src_ts.at[j1, 0]], rows1, sem1).wait()
                pltpu.sync_copy(rows1, acc_sh.at[dst_ts.at[j1, 0]], add=True)

            ja = jnp.int32(RPP - 2)
            jb = jnp.int32(RPP - 1)
            pltpu.async_copy(y_hbm.at[src_ts.at[jb, 0]], rows1, sem1)
            pltpu.make_async_copy(y_hbm.at[src_ts.at[ja, 0]], rows0, sem0).wait()
            pltpu.sync_copy(rows0, acc_sh.at[dst_ts.at[ja, 0]], add=True)
            pltpu.make_async_copy(y_hbm.at[src_ts.at[jb, 0]], rows1, sem1).wait()
            pltpu.sync_copy(rows1, acc_sh.at[dst_ts.at[jb, 0]], add=True)

        plsc.subcore_barrier()
        pltpu.sync_copy(acc_sh.at[hslc], out_hbm.at[c, hslc])

    return sc_deg, sc_edge



BR = 2048
GRID = H // BR

def _dis_from(dp):
    deg = dp[0:1, :] + dp[1:2, :]
    dis = lax.rsqrt(deg + 1.0)
    return jnp.reshape(dis, (BR, 1))

_PREC = lax.Precision.DEFAULT

_row_spec = pl.BlockSpec((BR, D), lambda i: (i, 0))
_dp_spec = pl.BlockSpec((NC, BR), lambda i: (0, i))
_acc_spec = pl.BlockSpec((NC, BR, D), lambda i: (0, i, 0))
_w_spec = pl.BlockSpec((D, D), lambda i: (0, 0))
_b_spec = pl.BlockSpec((1, D), lambda i: (0, 0))


def _tc1a_body(x_ref, w_ref, o_ref):
    o_ref[...] = jnp.dot(x_ref[...], w_ref[...],
                         preferred_element_type=jnp.float32, precision=_PREC)


def _tc1b_body(xw_ref, dp_ref, y_ref):
    y_ref[...] = xw_ref[...] * _dis_from(dp_ref[...])


def _tc2_body(a_ref, y_ref, dp_ref, b_ref, w_ref, o_ref):
    dis = _dis_from(dp_ref[...])
    acc = a_ref[0] + a_ref[1]
    h = jnp.maximum(dis * (acc + y_ref[...]) + b_ref[...], 0.0)
    o_ref[...] = jnp.dot(h, w_ref[...], preferred_element_type=jnp.float32,
                         precision=_PREC) * dis


def _tc3_body(a_ref, y_ref, dp_ref, b_ref, x_ref, wh_ref, wx_ref, bl_ref,
              o_ref):
    dis = _dis_from(dp_ref[...])
    acc = a_ref[0] + a_ref[1]
    h2 = dis * (acc + y_ref[...]) + b_ref[...]
    z = (jnp.dot(h2, wh_ref[...], preferred_element_type=jnp.float32,
                 precision=_PREC)
         + jnp.dot(x_ref[...], wx_ref[...], preferred_element_type=jnp.float32,
                   precision=_PREC)
         + bl_ref[0, 0])
    o_ref[...] = jax.nn.sigmoid(z)


_tc1a = pl.pallas_call(
    _tc1a_body, out_shape=jax.ShapeDtypeStruct((N, D), jnp.float32),
    grid=(GRID,), in_specs=[_row_spec, _w_spec], out_specs=_row_spec)
_tc1b = pl.pallas_call(
    _tc1b_body, out_shape=jax.ShapeDtypeStruct((N, D), jnp.float32),
    grid=(GRID,), in_specs=[_row_spec, _dp_spec], out_specs=_row_spec)
_tc2 = pl.pallas_call(
    _tc2_body, out_shape=jax.ShapeDtypeStruct((N, D), jnp.float32),
    grid=(GRID,), in_specs=[_acc_spec, _row_spec, _dp_spec, _b_spec, _w_spec],
    out_specs=_row_spec)
_tc3 = pl.pallas_call(
    _tc3_body, out_shape=jax.ShapeDtypeStruct((N, 1), jnp.float32),
    grid=(GRID,),
    in_specs=[_acc_spec, _row_spec, _dp_spec, _b_spec, _row_spec,
              pl.BlockSpec((D, 1), lambda i: (0, 0)),
              pl.BlockSpec((D, 1), lambda i: (0, 0)),
              pl.BlockSpec((1, 1), lambda i: (0, 0))],
    out_specs=pl.BlockSpec((BR, 1), lambda i: (i, 0)))

_ZEROS_D = np.zeros((H, D), np.float32)
_NPAD = EP - E
_PAD_SRC = (np.arange(_NPAD, dtype=np.int32) % N)
_PAD_DST = (N + np.arange(_NPAD, dtype=np.int32) % (H - N)).astype(np.int32)


def kernel(feature, edge_index, W1, b1, W2, b2, Wlin, blin):
    with _jax_config.enable_x64(False):
        feature = feature.astype(jnp.float32)
        src = edge_index[0].astype(jnp.int32)
        dst = edge_index[1].astype(jnp.int32)
        src_p = jnp.concatenate(
            [src, jnp.asarray(_PAD_SRC)]).reshape(ROWS, 1, CH)
        dst_p = jnp.concatenate(
            [dst, jnp.asarray(_PAD_DST)]).reshape(ROWS, 1, CH)

        zeros_d = jnp.asarray(_ZEROS_D)

        sc_deg, sc_edge = _build_sc_kernels()
        degp = sc_deg(dst_p)

        xw1 = _tc1a(feature, W1.astype(jnp.float32))
        y1 = _tc1b(xw1, degp)
        a1 = sc_edge(y1, src_p, dst_p, zeros_d)
        y2 = _tc2(a1, y1, degp, b1.reshape(1, D).astype(jnp.float32),
                  W2.astype(jnp.float32))
        a2 = sc_edge(y2, src_p, dst_p, zeros_d)
        wl = Wlin.astype(jnp.float32)
        out = _tc3(a2, y2, degp, b2.reshape(1, D).astype(jnp.float32), feature,
                   wl[:D], wl[D:], blin.reshape(1, 1).astype(jnp.float32))
        res = out[:, 0]
    return res.astype(jnp.float64)

# --- scband reference (transcript-rebuilt; emitter-appended) ---
"""Pipeline reference for scband-gcn-22677427322885 (READ-ONLY COPY).

The authoritative reference and input builder live on the scoring server;
editing this copy changes nothing except your own understanding.
"""

import jax
jax.config.update("jax_enable_x64", True)
import jax.numpy as jnp
import numpy as np

N_NODES = 10000
N_EDGES = 320000
D_IN = 128
D_HID = 128
D_OUT = 128


def gcn_conv(x, edge_index, W, b):
    # PyG-style GCNConv: add self-loops, symmetric normalization, linear transform,
    # gather messages along src, scatter-add into dst, add bias.
    N = x.shape[0]
    loop = jnp.arange(N, dtype=edge_index.dtype)
    src = jnp.concatenate([edge_index[0], loop])
    dst = jnp.concatenate([edge_index[1], loop])
    deg = jnp.zeros((N,), dtype=x.dtype).at[dst].add(jnp.float32(1.0))
    deg_inv_sqrt = jnp.where(deg > 0, jax.lax.rsqrt(jnp.maximum(deg, 1e-12)), 0.0).astype(x.dtype)
    norm = deg_inv_sqrt[src] * deg_inv_sqrt[dst]
    xw = x @ W
    msgs = xw[src] * norm[:, None]
    out = jnp.zeros((N, W.shape[1]), dtype=x.dtype).at[dst].add(msgs)
    return out + b


def setup_inputs(seed: int = 0) -> dict:
    key = jax.random.key(seed)
    ks = jax.random.split(key, 8)
    feature = jax.random.normal(ks[0], (N_NODES, D_IN), dtype=jnp.float32)
    edge_index = jax.random.randint(ks[1], (2, N_EDGES), 0, N_NODES, dtype=jnp.int64)
    s1 = 1.0 / np.sqrt(D_IN)
    s2 = 1.0 / np.sqrt(D_HID)
    s3 = 1.0 / np.sqrt(D_IN + D_OUT)
    W1 = jax.random.normal(ks[2], (D_IN, D_HID), dtype=jnp.float32) * s1
    b1 = jnp.zeros((D_HID,), dtype=jnp.float32)
    W2 = jax.random.normal(ks[3], (D_HID, D_OUT), dtype=jnp.float32) * s2
    b2 = jnp.zeros((D_OUT,), dtype=jnp.float32)
    Wlin = jax.random.normal(ks[4], (D_IN + D_OUT, 1), dtype=jnp.float32) * s3
    blin = jnp.zeros((1,), dtype=jnp.float32)
    return {"feature": feature, "edge_index": edge_index, "W1": W1, "b1": b1,
            "W2": W2, "b2": b2, "Wlin": Wlin, "blin": blin}


def reference(feature, edge_index, W1, b1, W2, b2, Wlin, blin):
    x = gcn_conv(feature, edge_index, W1, b1)
    x = jax.nn.relu(x)
    x = gcn_conv(x, edge_index, W2, b2)
    x = jnp.concatenate([x, feature], axis=-1)
    x = (x @ Wlin + blin).squeeze(-1)
    x = jax.nn.sigmoid(x)
    return x

if __name__ == "__main__":
    import jax
    _d = setup_inputs()
    print(jax.jit(kernel)(*tuple(_d.values())))

</pallas_src>

<mosaic_0001>
#map = affine_map<(d0, d1) -> (0, 0, 0)>
#map1 = affine_map<(d0, d1) -> (0, 0)>
module attributes {stable_mosaic.version = 14 : i64} {
  func.func @sc_deg(%arg0: i32, %arg1: i32, %arg2: memref<2560x1x128xi32, #tpu.memory_space<hbm>>, %arg3: memref<2x10240xf32, #tpu.memory_space<hbm>>, %arg4: memref<80x1x128xi32, #tpu.memory_space<vmem>>, %arg5: memref<10240xf32, #tpu.memory_space<vmem>>, %arg6: memref<16x640xf32, #tpu.memory_space<vmem>>, %arg7: memref<640xf32, #tpu.memory_space<vmem>>, %arg8: memref<16x10240xf32, #tpu.memory_space<vmem_shared>>) attributes {dimension_semantics = [#tpu.dimension_semantics<core_parallel>, #tpu.dimension_semantics<subcore_parallel>], iteration_bounds = array<i64: 2, 16>, scalar_prefetch = 0 : i64, scratch_operands = 5 : i64, tpu.core_type = #tpu.core_type<sc_vector_subcore>, window_params = [{transform_indices = #map}, {transform_indices = #map1}]} {
    %mul3A = arith.constant 16 : i32
    %mul3A_0 = arith.muli %arg0, %mul3A : i32
    %add3A = arith.addi %mul3A_0, %arg1 : i32
    %mul3A_1 = arith.constant 80 : i32
    %mul3A_2 = arith.muli %add3A, %mul3A_1 : i32
    "tpu.region"() ({
      %run_scoped3A = tpu.sem_alloc : memref<!tpu.dma_semaphore, #tpu.memory_space<semaphore_mem>>
      %dma_start3A = arith.constant 0 : i32
      %dma_start3A_24 = arith.constant 0 : i32
      %dma_start3A_25 = tpu.memref_slice %arg2[%mul3A_2, %dma_start3A, %dma_start3A_24] : memref<2560x1x128xi32, #tpu.memory_space<hbm>> -> memref<80x1x128xi32, #tpu.memory_space<hbm>>
      %dma_start3A_26 = arith.constant 0 : i32
      %dma_start3A_27 = arith.constant 0 : i32
      %dma_start3A_28 = tpu.memref_slice %arg2[%mul3A_2, %dma_start3A_26, %dma_start3A_27] : memref<2560x1x128xi32, #tpu.memory_space<hbm>> -> memref<80x1x128xi32, #tpu.memory_space<hbm>>
      tpu.enqueue_dma source(%dma_start3A_28 : memref<80x1x128xi32, #tpu.memory_space<hbm>>) target(%arg4 : memref<80x1x128xi32, #tpu.memory_space<vmem>>) target_semaphore(%run_scoped3A : memref<!tpu.dma_semaphore, #tpu.memory_space<semaphore_mem>>)
      %dma_wait3A = arith.constant 0 : i32
      %dma_wait3A_29 = arith.constant 0 : i32
      %dma_wait3A_30 = tpu.memref_slice %arg2[%mul3A_2, %dma_wait3A, %dma_wait3A_29] : memref<2560x1x128xi32, #tpu.memory_space<hbm>> -> memref<80x1x128xi32, #tpu.memory_space<hbm>>
      %dma_wait3A_31 = arith.constant 0 : i32
      %dma_wait3A_32 = arith.constant 0 : i32
      %dma_wait3A_33 = tpu.memref_slice %arg2[%mul3A_2, %dma_wait3A_31, %dma_wait3A_32] : memref<2560x1x128xi32, #tpu.memory_space<hbm>> -> memref<80x1x128xi32, #tpu.memory_space<hbm>>
      tpu.wait_dma2 semaphore(%run_scoped3A : memref<!tpu.dma_semaphore, #tpu.memory_space<semaphore_mem>>) src(%dma_wait3A_33 : memref<80x1x128xi32, #tpu.memory_space<hbm>>) dst(%arg4 : memref<80x1x128xi32, #tpu.memory_space<vmem>>)
      tpu.yield
    }) : () -> ()
    %broadcast_in_dim3A = arith.constant 0.000000e+00 : f32
    %broadcast_in_dim3A_3 = vector.broadcast %broadcast_in_dim3A : f32 to vector<16xf32>
    %broadcast_in_dim3A_4 = arith.constant 1.000000e+00 : f32
    %broadcast_in_dim3A_5 = vector.broadcast %broadcast_in_dim3A_4 : f32 to vector<16xf32>
    %scan3A = arith.constant 0 : i32
    %scan3A_6 = arith.constant 640 : i32
    %scan3A_7 = arith.addi %scan3A, %scan3A_6 : i32
    %scan3A_8 = arith.constant 1 : i32
    scf.for %scan3A_24 = %scan3A to %scan3A_7 step %scan3A_8  : i32 {
      %mul3A_25 = arith.constant 1 : i32
      %mul3A_26 = arith.muli %scan3A_24, %mul3A_25 : i32
      %add3A_27 = arith.constant 0 : i32
      %add3A_28 = arith.addi %add3A_27, %mul3A_26 : i32
      %mul3A_29 = arith.constant 16 : i32
      %mul3A_30 = arith.muli %add3A_28, %mul3A_29 : i32
      %swap3A = arith.index_cast %mul3A_30 : i32 to index
      %swap3A_31 = tpu.vector_load %arg5[%swap3A] {strides = array<i32>} : memref<10240xf32, #tpu.memory_space<vmem>>, vector<16xf32>,
      tpu.vector_store %arg5[%swap3A], %broadcast_in_dim3A_3 {strides = array<i32>} : memref<10240xf32, #tpu.memory_space<vmem>>, vector<16xf32>,
    }
    %scan3A_9 = arith.constant 640 : i32
    %scan3A_10 = arith.constant 0 : i32
    %scan3A_11 = arith.constant 80 : i32
    %scan3A_12 = arith.addi %scan3A_10, %scan3A_11 : i32
    %scan3A_13 = arith.constant 1 : i32
    scf.for %scan3A_24 = %scan3A_10 to %scan3A_12 step %scan3A_13  : i32 {
      %mul3A_25 = arith.constant 1 : i32
      %mul3A_26 = arith.muli %scan3A_24, %mul3A_25 : i32
      %add3A_27 = arith.constant 0 : i32
      %add3A_28 = arith.addi %add3A_27, %mul3A_26 : i32
      %get3A = arith.constant 0 : i32
      %get3A_29 = arith.index_cast %add3A_28 : i32 to index
      %get3A_30 = arith.index_cast %get3A : i32 to index
      %get3A_31 = arith.constant 0 : index
      %get3A_32 = tpu.vector_load %arg4[%get3A_29, %get3A_30, %get3A_31] {strides = array<i32>} : memref<80x1x128xi32, #tpu.memory_space<vmem>>, vector<16xi32>,
      tpu.vector_store_idx %arg5[%get3A_32], %broadcast_in_dim3A_5 {add = true} : memref<10240xf32, #tpu.memory_space<vmem>>[vector<16xi32>], vector<16xf32>,
      %get3A_33 = arith.constant 0 : i32
      %get3A_34 = arith.index_cast %add3A_28 : i32 to index
      %get3A_35 = arith.index_cast %get3A_33 : i32 to index
      %get3A_36 = arith.constant 16 : index
      %get3A_37 = tpu.vector_load %arg4[%get3A_34, %get3A_35, %get3A_36] {strides = array<i32>} : memref<80x1x128xi32, #tpu.memory_space<vmem>>, vector<16xi32>,
      tpu.vector_store_idx %arg5[%get3A_37], %broadcast_in_dim3A_5 {add = true} : memref<10240xf32, #tpu.memory_space<vmem>>[vector<16xi32>], vector<16xf32>,
      %get3A_38 = arith.constant 0 : i32
      %get3A_39 = arith.index_cast %add3A_28 : i32 to index
      %get3A_40 = arith.index_cast %get3A_38 : i32 to index
      %get3A_41 = arith.constant 32 : index
      %get3A_42 = tpu.vector_load %arg4[%get3A_39, %get3A_40, %get3A_41] {strides = array<i32>} : memref<80x1x128xi32, #tpu.memory_space<vmem>>, vector<16xi32>,
      tpu.vector_store_idx %arg5[%get3A_42], %broadcast_in_dim3A_5 {add = true} : memref<10240xf32, #tpu.memory_space<vmem>>[vector<16xi32>], vector<16xf32>,
      %get3A_43 = arith.constant 0 : i32
      %get3A_44 = arith.index_cast %add3A_28 : i32 to index
      %get3A_45 = arith.index_cast %get3A_43 : i32 to index
      %get3A_46 = arith.constant 48 : index
      %get3A_47 = tpu.vector_load %arg4[%get3A_44, %get3A_45, %get3A_46] {strides = array<i32>} : memref<80x1x128xi32, #tpu.memory_space<vmem>>, vector<16xi32>,
      tpu.vector_store_idx %arg5[%get3A_47], %broadcast_in_dim3A_5 {add = true} : memref<10240xf32, #tpu.memory_space<vmem>>[vector<16xi32>], vector<16xf32>,
      %get3A_48 = arith.constant 0 : i32
      %get3A_49 = arith.index_cast %add3A_28 : i32 to index
      %get3A_50 = arith.index_cast %get3A_48 : i32 to index
      %get3A_51 = arith.constant 64 : index
      %get3A_52 = tpu.vector_load %arg4[%get3A_49, %get3A_50, %get3A_51] {strides = array<i32>} : memref<80x1x128xi32, #tpu.memory_space<vmem>>, vector<16xi32>,
      tpu.vector_store_idx %arg5[%get3A_52], %broadcast_in_dim3A_5 {add = true} : memref<10240xf32, #tpu.memory_space<vmem>>[vector<16xi32>], vector<16xf32>,
      %get3A_53 = arith.constant 0 : i32
      %get3A_54 = arith.index_cast %add3A_28 : i32 to index
      %get3A_55 = arith.index_cast %get3A_53 : i32 to index
      %get3A_56 = arith.constant 80 : index
      %get3A_57 = tpu.vector_load %arg4[%get3A_54, %get3A_55, %get3A_56] {strides = array<i32>} : memref<80x1x128xi32, #tpu.memory_space<vmem>>, vector<16xi32>,
      tpu.vector_store_idx %arg5[%get3A_57], %broadcast_in_dim3A_5 {add = true} : memref<10240xf32, #tpu.memory_space<vmem>>[vector<16xi32>], vector<16xf32>,
      %get3A_58 = arith.constant 0 : i32
      %get3A_59 = arith.index_cast %add3A_28 : i32 to index
      %get3A_60 = arith.index_cast %get3A_58 : i32 to index
      %get3A_61 = arith.constant 96 : index
      %get3A_62 = tpu.vector_load %arg4[%get3A_59, %get3A_60, %get3A_61] {strides = array<i32>} : memref<80x1x128xi32, #tpu.memory_space<vmem>>, vector<16xi32>,
      tpu.vector_store_idx %arg5[%get3A_62], %broadcast_in_dim3A_5 {add = true} : memref<10240xf32, #tpu.memory_space<vmem>>[vector<16xi32>], vector<16xf32>,
      %get3A_63 = arith.constant 0 : i32
      %get3A_64 = arith.index_cast %add3A_28 : i32 to index
      %get3A_65 = arith.index_cast %get3A_63 : i32 to index
      %get3A_66 = arith.constant 112 : index
      %get3A_67 = tpu.vector_load %arg4[%get3A_64, %get3A_65, %get3A_66] {strides = array<i32>} : memref<80x1x128xi32, #tpu.memory_space<vmem>>, vector<16xi32>,
      tpu.vector_store_idx %arg5[%get3A_67], %broadcast_in_dim3A_5 {add = true} : memref<10240xf32, #tpu.memory_space<vmem>>[vector<16xi32>], vector<16xf32>,
    }
    %scan3A_14 = arith.constant 80 : i32
    "tpu.region"() ({
      %run_scoped3A = tpu.sem_alloc : memref<!tpu.dma_semaphore, #tpu.memory_space<semaphore_mem>>
      %dma_start3A = arith.constant 0 : i32
      %dma_start3A_24 = tpu.memref_slice %arg8[%arg1, %dma_start3A] : memref<16x10240xf32, #tpu.memory_space<vmem_shared>> -> memref<1x10240xf32, #tpu.memory_space<vmem_shared>>
      %dma_start3A_25 = tpu.memref_squeeze %dma_start3A_24 : memref<1x10240xf32, #tpu.memory_space<vmem_shared>> -> memref<10240xf32, #tpu.memory_space<vmem_shared>>
      %dma_start3A_26 = arith.constant 0 : i32
      %dma_start3A_27 = tpu.memref_slice %arg8[%arg1, %dma_start3A_26] : memref<16x10240xf32, #tpu.memory_space<vmem_shared>> -> memref<1x10240xf32, #tpu.memory_space<vmem_shared>>
      %dma_start3A_28 = tpu.memref_squeeze %dma_start3A_27 : memref<1x10240xf32, #tpu.memory_space<vmem_shared>> -> memref<10240xf32, #tpu.memory_space<vmem_shared>>
      tpu.enqueue_dma source(%arg5 : memref<10240xf32, #tpu.memory_space<vmem>>) target(%dma_start3A_28 : memref<10240xf32, #tpu.memory_space<vmem_shared>>) target_semaphore(%run_scoped3A : memref<!tpu.dma_semaphore, #tpu.memory_space<semaphore_mem>>)
      %dma_wait3A = arith.constant 0 : i32
      %dma_wait3A_29 = tpu.memref_slice %arg8[%arg1, %dma_wait3A] : memref<16x10240xf32, #tpu.memory_space<vmem_shared>> -> memref<1x10240xf32, #tpu.memory_space<vmem_shared>>
      %dma_wait3A_30 = tpu.memref_squeeze %dma_wait3A_29 : memref<1x10240xf32, #tpu.memory_space<vmem_shared>> -> memref<10240xf32, #tpu.memory_space<vmem_shared>>
      %dma_wait3A_31 = arith.constant 0 : i32
      %dma_wait3A_32 = tpu.memref_slice %arg8[%arg1, %dma_wait3A_31] : memref<16x10240xf32, #tpu.memory_space<vmem_shared>> -> memref<1x10240xf32, #tpu.memory_space<vmem_shared>>
      %dma_wait3A_33 = tpu.memref_squeeze %dma_wait3A_32 : memref<1x10240xf32, #tpu.memory_space<vmem_shared>> -> memref<10240xf32, #tpu.memory_space<vmem_shared>>
      tpu.wait_dma2 semaphore(%run_scoped3A : memref<!tpu.dma_semaphore, #tpu.memory_space<semaphore_mem>>) src(%arg5 : memref<10240xf32, #tpu.memory_space<vmem>>) dst(%dma_wait3A_33 : memref<10240xf32, #tpu.memory_space<vmem_shared>>)
      tpu.yield
    }) : () -> ()
    %barrier3A = arith.constant 0 : index
    tpu.barrier barrier_id(%barrier3A)
    %mul3A_15 = arith.constant 640 : i32
    %mul3A_16 = arith.muli %arg1, %mul3A_15 : i32
    "tpu.region"() ({
      %run_scoped3A = tpu.sem_alloc : memref<!tpu.dma_semaphore, #tpu.memory_space<semaphore_mem>>
      %dma_start3A = arith.constant 0 : i32
      %dma_start3A_24 = tpu.memref_slice %arg8[%dma_start3A, %mul3A_16] : memref<16x10240xf32, #tpu.memory_space<vmem_shared>> -> memref<16x640xf32, #tpu.memory_space<vmem_shared>>
      %dma_start3A_25 = arith.constant 0 : i32
      %dma_start3A_26 = tpu.memref_slice %arg8[%dma_start3A_25, %mul3A_16] : memref<16x10240xf32, #tpu.memory_space<vmem_shared>> -> memref<16x640xf32, #tpu.memory_space<vmem_shared>>
      tpu.enqueue_dma source(%dma_start3A_26 : memref<16x640xf32, #tpu.memory_space<vmem_shared>>) target(%arg6 : memref<16x640xf32, #tpu.memory_space<vmem>>) target_semaphore(%run_scoped3A : memref<!tpu.dma_semaphore, #tpu.memory_space<semaphore_mem>>)
      %dma_wait3A = arith.constant 0 : i32
      %dma_wait3A_27 = tpu.memref_slice %arg8[%dma_wait3A, %mul3A_16] : memref<16x10240xf32, #tpu.memory_space<vmem_shared>> -> memref<16x640xf32, #tpu.memory_space<vmem_shared>>
      %dma_wait3A_28 = arith.constant 0 : i32
      %dma_wait3A_29 = tpu.memref_slice %arg8[%dma_wait3A_28, %mul3A_16] : memref<16x10240xf32, #tpu.memory_space<vmem_shared>> -> memref<16x640xf32, #tpu.memory_space<vmem_shared>>
      tpu.wait_dma2 semaphore(%run_scoped3A : memref<!tpu.dma_semaphore, #tpu.memory_space<semaphore_mem>>) src(%dma_wait3A_29 : memref<16x640xf32, #tpu.memory_space<vmem_shared>>) dst(%arg6 : memref<16x640xf32, #tpu.memory_space<vmem>>)
      tpu.yield
    }) : () -> ()
    %scan3A_17 = arith.constant 0 : i32
    %scan3A_18 = arith.constant 40 : i32
    %scan3A_19 = arith.addi %scan3A_17, %scan3A_18 : i32
    %scan3A_20 = arith.constant 1 : i32
    scf.for %scan3A_24 = %scan3A_17 to %scan3A_19 step %scan3A_20  : i32 {
      %mul3A_25 = arith.constant 1 : i32
      %mul3A_26 = arith.muli %scan3A_24, %mul3A_25 : i32
      %add3A_27 = arith.constant 0 : i32
      %add3A_28 = arith.addi %add3A_27, %mul3A_26 : i32
      %mul3A_29 = arith.constant 16 : i32
      %mul3A_30 = arith.muli %add3A_28, %mul3A_29 : i32
      %get3A = arith.constant 0 : i32
      %get3A_31 = arith.index_cast %get3A : i32 to index
      %get3A_32 = arith.index_cast %mul3A_30 : i32 to index
      %get3A_33 = tpu.vector_load %arg6[%get3A_31, %get3A_32] {strides = array<i32>} : memref<16x640xf32, #tpu.memory_space<vmem>>, vector<16xf32>,
      %get3A_34 = arith.constant 1 : i32
      %get3A_35 = arith.index_cast %get3A_34 : i32 to index
      %get3A_36 = arith.index_cast %mul3A_30 : i32 to index
      %get3A_37 = tpu.vector_load %arg6[%get3A_35, %get3A_36] {strides = array<i32>} : memref<16x640xf32, #tpu.memory_space<vmem>>, vector<16xf32>,
      %add3A_38 = arith.addf %get3A_33, %get3A_37 : vector<16xf32>
      %get3A_39 = arith.constant 2 : i32
      %get3A_40 = arith.index_cast %get3A_39 : i32 to index
      %get3A_41 = arith.index_cast %mul3A_30 : i32 to index
      %get3A_42 = tpu.vector_load %arg6[%get3A_40, %get3A_41] {strides = array<i32>} : memref<16x640xf32, #tpu.memory_space<vmem>>, vector<16xf32>,
      %add3A_43 = arith.addf %add3A_38, %get3A_42 : vector<16xf32>
      %get3A_44 = arith.constant 3 : i32
      %get3A_45 = arith.index_cast %get3A_44 : i32 to index
      %get3A_46 = arith.index_cast %mul3A_30 : i32 to index
      %get3A_47 = tpu.vector_load %arg6[%get3A_45, %get3A_46] {strides = array<i32>} : memref<16x640xf32, #tpu.memory_space<vmem>>, vector<16xf32>,
      %add3A_48 = arith.addf %add3A_43, %get3A_47 : vector<16xf32>
      %get3A_49 = arith.constant 4 : i32
      %get3A_50 = arith.index_cast %get3A_49 : i32 to index
      %get3A_51 = arith.index_cast %mul3A_30 : i32 to index
      %get3A_52 = tpu.vector_load %arg6[%get3A_50, %get3A_51] {strides = array<i32>} : memref<16x640xf32, #tpu.memory_space<vmem>>, vector<16xf32>,
      %add3A_53 = arith.addf %add3A_48, %get3A_52 : vector<16xf32>
      %get3A_54 = arith.constant 5 : i32
      %get3A_55 = arith.index_cast %get3A_54 : i32 to index
      %get3A_56 = arith.index_cast %mul3A_30 : i32 to index
      %get3A_57 = tpu.vector_load %arg6[%get3A_55, %get3A_56] {strides = array<i32>} : memref<16x640xf32, #tpu.memory_space<vmem>>, vector<16xf32>,
      %add3A_58 = arith.addf %add3A_53, %get3A_57 : vector<16xf32>
      %get3A_59 = arith.constant 6 : i32
      %get3A_60 = arith.index_cast %get3A_59 : i32 to index
      %get3A_61 = arith.index_cast %mul3A_30 : i32 to index
      %get3A_62 = tpu.vector_load %arg6[%get3A_60, %get3A_61] {strides = array<i32>} : memref<16x640xf32, #tpu.memory_space<vmem>>, vector<16xf32>,
      %add3A_63 = arith.addf %add3A_58, %get3A_62 : vector<16xf32>
      %get3A_64 = arith.constant 7 : i32
      %get3A_65 = arith.index_cast %get3A_64 : i32 to index
      %get3A_66 = arith.index_cast %mul3A_30 : i32 to index
      %get3A_67 = tpu.vector_load %arg6[%get3A_65, %get3A_66] {strides = array<i32>} : memref<16x640xf32, #tpu.memory_space<vmem>>, vector<16xf32>,
      %add3A_68 = arith.addf %add3A_63, %get3A_67 : vector<16xf32>
      %get3A_69 = arith.constant 8 : i32
      %get3A_70 = arith.index_cast %get3A_69 : i32 to index
      %get3A_71 = arith.index_cast %mul3A_30 : i32 to index
      %get3A_72 = tpu.vector_load %arg6[%get3A_70, %get3A_71] {strides = array<i32>} : memref<16x640xf32, #tpu.memory_space<vmem>>, vector<16xf32>,
      %add3A_73 = arith.addf %add3A_68, %get3A_72 : vector<16xf32>
      %get3A_74 = arith.constant 9 : i32
      %get3A_75 = arith.index_cast %get3A_74 : i32 to index
      %get3A_76 = arith.index_cast %mul3A_30 : i32 to index
      %get3A_77 = tpu.vector_load %arg6[%get3A_75, %get3A_76] {strides = array<i32>} : memref<16x640xf32, #tpu.memory_space<vmem>>, vector<16xf32>,
      %add3A_78 = arith.addf %add3A_73, %get3A_77 : vector<16xf32>
      %get3A_79 = arith.constant 10 : i32
      %get3A_80 = arith.index_cast %get3A_79 : i32 to index
      %get3A_81 = arith.index_cast %mul3A_30 : i32 to index
      %get3A_82 = tpu.vector_load %arg6[%get3A_80, %get3A_81] {strides = array<i32>} : memref<16x640xf32, #tpu.memory_space<vmem>>, vector<16xf32>,
      %add3A_83 = arith.addf %add3A_78, %get3A_82 : vector<16xf32>
      %get3A_84 = arith.constant 11 : i32
      %get3A_85 = arith.index_cast %get3A_84 : i32 to index
      %get3A_86 = arith.index_cast %mul3A_30 : i32 to index
      %get3A_87 = tpu.vector_load %arg6[%get3A_85, %get3A_86] {strides = array<i32>} : memref<16x640xf32, #tpu.memory_space<vmem>>, vector<16xf32>,
      %add3A_88 = arith.addf %add3A_83, %get3A_87 : vector<16xf32>
      %get3A_89 = arith.constant 12 : i32
      %get3A_90 = arith.index_cast %get3A_89 : i32 to index
      %get3A_91 = arith.index_cast %mul3A_30 : i32 to index
      %get3A_92 = tpu.vector_load %arg6[%get3A_90, %get3A_91] {strides = array<i32>} : memref<16x640xf32, #tpu.memory_space<vmem>>, vector<16xf32>,
      %add3A_93 = arith.addf %add3A_88, %get3A_92 : vector<16xf32>
      %get3A_94 = arith.constant 13 : i32
      %get3A_95 = arith.index_cast %get3A_94 : i32 to index
      %get3A_96 = arith.index_cast %mul3A_30 : i32 to index
      %get3A_97 = tpu.vector_load %arg6[%get3A_95, %get3A_96] {strides = array<i32>} : memref<16x640xf32, #tpu.memory_space<vmem>>, vector<16xf32>,
      %add3A_98 = arith.addf %add3A_93, %get3A_97 : vector<16xf32>
      %get3A_99 = arith.constant 14 : i32
      %get3A_100 = arith.index_cast %get3A_99 : i32 to index
      %get3A_101 = arith.index_cast %mul3A_30 : i32 to index
      %get3A_102 = tpu.vector_load %arg6[%get3A_100, %get3A_101] {strides = array<i32>} : memref<16x640xf32, #tpu.memory_space<vmem>>, vector<16xf32>,
      %add3A_103 = arith.addf %add3A_98, %get3A_102 : vector<16xf32>
      %get3A_104 = arith.constant 15 : i32
      %get3A_105 = arith.index_cast %get3A_104 : i32 to index
      %get3A_106 = arith.index_cast %mul3A_30 : i32 to index
      %get3A_107 = tpu.vector_load %arg6[%get3A_105, %get3A_106] {strides = array<i32>} : memref<16x640xf32, #tpu.memory_space<vmem>>, vector<16xf32>,
      %add3A_108 = arith.addf %add3A_103, %get3A_107 : vector<16xf32>
      %swap3A = arith.index_cast %mul3A_30 : i32 to index
      %swap3A_109 = tpu.vector_load %arg7[%swap3A] {strides = array<i32>} : memref<640xf32, #tpu.memory_space<vmem>>, vector<16xf32>,
      tpu.vector_store %arg7[%swap3A], %add3A_108 {strides = array<i32>} : memref<640xf32, #tpu.memory_space<vmem>>, vector<16xf32>,
    }
    %scan3A_21 = arith.constant 40 : i32
    %mul3A_22 = arith.constant 640 : i32
    %mul3A_23 = arith.muli %arg1, %mul3A_22 : i32
    "tpu.region"() ({
      %run_scoped3A = tpu.sem_alloc : memref<!tpu.dma_semaphore, #tpu.memory_space<semaphore_mem>>
      %dma_start3A = tpu.memref_slice %arg3[%arg0, %mul3A_23] : memref<2x10240xf32, #tpu.memory_space<hbm>> -> memref<1x640xf32, #tpu.memory_space<hbm>>
      %dma_start3A_24 = tpu.memref_squeeze %dma_start3A : memref<1x640xf32, #tpu.memory_space<hbm>> -> memref<640xf32, #tpu.memory_space<hbm>>
      %dma_start3A_25 = tpu.memref_slice %arg3[%arg0, %mul3A_23] : memref<2x10240xf32, #tpu.memory_space<hbm>> -> memref<1x640xf32, #tpu.memory_space<hbm>>
      %dma_start3A_26 = tpu.memref_squeeze %dma_start3A_25 : memref<1x640xf32, #tpu.memory_space<hbm>> -> memref<640xf32, #tpu.memory_space<hbm>>
      tpu.enqueue_dma source(%arg7 : memref<640xf32, #tpu.memory_space<vmem>>) target(%dma_start3A_26 : memref<640xf32, #tpu.memory_space<hbm>>) target_semaphore(%run_scoped3A : memref<!tpu.dma_semaphore, #tpu.memory_space<semaphore_mem>>)
      %dma_wait3A = tpu.memref_slice %arg3[%arg0, %mul3A_23] : memref<2x10240xf32, #tpu.memory_space<hbm>> -> memref<1x640xf32, #tpu.memory_space<hbm>>
      %dma_wait3A_27 = tpu.memref_squeeze %dma_wait3A : memref<1x640xf32, #tpu.memory_space<hbm>> -> memref<640xf32, #tpu.memory_space<hbm>>
      %dma_wait3A_28 = tpu.memref_slice %arg3[%arg0, %mul3A_23] : memref<2x10240xf32, #tpu.memory_space<hbm>> -> memref<1x640xf32, #tpu.memory_space<hbm>>
      %dma_wait3A_29 = tpu.memref_squeeze %dma_wait3A_28 : memref<1x640xf32, #tpu.memory_space<hbm>> -> memref<640xf32, #tpu.memory_space<hbm>>
      tpu.wait_dma2 semaphore(%run_scoped3A : memref<!tpu.dma_semaphore, #tpu.memory_space<semaphore_mem>>) src(%arg7 : memref<640xf32, #tpu.memory_space<vmem>>) dst(%dma_wait3A_29 : memref<640xf32, #tpu.memory_space<hbm>>)
      tpu.yield
    }) : () -> ()
    return
  }
}

#map = affine_map<(d0, d1) -> (0, 0)>
#map1 = affine_map<(d0, d1) -> (0, 0, 0)>
module attributes {stable_mosaic.version = 14 : i64} {
  func.func @sc_edge(%arg0: i32, %arg1: i32, %arg2: memref<10000x128xf32, #tpu.memory_space<hbm>>, %arg3: memref<2560x1x128xi32, #tpu.memory_space<hbm>>, %arg4: memref<2560x1x128xi32, #tpu.memory_space<hbm>>, %arg5: memref<10240x128xf32, #tpu.memory_space<hbm>>, %arg6: memref<2x10240x128xf32, #tpu.memory_space<hbm>>, %arg7: memref<40x1x128xi32, #tpu.memory_space<vmem>>, %arg8: memref<40x1x128xi32, #tpu.memory_space<vmem>>, %arg9: memref<128x128xf32, #tpu.memory_space<vmem>>, %arg10: memref<128x128xf32, #tpu.memory_space<vmem>>, %arg11: memref<10240x128xf32, #tpu.memory_space<vmem_shared>>, %arg12: memref<!tpu.dma_semaphore, #tpu.memory_space<semaphore_mem>>, %arg13: memref<!tpu.dma_semaphore, #tpu.memory_space<semaphore_mem>>, %arg14: memref<!tpu.dma_semaphore, #tpu.memory_space<semaphore_mem>>) attributes {dimension_semantics = [#tpu.dimension_semantics<core_parallel>, #tpu.dimension_semantics<subcore_parallel>], iteration_bounds = array<i64: 2, 16>, scalar_prefetch = 0 : i64, scratch_operands = 8 : i64, tpu.core_type = #tpu.core_type<sc_vector_subcore>, window_params = [{transform_indices = #map}, {transform_indices = #map1}, {transform_indices = #map1}, {transform_indices = #map}, {transform_indices = #map1}]} {
    %mul3A = arith.constant 16 : i32
    %mul3A_0 = arith.muli %arg0, %mul3A : i32
    %add3A = arith.addi %mul3A_0, %arg1 : i32
    %mul3A_1 = arith.constant 80 : i32
    %mul3A_2 = arith.muli %add3A, %mul3A_1 : i32
    %mul3A_3 = arith.constant 640 : i32
    %mul3A_4 = arith.muli %arg1, %mul3A_3 : i32
    %dma_start3A = arith.constant 0 : i32
    %dma_start3A_5 = tpu.memref_slice %arg11[%mul3A_4, %dma_start3A] : memref<10240x128xf32, #tpu.memory_space<vmem_shared>> -> memref<640x128xf32, #tpu.memory_space<vmem_shared>>
    %dma_start3A_6 = arith.constant 0 : i32
    %dma_start3A_7 = tpu.memref_slice %arg5[%mul3A_4, %dma_start3A_6] : memref<10240x128xf32, #tpu.memory_space<hbm>> -> memref<640x128xf32, #tpu.memory_space<hbm>>
    tpu.enqueue_dma source(%dma_start3A_7 : memref<640x128xf32, #tpu.memory_space<hbm>>) target(%dma_start3A_5 : memref<640x128xf32, #tpu.memory_space<vmem_shared>>) target_semaphore(%arg14 : memref<!tpu.dma_semaphore, #tpu.memory_space<semaphore_mem>>)
    %add3A_8 = arith.constant 0 : i32
    %add3A_9 = arith.addi %mul3A_2, %add3A_8 : i32
    "tpu.region"() ({
      %run_scoped3A_96 = tpu.sem_alloc : memref<!tpu.dma_semaphore, #tpu.memory_space<semaphore_mem>>
      %dma_start3A_97 = arith.constant 0 : i32
      %dma_start3A_98 = arith.constant 0 : i32
      %dma_start3A_99 = tpu.memref_slice %arg3[%add3A_9, %dma_start3A_97, %dma_start3A_98] : memref<2560x1x128xi32, #tpu.memory_space<hbm>> -> memref<40x1x128xi32, #tpu.memory_space<hbm>>
      %dma_start3A_100 = arith.constant 0 : i32
      %dma_start3A_101 = arith.constant 0 : i32
      %dma_start3A_102 = tpu.memref_slice %arg3[%add3A_9, %dma_start3A_100, %dma_start3A_101] : memref<2560x1x128xi32, #tpu.memory_space<hbm>> -> memref<40x1x128xi32, #tpu.memory_space<hbm>>
      tpu.enqueue_dma source(%dma_start3A_102 : memref<40x1x128xi32, #tpu.memory_space<hbm>>) target(%arg7 : memref<40x1x128xi32, #tpu.memory_space<vmem>>) target_semaphore(%run_scoped3A_96 : memref<!tpu.dma_semaphore, #tpu.memory_space<semaphore_mem>>)
      %dma_wait3A_103 = arith.constant 0 : i32
      %dma_wait3A_104 = arith.constant 0 : i32
      %dma_wait3A_105 = tpu.memref_slice %arg3[%add3A_9, %dma_wait3A_103, %dma_wait3A_104] : memref<2560x1x128xi32, #tpu.memory_space<hbm>> -> memref<40x1x128xi32, #tpu.memory_space<hbm>>
      %dma_wait3A_106 = arith.constant 0 : i32
      %dma_wait3A_107 = arith.constant 0 : i32
      %dma_wait3A_108 = tpu.memref_slice %arg3[%add3A_9, %dma_wait3A_106, %dma_wait3A_107] : memref<2560x1x128xi32, #tpu.memory_space<hbm>> -> memref<40x1x128xi32, #tpu.memory_space<hbm>>
      tpu.wait_dma2 semaphore(%run_scoped3A_96 : memref<!tpu.dma_semaphore, #tpu.memory_space<semaphore_mem>>) src(%dma_wait3A_108 : memref<40x1x128xi32, #tpu.memory_space<hbm>>) dst(%arg7 : memref<40x1x128xi32, #tpu.memory_space<vmem>>)
      tpu.yield
    }) : () -> ()
    "tpu.region"() ({
      %run_scoped3A_96 = tpu.sem_alloc : memref<!tpu.dma_semaphore, #tpu.memory_space<semaphore_mem>>
      %dma_start3A_97 = arith.constant 0 : i32
      %dma_start3A_98 = arith.constant 0 : i32
      %dma_start3A_99 = tpu.memref_slice %arg4[%add3A_9, %dma_start3A_97, %dma_start3A_98] : memref<2560x1x128xi32, #tpu.memory_space<hbm>> -> memref<40x1x128xi32, #tpu.memory_space<hbm>>
      %dma_start3A_100 = arith.constant 0 : i32
      %dma_start3A_101 = arith.constant 0 : i32
      %dma_start3A_102 = tpu.memref_slice %arg4[%add3A_9, %dma_start3A_100, %dma_start3A_101] : memref<2560x1x128xi32, #tpu.memory_space<hbm>> -> memref<40x1x128xi32, #tpu.memory_space<hbm>>
      tpu.enqueue_dma source(%dma_start3A_102 : memref<40x1x128xi32, #tpu.memory_space<hbm>>) target(%arg8 : memref<40x1x128xi32, #tpu.memory_space<vmem>>) target_semaphore(%run_scoped3A_96 : memref<!tpu.dma_semaphore, #tpu.memory_space<semaphore_mem>>)
      %dma_wait3A_103 = arith.constant 0 : i32
      %dma_wait3A_104 = arith.constant 0 : i32
      %dma_wait3A_105 = tpu.memref_slice %arg4[%add3A_9, %dma_wait3A_103, %dma_wait3A_104] : memref<2560x1x128xi32, #tpu.memory_space<hbm>> -> memref<40x1x128xi32, #tpu.memory_space<hbm>>
      %dma_wait3A_106 = arith.constant 0 : i32
      %dma_wait3A_107 = arith.constant 0 : i32
      %dma_wait3A_108 = tpu.memref_slice %arg4[%add3A_9, %dma_wait3A_106, %dma_wait3A_107] : memref<2560x1x128xi32, #tpu.memory_space<hbm>> -> memref<40x1x128xi32, #tpu.memory_space<hbm>>
      tpu.wait_dma2 semaphore(%run_scoped3A_96 : memref<!tpu.dma_semaphore, #tpu.memory_space<semaphore_mem>>) src(%dma_wait3A_108 : memref<40x1x128xi32, #tpu.memory_space<hbm>>) dst(%arg8 : memref<40x1x128xi32, #tpu.memory_space<vmem>>)
      tpu.yield
    }) : () -> ()
    %dma_start3A_10 = arith.constant 0 : i32
    %dma_start3A_11 = arith.constant 0 : i32
    %dma_start3A_12 = arith.constant 0 : i32
    %dma_start3A_13 = tpu.memref_slice %arg7[%dma_start3A_10, %dma_start3A_11, %dma_start3A_12] : memref<40x1x128xi32, #tpu.memory_space<vmem>> -> memref<1x1x128xi32, #tpu.memory_space<vmem>>
    %dma_start3A_14 = tpu.memref_squeeze %dma_start3A_13 : memref<1x1x128xi32, #tpu.memory_space<vmem>> -> memref<128xi32, #tpu.memory_space<vmem>>
    %dma_start3A_15 = arith.constant 0 : i32
    %dma_start3A_16 = arith.constant 0 : i32
    %dma_start3A_17 = tpu.memref_slice %arg2[%dma_start3A_15, %dma_start3A_16] : memref<10000x128xf32, #tpu.memory_space<hbm>> -> memref<10000x128xf32, #tpu.memory_space<hbm>>
    tpu.enqueue_indirect_dma source(%dma_start3A_17 : memref<10000x128xf32, #tpu.memory_space<hbm>>) target(%arg9 : memref<128x128xf32, #tpu.memory_space<vmem>>) offsets(%dma_start3A_14 : memref<128xi32, #tpu.memory_space<vmem>>) semaphore(%arg12 : memref<!tpu.dma_semaphore, #tpu.memory_space<semaphore_mem>>)
    %dma_wait3A = arith.constant 0 : i32
    %dma_wait3A_18 = tpu.memref_slice %arg11[%mul3A_4, %dma_wait3A] : memref<10240x128xf32, #tpu.memory_space<vmem_shared>> -> memref<640x128xf32, #tpu.memory_space<vmem_shared>>
    %dma_wait3A_19 = arith.constant 0 : i32
    %dma_wait3A_20 = tpu.memref_slice %arg5[%mul3A_4, %dma_wait3A_19] : memref<10240x128xf32, #tpu.memory_space<hbm>> -> memref<640x128xf32, #tpu.memory_space<hbm>>
    tpu.wait_dma2 semaphore(%arg14 : memref<!tpu.dma_semaphore, #tpu.memory_space<semaphore_mem>>) src(%dma_wait3A_20 : memref<640x128xf32, #tpu.memory_space<hbm>>) dst(%dma_wait3A_18 : memref<640x128xf32, #tpu.memory_space<vmem_shared>>)
    %barrier3A = arith.constant 0 : index
    tpu.barrier barrier_id(%barrier3A)
    %scan3A = arith.constant 0 : i32
    %scan3A_21 = arith.constant 19 : i32
    %scan3A_22 = arith.addi %scan3A, %scan3A_21 : i32
    %scan3A_23 = arith.constant 1 : i32
    scf.for %scan3A_96 = %scan3A to %scan3A_22 step %scan3A_23  : i32 {
      %mul3A_97 = arith.constant 1 : i32
      %mul3A_98 = arith.muli %scan3A_96, %mul3A_97 : i32
      %add3A_99 = arith.constant 0 : i32
      %add3A_100 = arith.addi %add3A_99, %mul3A_98 : i32
      %mul3A_101 = arith.constant 2 : i32
      %mul3A_102 = arith.muli %add3A_100, %mul3A_101 : i32
      %add3A_103 = arith.constant 1 : i32
      %add3A_104 = arith.addi %mul3A_102, %add3A_103 : i32
      %dma_start3A_105 = arith.constant 0 : i32
      %dma_start3A_106 = arith.constant 0 : i32
      %dma_start3A_107 = tpu.memref_slice %arg7[%add3A_104, %dma_start3A_105, %dma_start3A_106] : memref<40x1x128xi32, #tpu.memory_space<vmem>> -> memref<1x1x128xi32, #tpu.memory_space<vmem>>
      %dma_start3A_108 = tpu.memref_squeeze %dma_start3A_107 : memref<1x1x128xi32, #tpu.memory_space<vmem>> -> memref<128xi32, #tpu.memory_space<vmem>>
      %dma_start3A_109 = arith.constant 0 : i32
      %dma_start3A_110 = arith.constant 0 : i32
      %dma_start3A_111 = tpu.memref_slice %arg2[%dma_start3A_109, %dma_start3A_110] : memref<10000x128xf32, #tpu.memory_space<hbm>> -> memref<10000x128xf32, #tpu.memory_space<hbm>>
      tpu.enqueue_indirect_dma source(%dma_start3A_111 : memref<10000x128xf32, #tpu.memory_space<hbm>>) target(%arg10 : memref<128x128xf32, #tpu.memory_space<vmem>>) offsets(%dma_start3A_108 : memref<128xi32, #tpu.memory_space<vmem>>) semaphore(%arg13 : memref<!tpu.dma_semaphore, #tpu.memory_space<semaphore_mem>>)
      %dma_wait3A_112 = arith.constant 0 : i32
      %dma_wait3A_113 = arith.constant 0 : i32
      %dma_wait3A_114 = tpu.memref_slice %arg7[%mul3A_102, %dma_wait3A_112, %dma_wait3A_113] : memref<40x1x128xi32, #tpu.memory_space<vmem>> -> memref<1x1x128xi32, #tpu.memory_space<vmem>>
      %dma_wait3A_115 = tpu.memref_squeeze %dma_wait3A_114 : memref<1x1x128xi32, #tpu.memory_space<vmem>> -> memref<128xi32, #tpu.memory_space<vmem>>
      %dma_wait3A_116 = arith.constant 0 : i32
      %dma_wait3A_117 = arith.constant 0 : i32
      %dma_wait3A_118 = tpu.memref_slice %arg2[%dma_wait3A_116, %dma_wait3A_117] : memref<10000x128xf32, #tpu.memory_space<hbm>> -> memref<10000x128xf32, #tpu.memory_space<hbm>>
      tpu.wait_indirect_dma semaphore(%arg12 : memref<!tpu.dma_semaphore, #tpu.memory_space<semaphore_mem>>) src(%dma_wait3A_118 : memref<10000x128xf32, #tpu.memory_space<hbm>>) dst(%arg9 : memref<128x128xf32, #tpu.memory_space<vmem>>)
      %run_scoped3A_119 = arith.constant 0 : i32
      "tpu.region"() ({
        %run_scoped3A_137 = tpu.sem_alloc : memref<!tpu.dma_semaphore, #tpu.memory_space<semaphore_mem>>
        %dma_start3A_138 = arith.constant 0 : i32
        %dma_start3A_139 = tpu.memref_slice %arg8[%mul3A_102, %run_scoped3A_119, %dma_start3A_138] : memref<40x1x128xi32, #tpu.memory_space<vmem>> -> memref<1x1x128xi32, #tpu.memory_space<vmem>>
        %dma_start3A_140 = tpu.memref_squeeze %dma_start3A_139 : memref<1x1x128xi32, #tpu.memory_space<vmem>> -> memref<128xi32, #tpu.memory_space<vmem>>
        %dma_start3A_141 = arith.constant 0 : i32
        %dma_start3A_142 = arith.constant 0 : i32
        %dma_start3A_143 = tpu.memref_slice %arg11[%dma_start3A_141, %dma_start3A_142] : memref<10240x128xf32, #tpu.memory_space<vmem_shared>> -> memref<10240x128xf32, #tpu.memory_space<vmem_shared>>
        tpu.enqueue_indirect_dma source(%arg9 : memref<128x128xf32, #tpu.memory_space<vmem>>) target(%dma_start3A_143 : memref<10240x128xf32, #tpu.memory_space<vmem_shared>>) offsets(%dma_start3A_140 : memref<128xi32, #tpu.memory_space<vmem>>) semaphore(%run_scoped3A_137 : memref<!tpu.dma_semaphore, #tpu.memory_space<semaphore_mem>>) {add = true}
        %dma_wait3A_144 = arith.constant 0 : i32
        %dma_wait3A_145 = tpu.memref_slice %arg8[%mul3A_102, %run_scoped3A_119, %dma_wait3A_144] : memref<40x1x128xi32, #tpu.memory_space<vmem>> -> memref<1x1x128xi32, #tpu.memory_space<vmem>>
        %dma_wait3A_146 = tpu.memref_squeeze %dma_wait3A_145 : memref<1x1x128xi32, #tpu.memory_space<vmem>> -> memref<128xi32, #tpu.memory_space<vmem>>
        %dma_wait3A_147 = arith.constant 0 : i32
        %dma_wait3A_148 = arith.constant 0 : i32
        %dma_wait3A_149 = tpu.memref_slice %arg11[%dma_wait3A_147, %dma_wait3A_148] : memref<10240x128xf32, #tpu.memory_space<vmem_shared>> -> memref<10240x128xf32, #tpu.memory_space<vmem_shared>>
        tpu.wait_indirect_dma semaphore(%run_scoped3A_137 : memref<!tpu.dma_semaphore, #tpu.memory_space<semaphore_mem>>) src(%arg9 : memref<128x128xf32, #tpu.memory_space<vmem>>) dst(%dma_wait3A_149 : memref<10240x128xf32, #tpu.memory_space<vmem_shared>>)
        tpu.yield
      }) : () -> ()
      %add3A_120 = arith.constant 2 : i32
      %add3A_121 = arith.addi %mul3A_102, %add3A_120 : i32
      %dma_start3A_122 = arith.constant 0 : i32
      %dma_start3A_123 = arith.constant 0 : i32
      %dma_start3A_124 = tpu.memref_slice %arg7[%add3A_121, %dma_start3A_122, %dma_start3A_123] : memref<40x1x128xi32, #tpu.memory_space<vmem>> -> memref<1x1x128xi32, #tpu.memory_space<vmem>>
      %dma_start3A_125 = tpu.memref_squeeze %dma_start3A_124 : memref<1x1x128xi32, #tpu.memory_space<vmem>> -> memref<128xi32, #tpu.memory_space<vmem>>
      %dma_start3A_126 = arith.constant 0 : i32
      %dma_start3A_127 = arith.constant 0 : i32
      %dma_start3A_128 = tpu.memref_slice %arg2[%dma_start3A_126, %dma_start3A_127] : memref<10000x128xf32, #tpu.memory_space<hbm>> -> memref<10000x128xf32, #tpu.memory_space<hbm>>
      tpu.enqueue_indirect_dma source(%dma_start3A_128 : memref<10000x128xf32, #tpu.memory_space<hbm>>) target(%arg9 : memref<128x128xf32, #tpu.memory_space<vmem>>) offsets(%dma_start3A_125 : memref<128xi32, #tpu.memory_space<vmem>>) semaphore(%arg12 : memref<!tpu.dma_semaphore, #tpu.memory_space<semaphore_mem>>)
      %dma_wait3A_129 = arith.constant 0 : i32
      %dma_wait3A_130 = arith.constant 0 : i32
      %dma_wait3A_131 = tpu.memref_slice %arg7[%add3A_104, %dma_wait3A_129, %dma_wait3A_130] : memref<40x1x128xi32, #tpu.memory_space<vmem>> -> memref<1x1x128xi32, #tpu.memory_space<vmem>>
      %dma_wait3A_132 = tpu.memref_squeeze %dma_wait3A_131 : memref<1x1x128xi32, #tpu.memory_space<vmem>> -> memref<128xi32, #tpu.memory_space<vmem>>
      %dma_wait3A_133 = arith.constant 0 : i32
      %dma_wait3A_134 = arith.constant 0 : i32
      %dma_wait3A_135 = tpu.memref_slice %arg2[%dma_wait3A_133, %dma_wait3A_134] : memref<10000x128xf32, #tpu.memory_space<hbm>> -> memref<10000x128xf32, #tpu.memory_space<hbm>>
      tpu.wait_indirect_dma semaphore(%arg13 : memref<!tpu.dma_semaphore, #tpu.memory_space<semaphore_mem>>) src(%dma_wait3A_135 : memref<10000x128xf32, #tpu.memory_space<hbm>>) dst(%arg10 : memref<128x128xf32, #tpu.memory_space<vmem>>)
      %run_scoped3A_136 = arith.constant 0 : i32
      "tpu.region"() ({
        %run_scoped3A_137 = tpu.sem_alloc : memref<!tpu.dma_semaphore, #tpu.memory_space<semaphore_mem>>
        %dma_start3A_138 = arith.constant 0 : i32
        %dma_start3A_139 = tpu.memref_slice %arg8[%add3A_104, %run_scoped3A_136, %dma_start3A_138] : memref<40x1x128xi32, #tpu.memory_space<vmem>> -> memref<1x1x128xi32, #tpu.memory_space<vmem>>
        %dma_start3A_140 = tpu.memref_squeeze %dma_start3A_139 : memref<1x1x128xi32, #tpu.memory_space<vmem>> -> memref<128xi32, #tpu.memory_space<vmem>>
        %dma_start3A_141 = arith.constant 0 : i32
        %dma_start3A_142 = arith.constant 0 : i32
        %dma_start3A_143 = tpu.memref_slice %arg11[%dma_start3A_141, %dma_start3A_142] : memref<10240x128xf32, #tpu.memory_space<vmem_shared>> -> memref<10240x128xf32, #tpu.memory_space<vmem_shared>>
        tpu.enqueue_indirect_dma source(%arg10 : memref<128x128xf32, #tpu.memory_space<vmem>>) target(%dma_start3A_143 : memref<10240x128xf32, #tpu.memory_space<vmem_shared>>) offsets(%dma_start3A_140 : memref<128xi32, #tpu.memory_space<vmem>>) semaphore(%run_scoped3A_137 : memref<!tpu.dma_semaphore, #tpu.memory_space<semaphore_mem>>) {add = true}
        %dma_wait3A_144 = arith.constant 0 : i32
        %dma_wait3A_145 = tpu.memref_slice %arg8[%add3A_104, %run_scoped3A_136, %dma_wait3A_144] : memref<40x1x128xi32, #tpu.memory_space<vmem>> -> memref<1x1x128xi32, #tpu.memory_space<vmem>>
        %dma_wait3A_146 = tpu.memref_squeeze %dma_wait3A_145 : memref<1x1x128xi32, #tpu.memory_space<vmem>> -> memref<128xi32, #tpu.memory_space<vmem>>
        %dma_wait3A_147 = arith.constant 0 : i32
        %dma_wait3A_148 = arith.constant 0 : i32
        %dma_wait3A_149 = tpu.memref_slice %arg11[%dma_wait3A_147, %dma_wait3A_148] : memref<10240x128xf32, #tpu.memory_space<vmem_shared>> -> memref<10240x128xf32, #tpu.memory_space<vmem_shared>>
        tpu.wait_indirect_dma semaphore(%run_scoped3A_137 : memref<!tpu.dma_semaphore, #tpu.memory_space<semaphore_mem>>) src(%arg10 : memref<128x128xf32, #tpu.memory_space<vmem>>) dst(%dma_wait3A_149 : memref<10240x128xf32, #tpu.memory_space<vmem_shared>>)
        tpu.yield
      }) : () -> ()
    }
    %scan3A_24 = arith.constant 19 : i32
    %dma_start3A_25 = arith.constant 39 : i32
    %dma_start3A_26 = arith.constant 0 : i32
    %dma_start3A_27 = arith.constant 0 : i32
    %dma_start3A_28 = tpu.memref_slice %arg7[%dma_start3A_25, %dma_start3A_26, %dma_start3A_27] : memref<40x1x128xi32, #tpu.memory_space<vmem>> -> memref<1x1x128xi32, #tpu.memory_space<vmem>>
    %dma_start3A_29 = tpu.memref_squeeze %dma_start3A_28 : memref<1x1x128xi32, #tpu.memory_space<vmem>> -> memref<128xi32, #tpu.memory_space<vmem>>
    %dma_start3A_30 = arith.constant 0 : i32
    %dma_start3A_31 = arith.constant 0 : i32
    %dma_start3A_32 = tpu.memref_slice %arg2[%dma_start3A_30, %dma_start3A_31] : memref<10000x128xf32, #tpu.memory_space<hbm>> -> memref<10000x128xf32, #tpu.memory_space<hbm>>
    tpu.enqueue_indirect_dma source(%dma_start3A_32 : memref<10000x128xf32, #tpu.memory_space<hbm>>) target(%arg10 : memref<128x128xf32, #tpu.memory_space<vmem>>) offsets(%dma_start3A_29 : memref<128xi32, #tpu.memory_space<vmem>>) semaphore(%arg13 : memref<!tpu.dma_semaphore, #tpu.memory_space<semaphore_mem>>)
    %dma_wait3A_33 = arith.constant 38 : i32
    %dma_wait3A_34 = arith.constant 0 : i32
    %dma_wait3A_35 = arith.constant 0 : i32
    %dma_wait3A_36 = tpu.memref_slice %arg7[%dma_wait3A_33, %dma_wait3A_34, %dma_wait3A_35] : memref<40x1x128xi32, #tpu.memory_space<vmem>> -> memref<1x1x128xi32, #tpu.memory_space<vmem>>
    %dma_wait3A_37 = tpu.memref_squeeze %dma_wait3A_36 : memref<1x1x128xi32, #tpu.memory_space<vmem>> -> memref<128xi32, #tpu.memory_space<vmem>>
    %dma_wait3A_38 = arith.constant 0 : i32
    %dma_wait3A_39 = arith.constant 0 : i32
    %dma_wait3A_40 = tpu.memref_slice %arg2[%dma_wait3A_38, %dma_wait3A_39] : memref<10000x128xf32, #tpu.memory_space<hbm>> -> memref<10000x128xf32, #tpu.memory_space<hbm>>
    tpu.wait_indirect_dma semaphore(%arg12 : memref<!tpu.dma_semaphore, #tpu.memory_space<semaphore_mem>>) src(%dma_wait3A_40 : memref<10000x128xf32, #tpu.memory_space<hbm>>) dst(%arg9 : memref<128x128xf32, #tpu.memory_space<vmem>>)
    %run_scoped3A = arith.constant 38 : i32
    %run_scoped3A_41 = arith.constant 0 : i32
    "tpu.region"() ({
      %run_scoped3A_96 = tpu.sem_alloc : memref<!tpu.dma_semaphore, #tpu.memory_space<semaphore_mem>>
      %dma_start3A_97 = arith.constant 0 : i32
      %dma_start3A_98 = tpu.memref_slice %arg8[%run_scoped3A, %run_scoped3A_41, %dma_start3A_97] : memref<40x1x128xi32, #tpu.memory_space<vmem>> -> memref<1x1x128xi32, #tpu.memory_space<vmem>>
      %dma_start3A_99 = tpu.memref_squeeze %dma_start3A_98 : memref<1x1x128xi32, #tpu.memory_space<vmem>> -> memref<128xi32, #tpu.memory_space<vmem>>
      %dma_start3A_100 = arith.constant 0 : i32
      %dma_start3A_101 = arith.constant 0 : i32
      %dma_start3A_102 = tpu.memref_slice %arg11[%dma_start3A_100, %dma_start3A_101] : memref<10240x128xf32, #tpu.memory_space<vmem_shared>> -> memref<10240x128xf32, #tpu.memory_space<vmem_shared>>
      tpu.enqueue_indirect_dma source(%arg9 : memref<128x128xf32, #tpu.memory_space<vmem>>) target(%dma_start3A_102 : memref<10240x128xf32, #tpu.memory_space<vmem_shared>>) offsets(%dma_start3A_99 : memref<128xi32, #tpu.memory_space<vmem>>) semaphore(%run_scoped3A_96 : memref<!tpu.dma_semaphore, #tpu.memory_space<semaphore_mem>>) {add = true}
      %dma_wait3A_103 = arith.constant 0 : i32
      %dma_wait3A_104 = tpu.memref_slice %arg8[%run_scoped3A, %run_scoped3A_41, %dma_wait3A_103] : memref<40x1x128xi32, #tpu.memory_space<vmem>> -> memref<1x1x128xi32, #tpu.memory_space<vmem>>
      %dma_wait3A_105 = tpu.memref_squeeze %dma_wait3A_104 : memref<1x1x128xi32, #tpu.memory_space<vmem>> -> memref<128xi32, #tpu.memory_space<vmem>>
      %dma_wait3A_106 = arith.constant 0 : i32
      %dma_wait3A_107 = arith.constant 0 : i32
      %dma_wait3A_108 = tpu.memref_slice %arg11[%dma_wait3A_106, %dma_wait3A_107] : memref<10240x128xf32, #tpu.memory_space<vmem_shared>> -> memref<10240x128xf32, #tpu.memory_space<vmem_shared>>
      tpu.wait_indirect_dma semaphore(%run_scoped3A_96 : memref<!tpu.dma_semaphore, #tpu.memory_space<semaphore_mem>>) src(%arg9 : memref<128x128xf32, #tpu.memory_space<vmem>>) dst(%dma_wait3A_108 : memref<10240x128xf32, #tpu.memory_space<vmem_shared>>)
      tpu.yield
    }) : () -> ()
    %dma_wait3A_42 = arith.constant 39 : i32
    %dma_wait3A_43 = arith.constant 0 : i32
    %dma_wait3A_44 = arith.constant 0 : i32
    %dma_wait3A_45 = tpu.memref_slice %arg7[%dma_wait3A_42, %dma_wait3A_43, %dma_wait3A_44] : memref<40x1x128xi32, #tpu.memory_space<vmem>> -> memref<1x1x128xi32, #tpu.memory_space<vmem>>
    %dma_wait3A_46 = tpu.memref_squeeze %dma_wait3A_45 : memref<1x1x128xi32, #tpu.memory_space<vmem>> -> memref<128xi32, #tpu.memory_space<vmem>>
    %dma_wait3A_47 = arith.constant 0 : i32
    %dma_wait3A_48 = arith.constant 0 : i32
    %dma_wait3A_49 = tpu.memref_slice %arg2[%dma_wait3A_47, %dma_wait3A_48] : memref<10000x128xf32, #tpu.memory_space<hbm>> -> memref<10000x128xf32, #tpu.memory_space<hbm>>
    tpu.wait_indirect_dma semaphore(%arg13 : memref<!tpu.dma_semaphore, #tpu.memory_space<semaphore_mem>>) src(%dma_wait3A_49 : memref<10000x128xf32, #tpu.memory_space<hbm>>) dst(%arg10 : memref<128x128xf32, #tpu.memory_space<vmem>>)
    %run_scoped3A_50 = arith.constant 39 : i32
    %run_scoped3A_51 = arith.constant 0 : i32
    "tpu.region"() ({
      %run_scoped3A_96 = tpu.sem_alloc : memref<!tpu.dma_semaphore, #tpu.memory_space<semaphore_mem>>
      %dma_start3A_97 = arith.constant 0 : i32
      %dma_start3A_98 = tpu.memref_slice %arg8[%run_scoped3A_50, %run_scoped3A_51, %dma_start3A_97] : memref<40x1x128xi32, #tpu.memory_space<vmem>> -> memref<1x1x128xi32, #tpu.memory_space<vmem>>
      %dma_start3A_99 = tpu.memref_squeeze %dma_start3A_98 : memref<1x1x128xi32, #tpu.memory_space<vmem>> -> memref<128xi32, #tpu.memory_space<vmem>>
      %dma_start3A_100 = arith.constant 0 : i32
      %dma_start3A_101 = arith.constant 0 : i32
      %dma_start3A_102 = tpu.memref_slice %arg11[%dma_start3A_100, %dma_start3A_101] : memref<10240x128xf32, #tpu.memory_space<vmem_shared>> -> memref<10240x128xf32, #tpu.memory_space<vmem_shared>>
      tpu.enqueue_indirect_dma source(%arg10 : memref<128x128xf32, #tpu.memory_space<vmem>>) target(%dma_start3A_102 : memref<10240x128xf32, #tpu.memory_space<vmem_shared>>) offsets(%dma_start3A_99 : memref<128xi32, #tpu.memory_space<vmem>>) semaphore(%run_scoped3A_96 : memref<!tpu.dma_semaphore, #tpu.memory_space<semaphore_mem>>) {add = true}
      %dma_wait3A_103 = arith.constant 0 : i32
      %dma_wait3A_104 = tpu.memref_slice %arg8[%run_scoped3A_50, %run_scoped3A_51, %dma_wait3A_103] : memref<40x1x128xi32, #tpu.memory_space<vmem>> -> memref<1x1x128xi32, #tpu.memory_space<vmem>>
      %dma_wait3A_105 = tpu.memref_squeeze %dma_wait3A_104 : memref<1x1x128xi32, #tpu.memory_space<vmem>> -> memref<128xi32, #tpu.memory_space<vmem>>
      %dma_wait3A_106 = arith.constant 0 : i32
      %dma_wait3A_107 = arith.constant 0 : i32
      %dma_wait3A_108 = tpu.memref_slice %arg11[%dma_wait3A_106, %dma_wait3A_107] : memref<10240x128xf32, #tpu.memory_space<vmem_shared>> -> memref<10240x128xf32, #tpu.memory_space<vmem_shared>>
      tpu.wait_indirect_dma semaphore(%run_scoped3A_96 : memref<!tpu.dma_semaphore, #tpu.memory_space<semaphore_mem>>) src(%arg10 : memref<128x128xf32, #tpu.memory_space<vmem>>) dst(%dma_wait3A_108 : memref<10240x128xf32, #tpu.memory_space<vmem_shared>>)
      tpu.yield
    }) : () -> ()
    %add3A_52 = arith.constant 40 : i32
    %add3A_53 = arith.addi %mul3A_2, %add3A_52 : i32
    "tpu.region"() ({
      %run_scoped3A_96 = tpu.sem_alloc : memref<!tpu.dma_semaphore, #tpu.memory_space<semaphore_mem>>
      %dma_start3A_97 = arith.constant 0 : i32
      %dma_start3A_98 = arith.constant 0 : i32
      %dma_start3A_99 = tpu.memref_slice %arg3[%add3A_53, %dma_start3A_97, %dma_start3A_98] : memref<2560x1x128xi32, #tpu.memory_space<hbm>> -> memref<40x1x128xi32, #tpu.memory_space<hbm>>
      %dma_start3A_100 = arith.constant 0 : i32
      %dma_start3A_101 = arith.constant 0 : i32
      %dma_start3A_102 = tpu.memref_slice %arg3[%add3A_53, %dma_start3A_100, %dma_start3A_101] : memref<2560x1x128xi32, #tpu.memory_space<hbm>> -> memref<40x1x128xi32, #tpu.memory_space<hbm>>
      tpu.enqueue_dma source(%dma_start3A_102 : memref<40x1x128xi32, #tpu.memory_space<hbm>>) target(%arg7 : memref<40x1x128xi32, #tpu.memory_space<vmem>>) target_semaphore(%run_scoped3A_96 : memref<!tpu.dma_semaphore, #tpu.memory_space<semaphore_mem>>)
      %dma_wait3A_103 = arith.constant 0 : i32
      %dma_wait3A_104 = arith.constant 0 : i32
      %dma_wait3A_105 = tpu.memref_slice %arg3[%add3A_53, %dma_wait3A_103, %dma_wait3A_104] : memref<2560x1x128xi32, #tpu.memory_space<hbm>> -> memref<40x1x128xi32, #tpu.memory_space<hbm>>
      %dma_wait3A_106 = arith.constant 0 : i32
      %dma_wait3A_107 = arith.constant 0 : i32
      %dma_wait3A_108 = tpu.memref_slice %arg3[%add3A_53, %dma_wait3A_106, %dma_wait3A_107] : memref<2560x1x128xi32, #tpu.memory_space<hbm>> -> memref<40x1x128xi32, #tpu.memory_space<hbm>>
      tpu.wait_dma2 semaphore(%run_scoped3A_96 : memref<!tpu.dma_semaphore, #tpu.memory_space<semaphore_mem>>) src(%dma_wait3A_108 : memref<40x1x128xi32, #tpu.memory_space<hbm>>) dst(%arg7 : memref<40x1x128xi32, #tpu.memory_space<vmem>>)
      tpu.yield
    }) : () -> ()
    "tpu.region"() ({
      %run_scoped3A_96 = tpu.sem_alloc : memref<!tpu.dma_semaphore, #tpu.memory_space<semaphore_mem>>
      %dma_start3A_97 = arith.constant 0 : i32
      %dma_start3A_98 = arith.constant 0 : i32
      %dma_start3A_99 = tpu.memref_slice %arg4[%add3A_53, %dma_start3A_97, %dma_start3A_98] : memref<2560x1x128xi32, #tpu.memory_space<hbm>> -> memref<40x1x128xi32, #tpu.memory_space<hbm>>
      %dma_start3A_100 = arith.constant 0 : i32
      %dma_start3A_101 = arith.constant 0 : i32
      %dma_start3A_102 = tpu.memref_slice %arg4[%add3A_53, %dma_start3A_100, %dma_start3A_101] : memref<2560x1x128xi32, #tpu.memory_space<hbm>> -> memref<40x1x128xi32, #tpu.memory_space<hbm>>
      tpu.enqueue_dma source(%dma_start3A_102 : memref<40x1x128xi32, #tpu.memory_space<hbm>>) target(%arg8 : memref<40x1x128xi32, #tpu.memory_space<vmem>>) target_semaphore(%run_scoped3A_96 : memref<!tpu.dma_semaphore, #tpu.memory_space<semaphore_mem>>)
      %dma_wait3A_103 = arith.constant 0 : i32
      %dma_wait3A_104 = arith.constant 0 : i32
      %dma_wait3A_105 = tpu.memref_slice %arg4[%add3A_53, %dma_wait3A_103, %dma_wait3A_104] : memref<2560x1x128xi32, #tpu.memory_space<hbm>> -> memref<40x1x128xi32, #tpu.memory_space<hbm>>
      %dma_wait3A_106 = arith.constant 0 : i32
      %dma_wait3A_107 = arith.constant 0 : i32
      %dma_wait3A_108 = tpu.memref_slice %arg4[%add3A_53, %dma_wait3A_106, %dma_wait3A_107] : memref<2560x1x128xi32, #tpu.memory_space<hbm>> -> memref<40x1x128xi32, #tpu.memory_space<hbm>>
      tpu.wait_dma2 semaphore(%run_scoped3A_96 : memref<!tpu.dma_semaphore, #tpu.memory_space<semaphore_mem>>) src(%dma_wait3A_108 : memref<40x1x128xi32, #tpu.memory_space<hbm>>) dst(%arg8 : memref<40x1x128xi32, #tpu.memory_space<vmem>>)
      tpu.yield
    }) : () -> ()
    %dma_start3A_54 = arith.constant 0 : i32
    %dma_start3A_55 = arith.constant 0 : i32
    %dma_start3A_56 = arith.constant 0 : i32
    %dma_start3A_57 = tpu.memref_slice %arg7[%dma_start3A_54, %dma_start3A_55, %dma_start3A_56] : memref<40x1x128xi32, #tpu.memory_space<vmem>> -> memref<1x1x128xi32, #tpu.memory_space<vmem>>
    %dma_start3A_58 = tpu.memref_squeeze %dma_start3A_57 : memref<1x1x128xi32, #tpu.memory_space<vmem>> -> memref<128xi32, #tpu.memory_space<vmem>>
    %dma_start3A_59 = arith.constant 0 : i32
    %dma_start3A_60 = arith.constant 0 : i32
    %dma_start3A_61 = tpu.memref_slice %arg2[%dma_start3A_59, %dma_start3A_60] : memref<10000x128xf32, #tpu.memory_space<hbm>> -> memref<10000x128xf32, #tpu.memory_space<hbm>>
    tpu.enqueue_indirect_dma source(%dma_start3A_61 : memref<10000x128xf32, #tpu.memory_space<hbm>>) target(%arg9 : memref<128x128xf32, #tpu.memory_space<vmem>>) offsets(%dma_start3A_58 : memref<128xi32, #tpu.memory_space<vmem>>) semaphore(%arg12 : memref<!tpu.dma_semaphore, #tpu.memory_space<semaphore_mem>>)
    %scan3A_62 = arith.constant 0 : i32
    %scan3A_63 = arith.constant 19 : i32
    %scan3A_64 = arith.addi %scan3A_62, %scan3A_63 : i32
    %scan3A_65 = arith.constant 1 : i32
    scf.for %scan3A_96 = %scan3A_62 to %scan3A_64 step %scan3A_65  : i32 {
      %mul3A_97 = arith.constant 1 : i32
      %mul3A_98 = arith.muli %scan3A_96, %mul3A_97 : i32
      %add3A_99 = arith.constant 0 : i32
      %add3A_100 = arith.addi %add3A_99, %mul3A_98 : i32
      %mul3A_101 = arith.constant 2 : i32
      %mul3A_102 = arith.muli %add3A_100, %mul3A_101 : i32
      %add3A_103 = arith.constant 1 : i32
      %add3A_104 = arith.addi %mul3A_102, %add3A_103 : i32
      %dma_start3A_105 = arith.constant 0 : i32
      %dma_start3A_106 = arith.constant 0 : i32
      %dma_start3A_107 = tpu.memref_slice %arg7[%add3A_104, %dma_start3A_105, %dma_start3A_106] : memref<40x1x128xi32, #tpu.memory_space<vmem>> -> memref<1x1x128xi32, #tpu.memory_space<vmem>>
      %dma_start3A_108 = tpu.memref_squeeze %dma_start3A_107 : memref<1x1x128xi32, #tpu.memory_space<vmem>> -> memref<128xi32, #tpu.memory_space<vmem>>
      %dma_start3A_109 = arith.constant 0 : i32
      %dma_start3A_110 = arith.constant 0 : i32
      %dma_start3A_111 = tpu.memref_slice %arg2[%dma_start3A_109, %dma_start3A_110] : memref<10000x128xf32, #tpu.memory_space<hbm>> -> memref<10000x128xf32, #tpu.memory_space<hbm>>
      tpu.enqueue_indirect_dma source(%dma_start3A_111 : memref<10000x128xf32, #tpu.memory_space<hbm>>) target(%arg10 : memref<128x128xf32, #tpu.memory_space<vmem>>) offsets(%dma_start3A_108 : memref<128xi32, #tpu.memory_space<vmem>>) semaphore(%arg13 : memref<!tpu.dma_semaphore, #tpu.memory_space<semaphore_mem>>)
      %dma_wait3A_112 = arith.constant 0 : i32
      %dma_wait3A_113 = arith.constant 0 : i32
      %dma_wait3A_114 = tpu.memref_slice %arg7[%mul3A_102, %dma_wait3A_112, %dma_wait3A_113] : memref<40x1x128xi32, #tpu.memory_space<vmem>> -> memref<1x1x128xi32, #tpu.memory_space<vmem>>
      %dma_wait3A_115 = tpu.memref_squeeze %dma_wait3A_114 : memref<1x1x128xi32, #tpu.memory_space<vmem>> -> memref<128xi32, #tpu.memory_space<vmem>>
      %dma_wait3A_116 = arith.constant 0 : i32
      %dma_wait3A_117 = arith.constant 0 : i32
      %dma_wait3A_118 = tpu.memref_slice %arg2[%dma_wait3A_116, %dma_wait3A_117] : memref<10000x128xf32, #tpu.memory_space<hbm>> -> memref<10000x128xf32, #tpu.memory_space<hbm>>
      tpu.wait_indirect_dma semaphore(%arg12 : memref<!tpu.dma_semaphore, #tpu.memory_space<semaphore_mem>>) src(%dma_wait3A_118 : memref<10000x128xf32, #tpu.memory_space<hbm>>) dst(%arg9 : memref<128x128xf32, #tpu.memory_space<vmem>>)
      %run_scoped3A_119 = arith.constant 0 : i32
      "tpu.region"() ({
        %run_scoped3A_137 = tpu.sem_alloc : memref<!tpu.dma_semaphore, #tpu.memory_space<semaphore_mem>>
        %dma_start3A_138 = arith.constant 0 : i32
        %dma_start3A_139 = tpu.memref_slice %arg8[%mul3A_102, %run_scoped3A_119, %dma_start3A_138] : memref<40x1x128xi32, #tpu.memory_space<vmem>> -> memref<1x1x128xi32, #tpu.memory_space<vmem>>
        %dma_start3A_140 = tpu.memref_squeeze %dma_start3A_139 : memref<1x1x128xi32, #tpu.memory_space<vmem>> -> memref<128xi32, #tpu.memory_space<vmem>>
        %dma_start3A_141 = arith.constant 0 : i32
        %dma_start3A_142 = arith.constant 0 : i32
        %dma_start3A_143 = tpu.memref_slice %arg11[%dma_start3A_141, %dma_start3A_142] : memref<10240x128xf32, #tpu.memory_space<vmem_shared>> -> memref<10240x128xf32, #tpu.memory_space<vmem_shared>>
        tpu.enqueue_indirect_dma source(%arg9 : memref<128x128xf32, #tpu.memory_space<vmem>>) target(%dma_start3A_143 : memref<10240x128xf32, #tpu.memory_space<vmem_shared>>) offsets(%dma_start3A_140 : memref<128xi32, #tpu.memory_space<vmem>>) semaphore(%run_scoped3A_137 : memref<!tpu.dma_semaphore, #tpu.memory_space<semaphore_mem>>) {add = true}
        %dma_wait3A_144 = arith.constant 0 : i32
        %dma_wait3A_145 = tpu.memref_slice %arg8[%mul3A_102, %run_scoped3A_119, %dma_wait3A_144] : memref<40x1x128xi32, #tpu.memory_space<vmem>> -> memref<1x1x128xi32, #tpu.memory_space<vmem>>
        %dma_wait3A_146 = tpu.memref_squeeze %dma_wait3A_145 : memref<1x1x128xi32, #tpu.memory_space<vmem>> -> memref<128xi32, #tpu.memory_space<vmem>>
        %dma_wait3A_147 = arith.constant 0 : i32
        %dma_wait3A_148 = arith.constant 0 : i32
        %dma_wait3A_149 = tpu.memref_slice %arg11[%dma_wait3A_147, %dma_wait3A_148] : memref<10240x128xf32, #tpu.memory_space<vmem_shared>> -> memref<10240x128xf32, #tpu.memory_space<vmem_shared>>
        tpu.wait_indirect_dma semaphore(%run_scoped3A_137 : memref<!tpu.dma_semaphore, #tpu.memory_space<semaphore_mem>>) src(%arg9 : memref<128x128xf32, #tpu.memory_space<vmem>>) dst(%dma_wait3A_149 : memref<10240x128xf32, #tpu.memory_space<vmem_shared>>)
        tpu.yield
      }) : () -> ()
      %add3A_120 = arith.constant 2 : i32
      %add3A_121 = arith.addi %mul3A_102, %add3A_120 : i32
      %dma_start3A_122 = arith.constant 0 : i32
      %dma_start3A_123 = arith.constant 0 : i32
      %dma_start3A_124 = tpu.memref_slice %arg7[%add3A_121, %dma_start3A_122, %dma_start3A_123] : memref<40x1x128xi32, #tpu.memory_space<vmem>> -> memref<1x1x128xi32, #tpu.memory_space<vmem>>
      %dma_start3A_125 = tpu.memref_squeeze %dma_start3A_124 : memref<1x1x128xi32, #tpu.memory_space<vmem>> -> memref<128xi32, #tpu.memory_space<vmem>>
      %dma_start3A_126 = arith.constant 0 : i32
      %dma_start3A_127 = arith.constant 0 : i32
      %dma_start3A_128 = tpu.memref_slice %arg2[%dma_start3A_126, %dma_start3A_127] : memref<10000x128xf32, #tpu.memory_space<hbm>> -> memref<10000x128xf32, #tpu.memory_space<hbm>>
      tpu.enqueue_indirect_dma source(%dma_start3A_128 : memref<10000x128xf32, #tpu.memory_space<hbm>>) target(%arg9 : memref<128x128xf32, #tpu.memory_space<vmem>>) offsets(%dma_start3A_125 : memref<128xi32, #tpu.memory_space<vmem>>) semaphore(%arg12 : memref<!tpu.dma_semaphore, #tpu.memory_space<semaphore_mem>>)
      %dma_wait3A_129 = arith.constant 0 : i32
      %dma_wait3A_130 = arith.constant 0 : i32
      %dma_wait3A_131 = tpu.memref_slice %arg7[%add3A_104, %dma_wait3A_129, %dma_wait3A_130] : memref<40x1x128xi32, #tpu.memory_space<vmem>> -> memref<1x1x128xi32, #tpu.memory_space<vmem>>
      %dma_wait3A_132 = tpu.memref_squeeze %dma_wait3A_131 : memref<1x1x128xi32, #tpu.memory_space<vmem>> -> memref<128xi32, #tpu.memory_space<vmem>>
      %dma_wait3A_133 = arith.constant 0 : i32
      %dma_wait3A_134 = arith.constant 0 : i32
      %dma_wait3A_135 = tpu.memref_slice %arg2[%dma_wait3A_133, %dma_wait3A_134] : memref<10000x128xf32, #tpu.memory_space<hbm>> -> memref<10000x128xf32, #tpu.memory_space<hbm>>
      tpu.wait_indirect_dma semaphore(%arg13 : memref<!tpu.dma_semaphore, #tpu.memory_space<semaphore_mem>>) src(%dma_wait3A_135 : memref<10000x128xf32, #tpu.memory_space<hbm>>) dst(%arg10 : memref<128x128xf32, #tpu.memory_space<vmem>>)
      %run_scoped3A_136 = arith.constant 0 : i32
      "tpu.region"() ({
        %run_scoped3A_137 = tpu.sem_alloc : memref<!tpu.dma_semaphore, #tpu.memory_space<semaphore_mem>>
        %dma_start3A_138 = arith.constant 0 : i32
        %dma_start3A_139 = tpu.memref_slice %arg8[%add3A_104, %run_scoped3A_136, %dma_start3A_138] : memref<40x1x128xi32, #tpu.memory_space<vmem>> -> memref<1x1x128xi32, #tpu.memory_space<vmem>>
        %dma_start3A_140 = tpu.memref_squeeze %dma_start3A_139 : memref<1x1x128xi32, #tpu.memory_space<vmem>> -> memref<128xi32, #tpu.memory_space<vmem>>
        %dma_start3A_141 = arith.constant 0 : i32
        %dma_start3A_142 = arith.constant 0 : i32
        %dma_start3A_143 = tpu.memref_slice %arg11[%dma_start3A_141, %dma_start3A_142] : memref<10240x128xf32, #tpu.memory_space<vmem_shared>> -> memref<10240x128xf32, #tpu.memory_space<vmem_shared>>
        tpu.enqueue_indirect_dma source(%arg10 : memref<128x128xf32, #tpu.memory_space<vmem>>) target(%dma_start3A_143 : memref<10240x128xf32, #tpu.memory_space<vmem_shared>>) offsets(%dma_start3A_140 : memref<128xi32, #tpu.memory_space<vmem>>) semaphore(%run_scoped3A_137 : memref<!tpu.dma_semaphore, #tpu.memory_space<semaphore_mem>>) {add = true}
        %dma_wait3A_144 = arith.constant 0 : i32
        %dma_wait3A_145 = tpu.memref_slice %arg8[%add3A_104, %run_scoped3A_136, %dma_wait3A_144] : memref<40x1x128xi32, #tpu.memory_space<vmem>> -> memref<1x1x128xi32, #tpu.memory_space<vmem>>
        %dma_wait3A_146 = tpu.memref_squeeze %dma_wait3A_145 : memref<1x1x128xi32, #tpu.memory_space<vmem>> -> memref<128xi32, #tpu.memory_space<vmem>>
        %dma_wait3A_147 = arith.constant 0 : i32
        %dma_wait3A_148 = arith.constant 0 : i32
        %dma_wait3A_149 = tpu.memref_slice %arg11[%dma_wait3A_147, %dma_wait3A_148] : memref<10240x128xf32, #tpu.memory_space<vmem_shared>> -> memref<10240x128xf32, #tpu.memory_space<vmem_shared>>
        tpu.wait_indirect_dma semaphore(%run_scoped3A_137 : memref<!tpu.dma_semaphore, #tpu.memory_space<semaphore_mem>>) src(%arg10 : memref<128x128xf32, #tpu.memory_space<vmem>>) dst(%dma_wait3A_149 : memref<10240x128xf32, #tpu.memory_space<vmem_shared>>)
        tpu.yield
      }) : () -> ()
    }
    %scan3A_66 = arith.constant 19 : i32
    %dma_start3A_67 = arith.constant 39 : i32
    %dma_start3A_68 = arith.constant 0 : i32
    %dma_start3A_69 = arith.constant 0 : i32
    %dma_start3A_70 = tpu.memref_slice %arg7[%dma_start3A_67, %dma_start3A_68, %dma_start3A_69] : memref<40x1x128xi32, #tpu.memory_space<vmem>> -> memref<1x1x128xi32, #tpu.memory_space<vmem>>
    %dma_start3A_71 = tpu.memref_squeeze %dma_start3A_70 : memref<1x1x128xi32, #tpu.memory_space<vmem>> -> memref<128xi32, #tpu.memory_space<vmem>>
    %dma_start3A_72 = arith.constant 0 : i32
    %dma_start3A_73 = arith.constant 0 : i32
    %dma_start3A_74 = tpu.memref_slice %arg2[%dma_start3A_72, %dma_start3A_73] : memref<10000x128xf32, #tpu.memory_space<hbm>> -> memref<10000x128xf32, #tpu.memory_space<hbm>>
    tpu.enqueue_indirect_dma source(%dma_start3A_74 : memref<10000x128xf32, #tpu.memory_space<hbm>>) target(%arg10 : memref<128x128xf32, #tpu.memory_space<vmem>>) offsets(%dma_start3A_71 : memref<128xi32, #tpu.memory_space<vmem>>) semaphore(%arg13 : memref<!tpu.dma_semaphore, #tpu.memory_space<semaphore_mem>>)
    %dma_wait3A_75 = arith.constant 38 : i32
    %dma_wait3A_76 = arith.constant 0 : i32
    %dma_wait3A_77 = arith.constant 0 : i32
    %dma_wait3A_78 = tpu.memref_slice %arg7[%dma_wait3A_75, %dma_wait3A_76, %dma_wait3A_77] : memref<40x1x128xi32, #tpu.memory_space<vmem>> -> memref<1x1x128xi32, #tpu.memory_space<vmem>>
    %dma_wait3A_79 = tpu.memref_squeeze %dma_wait3A_78 : memref<1x1x128xi32, #tpu.memory_space<vmem>> -> memref<128xi32, #tpu.memory_space<vmem>>
    %dma_wait3A_80 = arith.constant 0 : i32
    %dma_wait3A_81 = arith.constant 0 : i32
    %dma_wait3A_82 = tpu.memref_slice %arg2[%dma_wait3A_80, %dma_wait3A_81] : memref<10000x128xf32, #tpu.memory_space<hbm>> -> memref<10000x128xf32, #tpu.memory_space<hbm>>
    tpu.wait_indirect_dma semaphore(%arg12 : memref<!tpu.dma_semaphore, #tpu.memory_space<semaphore_mem>>) src(%dma_wait3A_82 : memref<10000x128xf32, #tpu.memory_space<hbm>>) dst(%arg9 : memref<128x128xf32, #tpu.memory_space<vmem>>)
    %run_scoped3A_83 = arith.constant 38 : i32
    %run_scoped3A_84 = arith.constant 0 : i32
    "tpu.region"() ({
      %run_scoped3A_96 = tpu.sem_alloc : memref<!tpu.dma_semaphore, #tpu.memory_space<semaphore_mem>>
      %dma_start3A_97 = arith.constant 0 : i32
      %dma_start3A_98 = tpu.memref_slice %arg8[%run_scoped3A_83, %run_scoped3A_84, %dma_start3A_97] : memref<40x1x128xi32, #tpu.memory_space<vmem>> -> memref<1x1x128xi32, #tpu.memory_space<vmem>>
      %dma_start3A_99 = tpu.memref_squeeze %dma_start3A_98 : memref<1x1x128xi32, #tpu.memory_space<vmem>> -> memref<128xi32, #tpu.memory_space<vmem>>
      %dma_start3A_100 = arith.constant 0 : i32
      %dma_start3A_101 = arith.constant 0 : i32
      %dma_start3A_102 = tpu.memref_slice %arg11[%dma_start3A_100, %dma_start3A_101] : memref<10240x128xf32, #tpu.memory_space<vmem_shared>> -> memref<10240x128xf32, #tpu.memory_space<vmem_shared>>
      tpu.enqueue_indirect_dma source(%arg9 : memref<128x128xf32, #tpu.memory_space<vmem>>) target(%dma_start3A_102 : memref<10240x128xf32, #tpu.memory_space<vmem_shared>>) offsets(%dma_start3A_99 : memref<128xi32, #tpu.memory_space<vmem>>) semaphore(%run_scoped3A_96 : memref<!tpu.dma_semaphore, #tpu.memory_space<semaphore_mem>>) {add = true}
      %dma_wait3A_103 = arith.constant 0 : i32
      %dma_wait3A_104 = tpu.memref_slice %arg8[%run_scoped3A_83, %run_scoped3A_84, %dma_wait3A_103] : memref<40x1x128xi32, #tpu.memory_space<vmem>> -> memref<1x1x128xi32, #tpu.memory_space<vmem>>
      %dma_wait3A_105 = tpu.memref_squeeze %dma_wait3A_104 : memref<1x1x128xi32, #tpu.memory_space<vmem>> -> memref<128xi32, #tpu.memory_space<vmem>>
      %dma_wait3A_106 = arith.constant 0 : i32
      %dma_wait3A_107 = arith.constant 0 : i32
      %dma_wait3A_108 = tpu.memref_slice %arg11[%dma_wait3A_106, %dma_wait3A_107] : memref<10240x128xf32, #tpu.memory_space<vmem_shared>> -> memref<10240x128xf32, #tpu.memory_space<vmem_shared>>
      tpu.wait_indirect_dma semaphore(%run_scoped3A_96 : memref<!tpu.dma_semaphore, #tpu.memory_space<semaphore_mem>>) src(%arg9 : memref<128x128xf32, #tpu.memory_space<vmem>>) dst(%dma_wait3A_108 : memref<10240x128xf32, #tpu.memory_space<vmem_shared>>)
      tpu.yield
    }) : () -> ()
    %dma_wait3A_85 = arith.constant 39 : i32
    %dma_wait3A_86 = arith.constant 0 : i32
    %dma_wait3A_87 = arith.constant 0 : i32
    %dma_wait3A_88 = tpu.memref_slice %arg7[%dma_wait3A_85, %dma_wait3A_86, %dma_wait3A_87] : memref<40x1x128xi32, #tpu.memory_space<vmem>> -> memref<1x1x128xi32, #tpu.memory_space<vmem>>
    %dma_wait3A_89 = tpu.memref_squeeze %dma_wait3A_88 : memref<1x1x128xi32, #tpu.memory_space<vmem>> -> memref<128xi32, #tpu.memory_space<vmem>>
    %dma_wait3A_90 = arith.constant 0 : i32
    %dma_wait3A_91 = arith.constant 0 : i32
    %dma_wait3A_92 = tpu.memref_slice %arg2[%dma_wait3A_90, %dma_wait3A_91] : memref<10000x128xf32, #tpu.memory_space<hbm>> -> memref<10000x128xf32, #tpu.memory_space<hbm>>
    tpu.wait_indirect_dma semaphore(%arg13 : memref<!tpu.dma_semaphore, #tpu.memory_space<semaphore_mem>>) src(%dma_wait3A_92 : memref<10000x128xf32, #tpu.memory_space<hbm>>) dst(%arg10 : memref<128x128xf32, #tpu.memory_space<vmem>>)
    %run_scoped3A_93 = arith.constant 39 : i32
    %run_scoped3A_94 = arith.constant 0 : i32
    "tpu.region"() ({
      %run_scoped3A_96 = tpu.sem_alloc : memref<!tpu.dma_semaphore, #tpu.memory_space<semaphore_mem>>
      %dma_start3A_97 = arith.constant 0 : i32
      %dma_start3A_98 = tpu.memref_slice %arg8[%run_scoped3A_93, %run_scoped3A_94, %dma_start3A_97] : memref<40x1x128xi32, #tpu.memory_space<vmem>> -> memref<1x1x128xi32, #tpu.memory_space<vmem>>
      %dma_start3A_99 = tpu.memref_squeeze %dma_start3A_98 : memref<1x1x128xi32, #tpu.memory_space<vmem>> -> memref<128xi32, #tpu.memory_space<vmem>>
      %dma_start3A_100 = arith.constant 0 : i32
      %dma_start3A_101 = arith.constant 0 : i32
      %dma_start3A_102 = tpu.memref_slice %arg11[%dma_start3A_100, %dma_start3A_101] : memref<10240x128xf32, #tpu.memory_space<vmem_shared>> -> memref<10240x128xf32, #tpu.memory_space<vmem_shared>>
      tpu.enqueue_indirect_dma source(%arg10 : memref<128x128xf32, #tpu.memory_space<vmem>>) target(%dma_start3A_102 : memref<10240x128xf32, #tpu.memory_space<vmem_shared>>) offsets(%dma_start3A_99 : memref<128xi32, #tpu.memory_space<vmem>>) semaphore(%run_scoped3A_96 : memref<!tpu.dma_semaphore, #tpu.memory_space<semaphore_mem>>) {add = true}
      %dma_wait3A_103 = arith.constant 0 : i32
      %dma_wait3A_104 = tpu.memref_slice %arg8[%run_scoped3A_93, %run_scoped3A_94, %dma_wait3A_103] : memref<40x1x128xi32, #tpu.memory_space<vmem>> -> memref<1x1x128xi32, #tpu.memory_space<vmem>>
      %dma_wait3A_105 = tpu.memref_squeeze %dma_wait3A_104 : memref<1x1x128xi32, #tpu.memory_space<vmem>> -> memref<128xi32, #tpu.memory_space<vmem>>
      %dma_wait3A_106 = arith.constant 0 : i32
      %dma_wait3A_107 = arith.constant 0 : i32
      %dma_wait3A_108 = tpu.memref_slice %arg11[%dma_wait3A_106, %dma_wait3A_107] : memref<10240x128xf32, #tpu.memory_space<vmem_shared>> -> memref<10240x128xf32, #tpu.memory_space<vmem_shared>>
      tpu.wait_indirect_dma semaphore(%run_scoped3A_96 : memref<!tpu.dma_semaphore, #tpu.memory_space<semaphore_mem>>) src(%arg10 : memref<128x128xf32, #tpu.memory_space<vmem>>) dst(%dma_wait3A_108 : memref<10240x128xf32, #tpu.memory_space<vmem_shared>>)
      tpu.yield
    }) : () -> ()
    %barrier3A_95 = arith.constant 0 : index
    tpu.barrier barrier_id(%barrier3A_95)
    "tpu.region"() ({
      %run_scoped3A_96 = tpu.sem_alloc : memref<!tpu.dma_semaphore, #tpu.memory_space<semaphore_mem>>
      %dma_start3A_97 = arith.constant 0 : i32
      %dma_start3A_98 = tpu.memref_slice %arg6[%arg0, %mul3A_4, %dma_start3A_97] : memref<2x10240x128xf32, #tpu.memory_space<hbm>> -> memref<1x640x128xf32, #tpu.memory_space<hbm>>
      %dma_start3A_99 = tpu.memref_squeeze %dma_start3A_98 : memref<1x640x128xf32, #tpu.memory_space<hbm>> -> memref<640x128xf32, #tpu.memory_space<hbm>>
      %dma_start3A_100 = arith.constant 0 : i32
      %dma_start3A_101 = tpu.memref_slice %arg11[%mul3A_4, %dma_start3A_100] : memref<10240x128xf32, #tpu.memory_space<vmem_shared>> -> memref<640x128xf32, #tpu.memory_space<vmem_shared>>
      tpu.enqueue_dma source(%dma_start3A_101 : memref<640x128xf32, #tpu.memory_space<vmem_shared>>) target(%dma_start3A_99 : memref<640x128xf32, #tpu.memory_space<hbm>>) target_semaphore(%run_scoped3A_96 : memref<!tpu.dma_semaphore, #tpu.memory_space<semaphore_mem>>)
      %dma_wait3A_102 = arith.constant 0 : i32
      %dma_wait3A_103 = tpu.memref_slice %arg6[%arg0, %mul3A_4, %dma_wait3A_102] : memref<2x10240x128xf32, #tpu.memory_space<hbm>> -> memref<1x640x128xf32, #tpu.memory_space<hbm>>
      %dma_wait3A_104 = tpu.memref_squeeze %dma_wait3A_103 : memref<1x640x128xf32, #tpu.memory_space<hbm>> -> memref<640x128xf32, #tpu.memory_space<hbm>>
      %dma_wait3A_105 = arith.constant 0 : i32
      %dma_wait3A_106 = tpu.memref_slice %arg11[%mul3A_4, %dma_wait3A_105] : memref<10240x128xf32, #tpu.memory_space<vmem_shared>> -> memref<640x128xf32, #tpu.memory_space<vmem_shared>>
      tpu.wait_dma2 semaphore(%run_scoped3A_96 : memref<!tpu.dma_semaphore, #tpu.memory_space<semaphore_mem>>) src(%dma_wait3A_106 : memref<640x128xf32, #tpu.memory_space<vmem_shared>>) dst(%dma_wait3A_104 : memref<640x128xf32, #tpu.memory_space<hbm>>)
      tpu.yield
    }) : () -> ()
    return
  }
}

#map = affine_map<(d0, d1) -> (0, 0)>
#map1 = affine_map<(d0, d1) -> (0, 0, 0)>
module attributes {stable_mosaic.version = 14 : i64} {
  func.func @sc_edge(%arg0: i32, %arg1: i32, %arg2: memref<10000x128xf32, #tpu.memory_space<hbm>>, %arg3: memref<2560x1x128xi32, #tpu.memory_space<hbm>>, %arg4: memref<2560x1x128xi32, #tpu.memory_space<hbm>>, %arg5: memref<10240x128xf32, #tpu.memory_space<hbm>>, %arg6: memref<2x10240x128xf32, #tpu.memory_space<hbm>>, %arg7: memref<40x1x128xi32, #tpu.memory_space<vmem>>, %arg8: memref<40x1x128xi32, #tpu.memory_space<vmem>>, %arg9: memref<128x128xf32, #tpu.memory_space<vmem>>, %arg10: memref<128x128xf32, #tpu.memory_space<vmem>>, %arg11: memref<10240x128xf32, #tpu.memory_space<vmem_shared>>, %arg12: memref<!tpu.dma_semaphore, #tpu.memory_space<semaphore_mem>>, %arg13: memref<!tpu.dma_semaphore, #tpu.memory_space<semaphore_mem>>, %arg14: memref<!tpu.dma_semaphore, #tpu.memory_space<semaphore_mem>>) attributes {dimension_semantics = [#tpu.dimension_semantics<core_parallel>, #tpu.dimension_semantics<subcore_parallel>], iteration_bounds = array<i64: 2, 16>, scalar_prefetch = 0 : i64, scratch_operands = 8 : i64, tpu.core_type = #tpu.core_type<sc_vector_subcore>, window_params = [{transform_indices = #map}, {transform_indices = #map1}, {transform_indices = #map1}, {transform_indices = #map}, {transform_indices = #map1}]} {
    %mul3A = arith.constant 16 : i32
    %mul3A_0 = arith.muli %arg0, %mul3A : i32
    %add3A = arith.addi %mul3A_0, %arg1 : i32
    %mul3A_1 = arith.constant 80 : i32
    %mul3A_2 = arith.muli %add3A, %mul3A_1 : i32
    %mul3A_3 = arith.constant 640 : i32
    %mul3A_4 = arith.muli %arg1, %mul3A_3 : i32
    %dma_start3A = arith.constant 0 : i32
    %dma_start3A_5 = tpu.memref_slice %arg11[%mul3A_4, %dma_start3A] : memref<10240x128xf32, #tpu.memory_space<vmem_shared>> -> memref<640x128xf32, #tpu.memory_space<vmem_shared>>
    %dma_start3A_6 = arith.constant 0 : i32
    %dma_start3A_7 = tpu.memref_slice %arg5[%mul3A_4, %dma_start3A_6] : memref<10240x128xf32, #tpu.memory_space<hbm>> -> memref<640x128xf32, #tpu.memory_space<hbm>>
    tpu.enqueue_dma source(%dma_start3A_7 : memref<640x128xf32, #tpu.memory_space<hbm>>) target(%dma_start3A_5 : memref<640x128xf32, #tpu.memory_space<vmem_shared>>) target_semaphore(%arg14 : memref<!tpu.dma_semaphore, #tpu.memory_space<semaphore_mem>>)
    %add3A_8 = arith.constant 0 : i32
    %add3A_9 = arith.addi %mul3A_2, %add3A_8 : i32
    "tpu.region"() ({
      %run_scoped3A_96 = tpu.sem_alloc : memref<!tpu.dma_semaphore, #tpu.memory_space<semaphore_mem>>
      %dma_start3A_97 = arith.constant 0 : i32
      %dma_start3A_98 = arith.constant 0 : i32
      %dma_start3A_99 = tpu.memref_slice %arg3[%add3A_9, %dma_start3A_97, %dma_start3A_98] : memref<2560x1x128xi32, #tpu.memory_space<hbm>> -> memref<40x1x128xi32, #tpu.memory_space<hbm>>
      %dma_start3A_100 = arith.constant 0 : i32
      %dma_start3A_101 = arith.constant 0 : i32
      %dma_start3A_102 = tpu.memref_slice %arg3[%add3A_9, %dma_start3A_100, %dma_start3A_101] : memref<2560x1x128xi32, #tpu.memory_space<hbm>> -> memref<40x1x128xi32, #tpu.memory_space<hbm>>
      tpu.enqueue_dma source(%dma_start3A_102 : memref<40x1x128xi32, #tpu.memory_space<hbm>>) target(%arg7 : memref<40x1x128xi32, #tpu.memory_space<vmem>>) target_semaphore(%run_scoped3A_96 : memref<!tpu.dma_semaphore, #tpu.memory_space<semaphore_mem>>)
      %dma_wait3A_103 = arith.constant 0 : i32
      %dma_wait3A_104 = arith.constant 0 : i32
      %dma_wait3A_105 = tpu.memref_slice %arg3[%add3A_9, %dma_wait3A_103, %dma_wait3A_104] : memref<2560x1x128xi32, #tpu.memory_space<hbm>> -> memref<40x1x128xi32, #tpu.memory_space<hbm>>
      %dma_wait3A_106 = arith.constant 0 : i32
      %dma_wait3A_107 = arith.constant 0 : i32
      %dma_wait3A_108 = tpu.memref_slice %arg3[%add3A_9, %dma_wait3A_106, %dma_wait3A_107] : memref<2560x1x128xi32, #tpu.memory_space<hbm>> -> memref<40x1x128xi32, #tpu.memory_space<hbm>>
      tpu.wait_dma2 semaphore(%run_scoped3A_96 : memref<!tpu.dma_semaphore, #tpu.memory_space<semaphore_mem>>) src(%dma_wait3A_108 : memref<40x1x128xi32, #tpu.memory_space<hbm>>) dst(%arg7 : memref<40x1x128xi32, #tpu.memory_space<vmem>>)
      tpu.yield
    }) : () -> ()
    "tpu.region"() ({
      %run_scoped3A_96 = tpu.sem_alloc : memref<!tpu.dma_semaphore, #tpu.memory_space<semaphore_mem>>
      %dma_start3A_97 = arith.constant 0 : i32
      %dma_start3A_98 = arith.constant 0 : i32
      %dma_start3A_99 = tpu.memref_slice %arg4[%add3A_9, %dma_start3A_97, %dma_start3A_98] : memref<2560x1x128xi32, #tpu.memory_space<hbm>> -> memref<40x1x128xi32, #tpu.memory_space<hbm>>
      %dma_start3A_100 = arith.constant 0 : i32
      %dma_start3A_101 = arith.constant 0 : i32
      %dma_start3A_102 = tpu.memref_slice %arg4[%add3A_9, %dma_start3A_100, %dma_start3A_101] : memref<2560x1x128xi32, #tpu.memory_space<hbm>> -> memref<40x1x128xi32, #tpu.memory_space<hbm>>
      tpu.enqueue_dma source(%dma_start3A_102 : memref<40x1x128xi32, #tpu.memory_space<hbm>>) target(%arg8 : memref<40x1x128xi32, #tpu.memory_space<vmem>>) target_semaphore(%run_scoped3A_96 : memref<!tpu.dma_semaphore, #tpu.memory_space<semaphore_mem>>)
      %dma_wait3A_103 = arith.constant 0 : i32
      %dma_wait3A_104 = arith.constant 0 : i32
      %dma_wait3A_105 = tpu.memref_slice %arg4[%add3A_9, %dma_wait3A_103, %dma_wait3A_104] : memref<2560x1x128xi32, #tpu.memory_space<hbm>> -> memref<40x1x128xi32, #tpu.memory_space<hbm>>
      %dma_wait3A_106 = arith.constant 0 : i32
      %dma_wait3A_107 = arith.constant 0 : i32
      %dma_wait3A_108 = tpu.memref_slice %arg4[%add3A_9, %dma_wait3A_106, %dma_wait3A_107] : memref<2560x1x128xi32, #tpu.memory_space<hbm>> -> memref<40x1x128xi32, #tpu.memory_space<hbm>>
      tpu.wait_dma2 semaphore(%run_scoped3A_96 : memref<!tpu.dma_semaphore, #tpu.memory_space<semaphore_mem>>) src(%dma_wait3A_108 : memref<40x1x128xi32, #tpu.memory_space<hbm>>) dst(%arg8 : memref<40x1x128xi32, #tpu.memory_space<vmem>>)
      tpu.yield
    }) : () -> ()
    %dma_start3A_10 = arith.constant 0 : i32
    %dma_start3A_11 = arith.constant 0 : i32
    %dma_start3A_12 = arith.constant 0 : i32
    %dma_start3A_13 = tpu.memref_slice %arg7[%dma_start3A_10, %dma_start3A_11, %dma_start3A_12] : memref<40x1x128xi32, #tpu.memory_space<vmem>> -> memref<1x1x128xi32, #tpu.memory_space<vmem>>
    %dma_start3A_14 = tpu.memref_squeeze %dma_start3A_13 : memref<1x1x128xi32, #tpu.memory_space<vmem>> -> memref<128xi32, #tpu.memory_space<vmem>>
    %dma_start3A_15 = arith.constant 0 : i32
    %dma_start3A_16 = arith.constant 0 : i32
    %dma_start3A_17 = tpu.memref_slice %arg2[%dma_start3A_15, %dma_start3A_16] : memref<10000x128xf32, #tpu.memory_space<hbm>> -> memref<10000x128xf32, #tpu.memory_space<hbm>>
    tpu.enqueue_indirect_dma source(%dma_start3A_17 : memref<10000x128xf32, #tpu.memory_space<hbm>>) target(%arg9 : memref<128x128xf32, #tpu.memory_space<vmem>>) offsets(%dma_start3A_14 : memref<128xi32, #tpu.memory_space<vmem>>) semaphore(%arg12 : memref<!tpu.dma_semaphore, #tpu.memory_space<semaphore_mem>>)
    %dma_wait3A = arith.constant 0 : i32
    %dma_wait3A_18 = tpu.memref_slice %arg11[%mul3A_4, %dma_wait3A] : memref<10240x128xf32, #tpu.memory_space<vmem_shared>> -> memref<640x128xf32, #tpu.memory_space<vmem_shared>>
    %dma_wait3A_19 = arith.constant 0 : i32
    %dma_wait3A_20 = tpu.memref_slice %arg5[%mul3A_4, %dma_wait3A_19] : memref<10240x128xf32, #tpu.memory_space<hbm>> -> memref<640x128xf32, #tpu.memory_space<hbm>>
    tpu.wait_dma2 semaphore(%arg14 : memref<!tpu.dma_semaphore, #tpu.memory_space<semaphore_mem>>) src(%dma_wait3A_20 : memref<640x128xf32, #tpu.memory_space<hbm>>) dst(%dma_wait3A_18 : memref<640x128xf32, #tpu.memory_space<vmem_shared>>)
    %barrier3A = arith.constant 0 : index
    tpu.barrier barrier_id(%barrier3A)
    %scan3A = arith.constant 0 : i32
    %scan3A_21 = arith.constant 19 : i32
    %scan3A_22 = arith.addi %scan3A, %scan3A_21 : i32
    %scan3A_23 = arith.constant 1 : i32
    scf.for %scan3A_96 = %scan3A to %scan3A_22 step %scan3A_23  : i32 {
      %mul3A_97 = arith.constant 1 : i32
      %mul3A_98 = arith.muli %scan3A_96, %mul3A_97 : i32
      %add3A_99 = arith.constant 0 : i32
      %add3A_100 = arith.addi %add3A_99, %mul3A_98 : i32
      %mul3A_101 = arith.constant 2 : i32
      %mul3A_102 = arith.muli %add3A_100, %mul3A_101 : i32
      %add3A_103 = arith.constant 1 : i32
      %add3A_104 = arith.addi %mul3A_102, %add3A_103 : i32
      %dma_start3A_105 = arith.constant 0 : i32
      %dma_start3A_106 = arith.constant 0 : i32
      %dma_start3A_107 = tpu.memref_slice %arg7[%add3A_104, %dma_start3A_105, %dma_start3A_106] : memref<40x1x128xi32, #tpu.memory_space<vmem>> -> memref<1x1x128xi32, #tpu.memory_space<vmem>>
      %dma_start3A_108 = tpu.memref_squeeze %dma_start3A_107 : memref<1x1x128xi32, #tpu.memory_space<vmem>> -> memref<128xi32, #tpu.memory_space<vmem>>
      %dma_start3A_109 = arith.constant 0 : i32
      %dma_start3A_110 = arith.constant 0 : i32
      %dma_start3A_111 = tpu.memref_slice %arg2[%dma_start3A_109, %dma_start3A_110] : memref<10000x128xf32, #tpu.memory_space<hbm>> -> memref<10000x128xf32, #tpu.memory_space<hbm>>
      tpu.enqueue_indirect_dma source(%dma_start3A_111 : memref<10000x128xf32, #tpu.memory_space<hbm>>) target(%arg10 : memref<128x128xf32, #tpu.memory_space<vmem>>) offsets(%dma_start3A_108 : memref<128xi32, #tpu.memory_space<vmem>>) semaphore(%arg13 : memref<!tpu.dma_semaphore, #tpu.memory_space<semaphore_mem>>)
      %dma_wait3A_112 = arith.constant 0 : i32
      %dma_wait3A_113 = arith.constant 0 : i32
      %dma_wait3A_114 = tpu.memref_slice %arg7[%mul3A_102, %dma_wait3A_112, %dma_wait3A_113] : memref<40x1x128xi32, #tpu.memory_space<vmem>> -> memref<1x1x128xi32, #tpu.memory_space<vmem>>
      %dma_wait3A_115 = tpu.memref_squeeze %dma_wait3A_114 : memref<1x1x128xi32, #tpu.memory_space<vmem>> -> memref<128xi32, #tpu.memory_space<vmem>>
      %dma_wait3A_116 = arith.constant 0 : i32
      %dma_wait3A_117 = arith.constant 0 : i32
      %dma_wait3A_118 = tpu.memref_slice %arg2[%dma_wait3A_116, %dma_wait3A_117] : memref<10000x128xf32, #tpu.memory_space<hbm>> -> memref<10000x128xf32, #tpu.memory_space<hbm>>
      tpu.wait_indirect_dma semaphore(%arg12 : memref<!tpu.dma_semaphore, #tpu.memory_space<semaphore_mem>>) src(%dma_wait3A_118 : memref<10000x128xf32, #tpu.memory_space<hbm>>) dst(%arg9 : memref<128x128xf32, #tpu.memory_space<vmem>>)
      %run_scoped3A_119 = arith.constant 0 : i32
      "tpu.region"() ({
        %run_scoped3A_137 = tpu.sem_alloc : memref<!tpu.dma_semaphore, #tpu.memory_space<semaphore_mem>>
        %dma_start3A_138 = arith.constant 0 : i32
        %dma_start3A_139 = tpu.memref_slice %arg8[%mul3A_102, %run_scoped3A_119, %dma_start3A_138] : memref<40x1x128xi32, #tpu.memory_space<vmem>> -> memref<1x1x128xi32, #tpu.memory_space<vmem>>
        %dma_start3A_140 = tpu.memref_squeeze %dma_start3A_139 : memref<1x1x128xi32, #tpu.memory_space<vmem>> -> memref<128xi32, #tpu.memory_space<vmem>>
        %dma_start3A_141 = arith.constant 0 : i32
        %dma_start3A_142 = arith.constant 0 : i32
        %dma_start3A_143 = tpu.memref_slice %arg11[%dma_start3A_141, %dma_start3A_142] : memref<10240x128xf32, #tpu.memory_space<vmem_shared>> -> memref<10240x128xf32, #tpu.memory_space<vmem_shared>>
        tpu.enqueue_indirect_dma source(%arg9 : memref<128x128xf32, #tpu.memory_space<vmem>>) target(%dma_start3A_143 : memref<10240x128xf32, #tpu.memory_space<vmem_shared>>) offsets(%dma_start3A_140 : memref<128xi32, #tpu.memory_space<vmem>>) semaphore(%run_scoped3A_137 : memref<!tpu.dma_semaphore, #tpu.memory_space<semaphore_mem>>) {add = true}
        %dma_wait3A_144 = arith.constant 0 : i32
        %dma_wait3A_145 = tpu.memref_slice %arg8[%mul3A_102, %run_scoped3A_119, %dma_wait3A_144] : memref<40x1x128xi32, #tpu.memory_space<vmem>> -> memref<1x1x128xi32, #tpu.memory_space<vmem>>
        %dma_wait3A_146 = tpu.memref_squeeze %dma_wait3A_145 : memref<1x1x128xi32, #tpu.memory_space<vmem>> -> memref<128xi32, #tpu.memory_space<vmem>>
        %dma_wait3A_147 = arith.constant 0 : i32
        %dma_wait3A_148 = arith.constant 0 : i32
        %dma_wait3A_149 = tpu.memref_slice %arg11[%dma_wait3A_147, %dma_wait3A_148] : memref<10240x128xf32, #tpu.memory_space<vmem_shared>> -> memref<10240x128xf32, #tpu.memory_space<vmem_shared>>
        tpu.wait_indirect_dma semaphore(%run_scoped3A_137 : memref<!tpu.dma_semaphore, #tpu.memory_space<semaphore_mem>>) src(%arg9 : memref<128x128xf32, #tpu.memory_space<vmem>>) dst(%dma_wait3A_149 : memref<10240x128xf32, #tpu.memory_space<vmem_shared>>)
        tpu.yield
      }) : () -> ()
      %add3A_120 = arith.constant 2 : i32
      %add3A_121 = arith.addi %mul3A_102, %add3A_120 : i32
      %dma_start3A_122 = arith.constant 0 : i32
      %dma_start3A_123 = arith.constant 0 : i32
      %dma_start3A_124 = tpu.memref_slice %arg7[%add3A_121, %dma_start3A_122, %dma_start3A_123] : memref<40x1x128xi32, #tpu.memory_space<vmem>> -> memref<1x1x128xi32, #tpu.memory_space<vmem>>
      %dma_start3A_125 = tpu.memref_squeeze %dma_start3A_124 : memref<1x1x128xi32, #tpu.memory_space<vmem>> -> memref<128xi32, #tpu.memory_space<vmem>>
      %dma_start3A_126 = arith.constant 0 : i32
      %dma_start3A_127 = arith.constant 0 : i32
      %dma_start3A_128 = tpu.memref_slice %arg2[%dma_start3A_126, %dma_start3A_127] : memref<10000x128xf32, #tpu.memory_space<hbm>> -> memref<10000x128xf32, #tpu.memory_space<hbm>>
      tpu.enqueue_indirect_dma source(%dma_start3A_128 : memref<10000x128xf32, #tpu.memory_space<hbm>>) target(%arg9 : memref<128x128xf32, #tpu.memory_space<vmem>>) offsets(%dma_start3A_125 : memref<128xi32, #tpu.memory_space<vmem>>) semaphore(%arg12 : memref<!tpu.dma_semaphore, #tpu.memory_space<semaphore_mem>>)
      %dma_wait3A_129 = arith.constant 0 : i32
      %dma_wait3A_130 = arith.constant 0 : i32
      %dma_wait3A_131 = tpu.memref_slice %arg7[%add3A_104, %dma_wait3A_129, %dma_wait3A_130] : memref<40x1x128xi32, #tpu.memory_space<vmem>> -> memref<1x1x128xi32, #tpu.memory_space<vmem>>
      %dma_wait3A_132 = tpu.memref_squeeze %dma_wait3A_131 : memref<1x1x128xi32, #tpu.memory_space<vmem>> -> memref<128xi32, #tpu.memory_space<vmem>>
      %dma_wait3A_133 = arith.constant 0 : i32
      %dma_wait3A_134 = arith.constant 0 : i32
      %dma_wait3A_135 = tpu.memref_slice %arg2[%dma_wait3A_133, %dma_wait3A_134] : memref<10000x128xf32, #tpu.memory_space<hbm>> -> memref<10000x128xf32, #tpu.memory_space<hbm>>
      tpu.wait_indirect_dma semaphore(%arg13 : memref<!tpu.dma_semaphore, #tpu.memory_space<semaphore_mem>>) src(%dma_wait3A_135 : memref<10000x128xf32, #tpu.memory_space<hbm>>) dst(%arg10 : memref<128x128xf32, #tpu.memory_space<vmem>>)
      %run_scoped3A_136 = arith.constant 0 : i32
      "tpu.region"() ({
        %run_scoped3A_137 = tpu.sem_alloc : memref<!tpu.dma_semaphore, #tpu.memory_space<semaphore_mem>>
        %dma_start3A_138 = arith.constant 0 : i32
        %dma_start3A_139 = tpu.memref_slice %arg8[%add3A_104, %run_scoped3A_136, %dma_start3A_138] : memref<40x1x128xi32, #tpu.memory_space<vmem>> -> memref<1x1x128xi32, #tpu.memory_space<vmem>>
        %dma_start3A_140 = tpu.memref_squeeze %dma_start3A_139 : memref<1x1x128xi32, #tpu.memory_space<vmem>> -> memref<128xi32, #tpu.memory_space<vmem>>
        %dma_start3A_141 = arith.constant 0 : i32
        %dma_start3A_142 = arith.constant 0 : i32
        %dma_start3A_143 = tpu.memref_slice %arg11[%dma_start3A_141, %dma_start3A_142] : memref<10240x128xf32, #tpu.memory_space<vmem_shared>> -> memref<10240x128xf32, #tpu.memory_space<vmem_shared>>
        tpu.enqueue_indirect_dma source(%arg10 : memref<128x128xf32, #tpu.memory_space<vmem>>) target(%dma_start3A_143 : memref<10240x128xf32, #tpu.memory_space<vmem_shared>>) offsets(%dma_start3A_140 : memref<128xi32, #tpu.memory_space<vmem>>) semaphore(%run_scoped3A_137 : memref<!tpu.dma_semaphore, #tpu.memory_space<semaphore_mem>>) {add = true}
        %dma_wait3A_144 = arith.constant 0 : i32
        %dma_wait3A_145 = tpu.memref_slice %arg8[%add3A_104, %run_scoped3A_136, %dma_wait3A_144] : memref<40x1x128xi32, #tpu.memory_space<vmem>> -> memref<1x1x128xi32, #tpu.memory_space<vmem>>
        %dma_wait3A_146 = tpu.memref_squeeze %dma_wait3A_145 : memref<1x1x128xi32, #tpu.memory_space<vmem>> -> memref<128xi32, #tpu.memory_space<vmem>>
        %dma_wait3A_147 = arith.constant 0 : i32
        %dma_wait3A_148 = arith.constant 0 : i32
        %dma_wait3A_149 = tpu.memref_slice %arg11[%dma_wait3A_147, %dma_wait3A_148] : memref<10240x128xf32, #tpu.memory_space<vmem_shared>> -> memref<10240x128xf32, #tpu.memory_space<vmem_shared>>
        tpu.wait_indirect_dma semaphore(%run_scoped3A_137 : memref<!tpu.dma_semaphore, #tpu.memory_space<semaphore_mem>>) src(%arg10 : memref<128x128xf32, #tpu.memory_space<vmem>>) dst(%dma_wait3A_149 : memref<10240x128xf32, #tpu.memory_space<vmem_shared>>)
        tpu.yield
      }) : () -> ()
    }
    %scan3A_24 = arith.constant 19 : i32
    %dma_start3A_25 = arith.constant 39 : i32
    %dma_start3A_26 = arith.constant 0 : i32
    %dma_start3A_27 = arith.constant 0 : i32
    %dma_start3A_28 = tpu.memref_slice %arg7[%dma_start3A_25, %dma_start3A_26, %dma_start3A_27] : memref<40x1x128xi32, #tpu.memory_space<vmem>> -> memref<1x1x128xi32, #tpu.memory_space<vmem>>
    %dma_start3A_29 = tpu.memref_squeeze %dma_start3A_28 : memref<1x1x128xi32, #tpu.memory_space<vmem>> -> memref<128xi32, #tpu.memory_space<vmem>>
    %dma_start3A_30 = arith.constant 0 : i32
    %dma_start3A_31 = arith.constant 0 : i32
    %dma_start3A_32 = tpu.memref_slice %arg2[%dma_start3A_30, %dma_start3A_31] : memref<10000x128xf32, #tpu.memory_space<hbm>> -> memref<10000x128xf32, #tpu.memory_space<hbm>>
    tpu.enqueue_indirect_dma source(%dma_start3A_32 : memref<10000x128xf32, #tpu.memory_space<hbm>>) target(%arg10 : memref<128x128xf32, #tpu.memory_space<vmem>>) offsets(%dma_start3A_29 : memref<128xi32, #tpu.memory_space<vmem>>) semaphore(%arg13 : memref<!tpu.dma_semaphore, #tpu.memory_space<semaphore_mem>>)
    %dma_wait3A_33 = arith.constant 38 : i32
    %dma_wait3A_34 = arith.constant 0 : i32
    %dma_wait3A_35 = arith.constant 0 : i32
    %dma_wait3A_36 = tpu.memref_slice %arg7[%dma_wait3A_33, %dma_wait3A_34, %dma_wait3A_35] : memref<40x1x128xi32, #tpu.memory_space<vmem>> -> memref<1x1x128xi32, #tpu.memory_space<vmem>>
    %dma_wait3A_37 = tpu.memref_squeeze %dma_wait3A_36 : memref<1x1x128xi32, #tpu.memory_space<vmem>> -> memref<128xi32, #tpu.memory_space<vmem>>
    %dma_wait3A_38 = arith.constant 0 : i32
    %dma_wait3A_39 = arith.constant 0 : i32
    %dma_wait3A_40 = tpu.memref_slice %arg2[%dma_wait3A_38, %dma_wait3A_39] : memref<10000x128xf32, #tpu.memory_space<hbm>> -> memref<10000x128xf32, #tpu.memory_space<hbm>>
    tpu.wait_indirect_dma semaphore(%arg12 : memref<!tpu.dma_semaphore, #tpu.memory_space<semaphore_mem>>) src(%dma_wait3A_40 : memref<10000x128xf32, #tpu.memory_space<hbm>>) dst(%arg9 : memref<128x128xf32, #tpu.memory_space<vmem>>)
    %run_scoped3A = arith.constant 38 : i32
    %run_scoped3A_41 = arith.constant 0 : i32
    "tpu.region"() ({
      %run_scoped3A_96 = tpu.sem_alloc : memref<!tpu.dma_semaphore, #tpu.memory_space<semaphore_mem>>
      %dma_start3A_97 = arith.constant 0 : i32
      %dma_start3A_98 = tpu.memref_slice %arg8[%run_scoped3A, %run_scoped3A_41, %dma_start3A_97] : memref<40x1x128xi32, #tpu.memory_space<vmem>> -> memref<1x1x128xi32, #tpu.memory_space<vmem>>
      %dma_start3A_99 = tpu.memref_squeeze %dma_start3A_98 : memref<1x1x128xi32, #tpu.memory_space<vmem>> -> memref<128xi32, #tpu.memory_space<vmem>>
      %dma_start3A_100 = arith.constant 0 : i32
      %dma_start3A_101 = arith.constant 0 : i32
      %dma_start3A_102 = tpu.memref_slice %arg11[%dma_start3A_100, %dma_start3A_101] : memref<10240x128xf32, #tpu.memory_space<vmem_shared>> -> memref<10240x128xf32, #tpu.memory_space<vmem_shared>>
      tpu.enqueue_indirect_dma source(%arg9 : memref<128x128xf32, #tpu.memory_space<vmem>>) target(%dma_start3A_102 : memref<10240x128xf32, #tpu.memory_space<vmem_shared>>) offsets(%dma_start3A_99 : memref<128xi32, #tpu.memory_space<vmem>>) semaphore(%run_scoped3A_96 : memref<!tpu.dma_semaphore, #tpu.memory_space<semaphore_mem>>) {add = true}
      %dma_wait3A_103 = arith.constant 0 : i32
      %dma_wait3A_104 = tpu.memref_slice %arg8[%run_scoped3A, %run_scoped3A_41, %dma_wait3A_103] : memref<40x1x128xi32, #tpu.memory_space<vmem>> -> memref<1x1x128xi32, #tpu.memory_space<vmem>>
      %dma_wait3A_105 = tpu.memref_squeeze %dma_wait3A_104 : memref<1x1x128xi32, #tpu.memory_space<vmem>> -> memref<128xi32, #tpu.memory_space<vmem>>
      %dma_wait3A_106 = arith.constant 0 : i32
      %dma_wait3A_107 = arith.constant 0 : i32
      %dma_wait3A_108 = tpu.memref_slice %arg11[%dma_wait3A_106, %dma_wait3A_107] : memref<10240x128xf32, #tpu.memory_space<vmem_shared>> -> memref<10240x128xf32, #tpu.memory_space<vmem_shared>>
      tpu.wait_indirect_dma semaphore(%run_scoped3A_96 : memref<!tpu.dma_semaphore, #tpu.memory_space<semaphore_mem>>) src(%arg9 : memref<128x128xf32, #tpu.memory_space<vmem>>) dst(%dma_wait3A_108 : memref<10240x128xf32, #tpu.memory_space<vmem_shared>>)
      tpu.yield
    }) : () -> ()
    %dma_wait3A_42 = arith.constant 39 : i32
    %dma_wait3A_43 = arith.constant 0 : i32
    %dma_wait3A_44 = arith.constant 0 : i32
    %dma_wait3A_45 = tpu.memref_slice %arg7[%dma_wait3A_42, %dma_wait3A_43, %dma_wait3A_44] : memref<40x1x128xi32, #tpu.memory_space<vmem>> -> memref<1x1x128xi32, #tpu.memory_space<vmem>>
    %dma_wait3A_46 = tpu.memref_squeeze %dma_wait3A_45 : memref<1x1x128xi32, #tpu.memory_space<vmem>> -> memref<128xi32, #tpu.memory_space<vmem>>
    %dma_wait3A_47 = arith.constant 0 : i32
    %dma_wait3A_48 = arith.constant 0 : i32
    %dma_wait3A_49 = tpu.memref_slice %arg2[%dma_wait3A_47, %dma_wait3A_48] : memref<10000x128xf32, #tpu.memory_space<hbm>> -> memref<10000x128xf32, #tpu.memory_space<hbm>>
    tpu.wait_indirect_dma semaphore(%arg13 : memref<!tpu.dma_semaphore, #tpu.memory_space<semaphore_mem>>) src(%dma_wait3A_49 : memref<10000x128xf32, #tpu.memory_space<hbm>>) dst(%arg10 : memref<128x128xf32, #tpu.memory_space<vmem>>)
    %run_scoped3A_50 = arith.constant 39 : i32
    %run_scoped3A_51 = arith.constant 0 : i32
    "tpu.region"() ({
      %run_scoped3A_96 = tpu.sem_alloc : memref<!tpu.dma_semaphore, #tpu.memory_space<semaphore_mem>>
      %dma_start3A_97 = arith.constant 0 : i32
      %dma_start3A_98 = tpu.memref_slice %arg8[%run_scoped3A_50, %run_scoped3A_51, %dma_start3A_97] : memref<40x1x128xi32, #tpu.memory_space<vmem>> -> memref<1x1x128xi32, #tpu.memory_space<vmem>>
      %dma_start3A_99 = tpu.memref_squeeze %dma_start3A_98 : memref<1x1x128xi32, #tpu.memory_space<vmem>> -> memref<128xi32, #tpu.memory_space<vmem>>
      %dma_start3A_100 = arith.constant 0 : i32
      %dma_start3A_101 = arith.constant 0 : i32
      %dma_start3A_102 = tpu.memref_slice %arg11[%dma_start3A_100, %dma_start3A_101] : memref<10240x128xf32, #tpu.memory_space<vmem_shared>> -> memref<10240x128xf32, #tpu.memory_space<vmem_shared>>
      tpu.enqueue_indirect_dma source(%arg10 : memref<128x128xf32, #tpu.memory_space<vmem>>) target(%dma_start3A_102 : memref<10240x128xf32, #tpu.memory_space<vmem_shared>>) offsets(%dma_start3A_99 : memref<128xi32, #tpu.memory_space<vmem>>) semaphore(%run_scoped3A_96 : memref<!tpu.dma_semaphore, #tpu.memory_space<semaphore_mem>>) {add = true}
      %dma_wait3A_103 = arith.constant 0 : i32
      %dma_wait3A_104 = tpu.memref_slice %arg8[%run_scoped3A_50, %run_scoped3A_51, %dma_wait3A_103] : memref<40x1x128xi32, #tpu.memory_space<vmem>> -> memref<1x1x128xi32, #tpu.memory_space<vmem>>
      %dma_wait3A_105 = tpu.memref_squeeze %dma_wait3A_104 : memref<1x1x128xi32, #tpu.memory_space<vmem>> -> memref<128xi32, #tpu.memory_space<vmem>>
      %dma_wait3A_106 = arith.constant 0 : i32
      %dma_wait3A_107 = arith.constant 0 : i32
      %dma_wait3A_108 = tpu.memref_slice %arg11[%dma_wait3A_106, %dma_wait3A_107] : memref<10240x128xf32, #tpu.memory_space<vmem_shared>> -> memref<10240x128xf32, #tpu.memory_space<vmem_shared>>
      tpu.wait_indirect_dma semaphore(%run_scoped3A_96 : memref<!tpu.dma_semaphore, #tpu.memory_space<semaphore_mem>>) src(%arg10 : memref<128x128xf32, #tpu.memory_space<vmem>>) dst(%dma_wait3A_108 : memref<10240x128xf32, #tpu.memory_space<vmem_shared>>)
      tpu.yield
    }) : () -> ()
    %add3A_52 = arith.constant 40 : i32
    %add3A_53 = arith.addi %mul3A_2, %add3A_52 : i32
    "tpu.region"() ({
      %run_scoped3A_96 = tpu.sem_alloc : memref<!tpu.dma_semaphore, #tpu.memory_space<semaphore_mem>>
      %dma_start3A_97 = arith.constant 0 : i32
      %dma_start3A_98 = arith.constant 0 : i32
      %dma_start3A_99 = tpu.memref_slice %arg3[%add3A_53, %dma_start3A_97, %dma_start3A_98] : memref<2560x1x128xi32, #tpu.memory_space<hbm>> -> memref<40x1x128xi32, #tpu.memory_space<hbm>>
      %dma_start3A_100 = arith.constant 0 : i32
      %dma_start3A_101 = arith.constant 0 : i32
      %dma_start3A_102 = tpu.memref_slice %arg3[%add3A_53, %dma_start3A_100, %dma_start3A_101] : memref<2560x1x128xi32, #tpu.memory_space<hbm>> -> memref<40x1x128xi32, #tpu.memory_space<hbm>>
      tpu.enqueue_dma source(%dma_start3A_102 : memref<40x1x128xi32, #tpu.memory_space<hbm>>) target(%arg7 : memref<40x1x128xi32, #tpu.memory_space<vmem>>) target_semaphore(%run_scoped3A_96 : memref<!tpu.dma_semaphore, #tpu.memory_space<semaphore_mem>>)
      %dma_wait3A_103 = arith.constant 0 : i32
      %dma_wait3A_104 = arith.constant 0 : i32
      %dma_wait3A_105 = tpu.memref_slice %arg3[%add3A_53, %dma_wait3A_103, %dma_wait3A_104] : memref<2560x1x128xi32, #tpu.memory_space<hbm>> -> memref<40x1x128xi32, #tpu.memory_space<hbm>>
      %dma_wait3A_106 = arith.constant 0 : i32
      %dma_wait3A_107 = arith.constant 0 : i32
      %dma_wait3A_108 = tpu.memref_slice %arg3[%add3A_53, %dma_wait3A_106, %dma_wait3A_107] : memref<2560x1x128xi32, #tpu.memory_space<hbm>> -> memref<40x1x128xi32, #tpu.memory_space<hbm>>
      tpu.wait_dma2 semaphore(%run_scoped3A_96 : memref<!tpu.dma_semaphore, #tpu.memory_space<semaphore_mem>>) src(%dma_wait3A_108 : memref<40x1x128xi32, #tpu.memory_space<hbm>>) dst(%arg7 : memref<40x1x128xi32, #tpu.memory_space<vmem>>)
      tpu.yield
    }) : () -> ()
    "tpu.region"() ({
      %run_scoped3A_96 = tpu.sem_alloc : memref<!tpu.dma_semaphore, #tpu.memory_space<semaphore_mem>>
      %dma_start3A_97 = arith.constant 0 : i32
      %dma_start3A_98 = arith.constant 0 : i32
      %dma_start3A_99 = tpu.memref_slice %arg4[%add3A_53, %dma_start3A_97, %dma_start3A_98] : memref<2560x1x128xi32, #tpu.memory_space<hbm>> -> memref<40x1x128xi32, #tpu.memory_space<hbm>>
      %dma_start3A_100 = arith.constant 0 : i32
      %dma_start3A_101 = arith.constant 0 : i32
      %dma_start3A_102 = tpu.memref_slice %arg4[%add3A_53, %dma_start3A_100, %dma_start3A_101] : memref<2560x1x128xi32, #tpu.memory_space<hbm>> -> memref<40x1x128xi32, #tpu.memory_space<hbm>>
      tpu.enqueue_dma source(%dma_start3A_102 : memref<40x1x128xi32, #tpu.memory_space<hbm>>) target(%arg8 : memref<40x1x128xi32, #tpu.memory_space<vmem>>) target_semaphore(%run_scoped3A_96 : memref<!tpu.dma_semaphore, #tpu.memory_space<semaphore_mem>>)
      %dma_wait3A_103 = arith.constant 0 : i32
      %dma_wait3A_104 = arith.constant 0 : i32
      %dma_wait3A_105 = tpu.memref_slice %arg4[%add3A_53, %dma_wait3A_103, %dma_wait3A_104] : memref<2560x1x128xi32, #tpu.memory_space<hbm>> -> memref<40x1x128xi32, #tpu.memory_space<hbm>>
      %dma_wait3A_106 = arith.constant 0 : i32
      %dma_wait3A_107 = arith.constant 0 : i32
      %dma_wait3A_108 = tpu.memref_slice %arg4[%add3A_53, %dma_wait3A_106, %dma_wait3A_107] : memref<2560x1x128xi32, #tpu.memory_space<hbm>> -> memref<40x1x128xi32, #tpu.memory_space<hbm>>
      tpu.wait_dma2 semaphore(%run_scoped3A_96 : memref<!tpu.dma_semaphore, #tpu.memory_space<semaphore_mem>>) src(%dma_wait3A_108 : memref<40x1x128xi32, #tpu.memory_space<hbm>>) dst(%arg8 : memref<40x1x128xi32, #tpu.memory_space<vmem>>)
      tpu.yield
    }) : () -> ()
    %dma_start3A_54 = arith.constant 0 : i32
    %dma_start3A_55 = arith.constant 0 : i32
    %dma_start3A_56 = arith.constant 0 : i32
    %dma_start3A_57 = tpu.memref_slice %arg7[%dma_start3A_54, %dma_start3A_55, %dma_start3A_56] : memref<40x1x128xi32, #tpu.memory_space<vmem>> -> memref<1x1x128xi32, #tpu.memory_space<vmem>>
    %dma_start3A_58 = tpu.memref_squeeze %dma_start3A_57 : memref<1x1x128xi32, #tpu.memory_space<vmem>> -> memref<128xi32, #tpu.memory_space<vmem>>
    %dma_start3A_59 = arith.constant 0 : i32
    %dma_start3A_60 = arith.constant 0 : i32
    %dma_start3A_61 = tpu.memref_slice %arg2[%dma_start3A_59, %dma_start3A_60] : memref<10000x128xf32, #tpu.memory_space<hbm>> -> memref<10000x128xf32, #tpu.memory_space<hbm>>
    tpu.enqueue_indirect_dma source(%dma_start3A_61 : memref<10000x128xf32, #tpu.memory_space<hbm>>) target(%arg9 : memref<128x128xf32, #tpu.memory_space<vmem>>) offsets(%dma_start3A_58 : memref<128xi32, #tpu.memory_space<vmem>>) semaphore(%arg12 : memref<!tpu.dma_semaphore, #tpu.memory_space<semaphore_mem>>)
    %scan3A_62 = arith.constant 0 : i32
    %scan3A_63 = arith.constant 19 : i32
    %scan3A_64 = arith.addi %scan3A_62, %scan3A_63 : i32
    %scan3A_65 = arith.constant 1 : i32
    scf.for %scan3A_96 = %scan3A_62 to %scan3A_64 step %scan3A_65  : i32 {
      %mul3A_97 = arith.constant 1 : i32
      %mul3A_98 = arith.muli %scan3A_96, %mul3A_97 : i32
      %add3A_99 = arith.constant 0 : i32
      %add3A_100 = arith.addi %add3A_99, %mul3A_98 : i32
      %mul3A_101 = arith.constant 2 : i32
      %mul3A_102 = arith.muli %add3A_100, %mul3A_101 : i32
      %add3A_103 = arith.constant 1 : i32
      %add3A_104 = arith.addi %mul3A_102, %add3A_103 : i32
      %dma_start3A_105 = arith.constant 0 : i32
      %dma_start3A_106 = arith.constant 0 : i32
      %dma_start3A_107 = tpu.memref_slice %arg7[%add3A_104, %dma_start3A_105, %dma_start3A_106] : memref<40x1x128xi32, #tpu.memory_space<vmem>> -> memref<1x1x128xi32, #tpu.memory_space<vmem>>
      %dma_start3A_108 = tpu.memref_squeeze %dma_start3A_107 : memref<1x1x128xi32, #tpu.memory_space<vmem>> -> memref<128xi32, #tpu.memory_space<vmem>>
      %dma_start3A_109 = arith.constant 0 : i32
      %dma_start3A_110 = arith.constant 0 : i32
      %dma_start3A_111 = tpu.memref_slice %arg2[%dma_start3A_109, %dma_start3A_110] : memref<10000x128xf32, #tpu.memory_space<hbm>> -> memref<10000x128xf32, #tpu.memory_space<hbm>>
      tpu.enqueue_indirect_dma source(%dma_start3A_111 : memref<10000x128xf32, #tpu.memory_space<hbm>>) target(%arg10 : memref<128x128xf32, #tpu.memory_space<vmem>>) offsets(%dma_start3A_108 : memref<128xi32, #tpu.memory_space<vmem>>) semaphore(%arg13 : memref<!tpu.dma_semaphore, #tpu.memory_space<semaphore_mem>>)
      %dma_wait3A_112 = arith.constant 0 : i32
      %dma_wait3A_113 = arith.constant 0 : i32
      %dma_wait3A_114 = tpu.memref_slice %arg7[%mul3A_102, %dma_wait3A_112, %dma_wait3A_113] : memref<40x1x128xi32, #tpu.memory_space<vmem>> -> memref<1x1x128xi32, #tpu.memory_space<vmem>>
      %dma_wait3A_115 = tpu.memref_squeeze %dma_wait3A_114 : memref<1x1x128xi32, #tpu.memory_space<vmem>> -> memref<128xi32, #tpu.memory_space<vmem>>
      %dma_wait3A_116 = arith.constant 0 : i32
      %dma_wait3A_117 = arith.constant 0 : i32
      %dma_wait3A_118 = tpu.memref_slice %arg2[%dma_wait3A_116, %dma_wait3A_117] : memref<10000x128xf32, #tpu.memory_space<hbm>> -> memref<10000x128xf32, #tpu.memory_space<hbm>>
      tpu.wait_indirect_dma semaphore(%arg12 : memref<!tpu.dma_semaphore, #tpu.memory_space<semaphore_mem>>) src(%dma_wait3A_118 : memref<10000x128xf32, #tpu.memory_space<hbm>>) dst(%arg9 : memref<128x128xf32, #tpu.memory_space<vmem>>)
      %run_scoped3A_119 = arith.constant 0 : i32
      "tpu.region"() ({
        %run_scoped3A_137 = tpu.sem_alloc : memref<!tpu.dma_semaphore, #tpu.memory_space<semaphore_mem>>
        %dma_start3A_138 = arith.constant 0 : i32
        %dma_start3A_139 = tpu.memref_slice %arg8[%mul3A_102, %run_scoped3A_119, %dma_start3A_138] : memref<40x1x128xi32, #tpu.memory_space<vmem>> -> memref<1x1x128xi32, #tpu.memory_space<vmem>>
        %dma_start3A_140 = tpu.memref_squeeze %dma_start3A_139 : memref<1x1x128xi32, #tpu.memory_space<vmem>> -> memref<128xi32, #tpu.memory_space<vmem>>
        %dma_start3A_141 = arith.constant 0 : i32
        %dma_start3A_142 = arith.constant 0 : i32
        %dma_start3A_143 = tpu.memref_slice %arg11[%dma_start3A_141, %dma_start3A_142] : memref<10240x128xf32, #tpu.memory_space<vmem_shared>> -> memref<10240x128xf32, #tpu.memory_space<vmem_shared>>
        tpu.enqueue_indirect_dma source(%arg9 : memref<128x128xf32, #tpu.memory_space<vmem>>) target(%dma_start3A_143 : memref<10240x128xf32, #tpu.memory_space<vmem_shared>>) offsets(%dma_start3A_140 : memref<128xi32, #tpu.memory_space<vmem>>) semaphore(%run_scoped3A_137 : memref<!tpu.dma_semaphore, #tpu.memory_space<semaphore_mem>>) {add = true}
        %dma_wait3A_144 = arith.constant 0 : i32
        %dma_wait3A_145 = tpu.memref_slice %arg8[%mul3A_102, %run_scoped3A_119, %dma_wait3A_144] : memref<40x1x128xi32, #tpu.memory_space<vmem>> -> memref<1x1x128xi32, #tpu.memory_space<vmem>>
        %dma_wait3A_146 = tpu.memref_squeeze %dma_wait3A_145 : memref<1x1x128xi32, #tpu.memory_space<vmem>> -> memref<128xi32, #tpu.memory_space<vmem>>
        %dma_wait3A_147 = arith.constant 0 : i32
        %dma_wait3A_148 = arith.constant 0 : i32
        %dma_wait3A_149 = tpu.memref_slice %arg11[%dma_wait3A_147, %dma_wait3A_148] : memref<10240x128xf32, #tpu.memory_space<vmem_shared>> -> memref<10240x128xf32, #tpu.memory_space<vmem_shared>>
        tpu.wait_indirect_dma semaphore(%run_scoped3A_137 : memref<!tpu.dma_semaphore, #tpu.memory_space<semaphore_mem>>) src(%arg9 : memref<128x128xf32, #tpu.memory_space<vmem>>) dst(%dma_wait3A_149 : memref<10240x128xf32, #tpu.memory_space<vmem_shared>>)
        tpu.yield
      }) : () -> ()
      %add3A_120 = arith.constant 2 : i32
      %add3A_121 = arith.addi %mul3A_102, %add3A_120 : i32
      %dma_start3A_122 = arith.constant 0 : i32
      %dma_start3A_123 = arith.constant 0 : i32
      %dma_start3A_124 = tpu.memref_slice %arg7[%add3A_121, %dma_start3A_122, %dma_start3A_123] : memref<40x1x128xi32, #tpu.memory_space<vmem>> -> memref<1x1x128xi32, #tpu.memory_space<vmem>>
      %dma_start3A_125 = tpu.memref_squeeze %dma_start3A_124 : memref<1x1x128xi32, #tpu.memory_space<vmem>> -> memref<128xi32, #tpu.memory_space<vmem>>
      %dma_start3A_126 = arith.constant 0 : i32
      %dma_start3A_127 = arith.constant 0 : i32
      %dma_start3A_128 = tpu.memref_slice %arg2[%dma_start3A_126, %dma_start3A_127] : memref<10000x128xf32, #tpu.memory_space<hbm>> -> memref<10000x128xf32, #tpu.memory_space<hbm>>
      tpu.enqueue_indirect_dma source(%dma_start3A_128 : memref<10000x128xf32, #tpu.memory_space<hbm>>) target(%arg9 : memref<128x128xf32, #tpu.memory_space<vmem>>) offsets(%dma_start3A_125 : memref<128xi32, #tpu.memory_space<vmem>>) semaphore(%arg12 : memref<!tpu.dma_semaphore, #tpu.memory_space<semaphore_mem>>)
      %dma_wait3A_129 = arith.constant 0 : i32
      %dma_wait3A_130 = arith.constant 0 : i32
      %dma_wait3A_131 = tpu.memref_slice %arg7[%add3A_104, %dma_wait3A_129, %dma_wait3A_130] : memref<40x1x128xi32, #tpu.memory_space<vmem>> -> memref<1x1x128xi32, #tpu.memory_space<vmem>>
      %dma_wait3A_132 = tpu.memref_squeeze %dma_wait3A_131 : memref<1x1x128xi32, #tpu.memory_space<vmem>> -> memref<128xi32, #tpu.memory_space<vmem>>
      %dma_wait3A_133 = arith.constant 0 : i32
      %dma_wait3A_134 = arith.constant 0 : i32
      %dma_wait3A_135 = tpu.memref_slice %arg2[%dma_wait3A_133, %dma_wait3A_134] : memref<10000x128xf32, #tpu.memory_space<hbm>> -> memref<10000x128xf32, #tpu.memory_space<hbm>>
      tpu.wait_indirect_dma semaphore(%arg13 : memref<!tpu.dma_semaphore, #tpu.memory_space<semaphore_mem>>) src(%dma_wait3A_135 : memref<10000x128xf32, #tpu.memory_space<hbm>>) dst(%arg10 : memref<128x128xf32, #tpu.memory_space<vmem>>)
      %run_scoped3A_136 = arith.constant 0 : i32
      "tpu.region"() ({
        %run_scoped3A_137 = tpu.sem_alloc : memref<!tpu.dma_semaphore, #tpu.memory_space<semaphore_mem>>
        %dma_start3A_138 = arith.constant 0 : i32
        %dma_start3A_139 = tpu.memref_slice %arg8[%add3A_104, %run_scoped3A_136, %dma_start3A_138] : memref<40x1x128xi32, #tpu.memory_space<vmem>> -> memref<1x1x128xi32, #tpu.memory_space<vmem>>
        %dma_start3A_140 = tpu.memref_squeeze %dma_start3A_139 : memref<1x1x128xi32, #tpu.memory_space<vmem>> -> memref<128xi32, #tpu.memory_space<vmem>>
        %dma_start3A_141 = arith.constant 0 : i32
        %dma_start3A_142 = arith.constant 0 : i32
        %dma_start3A_143 = tpu.memref_slice %arg11[%dma_start3A_141, %dma_start3A_142] : memref<10240x128xf32, #tpu.memory_space<vmem_shared>> -> memref<10240x128xf32, #tpu.memory_space<vmem_shared>>
        tpu.enqueue_indirect_dma source(%arg10 : memref<128x128xf32, #tpu.memory_space<vmem>>) target(%dma_start3A_143 : memref<10240x128xf32, #tpu.memory_space<vmem_shared>>) offsets(%dma_start3A_140 : memref<128xi32, #tpu.memory_space<vmem>>) semaphore(%run_scoped3A_137 : memref<!tpu.dma_semaphore, #tpu.memory_space<semaphore_mem>>) {add = true}
        %dma_wait3A_144 = arith.constant 0 : i32
        %dma_wait3A_145 = tpu.memref_slice %arg8[%add3A_104, %run_scoped3A_136, %dma_wait3A_144] : memref<40x1x128xi32, #tpu.memory_space<vmem>> -> memref<1x1x128xi32, #tpu.memory_space<vmem>>
        %dma_wait3A_146 = tpu.memref_squeeze %dma_wait3A_145 : memref<1x1x128xi32, #tpu.memory_space<vmem>> -> memref<128xi32, #tpu.memory_space<vmem>>
        %dma_wait3A_147 = arith.constant 0 : i32
        %dma_wait3A_148 = arith.constant 0 : i32
        %dma_wait3A_149 = tpu.memref_slice %arg11[%dma_wait3A_147, %dma_wait3A_148] : memref<10240x128xf32, #tpu.memory_space<vmem_shared>> -> memref<10240x128xf32, #tpu.memory_space<vmem_shared>>
        tpu.wait_indirect_dma semaphore(%run_scoped3A_137 : memref<!tpu.dma_semaphore, #tpu.memory_space<semaphore_mem>>) src(%arg10 : memref<128x128xf32, #tpu.memory_space<vmem>>) dst(%dma_wait3A_149 : memref<10240x128xf32, #tpu.memory_space<vmem_shared>>)
        tpu.yield
      }) : () -> ()
    }
    %scan3A_66 = arith.constant 19 : i32
    %dma_start3A_67 = arith.constant 39 : i32
    %dma_start3A_68 = arith.constant 0 : i32
    %dma_start3A_69 = arith.constant 0 : i32
    %dma_start3A_70 = tpu.memref_slice %arg7[%dma_start3A_67, %dma_start3A_68, %dma_start3A_69] : memref<40x1x128xi32, #tpu.memory_space<vmem>> -> memref<1x1x128xi32, #tpu.memory_space<vmem>>
    %dma_start3A_71 = tpu.memref_squeeze %dma_start3A_70 : memref<1x1x128xi32, #tpu.memory_space<vmem>> -> memref<128xi32, #tpu.memory_space<vmem>>
    %dma_start3A_72 = arith.constant 0 : i32
    %dma_start3A_73 = arith.constant 0 : i32
    %dma_start3A_74 = tpu.memref_slice %arg2[%dma_start3A_72, %dma_start3A_73] : memref<10000x128xf32, #tpu.memory_space<hbm>> -> memref<10000x128xf32, #tpu.memory_space<hbm>>
    tpu.enqueue_indirect_dma source(%dma_start3A_74 : memref<10000x128xf32, #tpu.memory_space<hbm>>) target(%arg10 : memref<128x128xf32, #tpu.memory_space<vmem>>) offsets(%dma_start3A_71 : memref<128xi32, #tpu.memory_space<vmem>>) semaphore(%arg13 : memref<!tpu.dma_semaphore, #tpu.memory_space<semaphore_mem>>)
    %dma_wait3A_75 = arith.constant 38 : i32
    %dma_wait3A_76 = arith.constant 0 : i32
    %dma_wait3A_77 = arith.constant 0 : i32
    %dma_wait3A_78 = tpu.memref_slice %arg7[%dma_wait3A_75, %dma_wait3A_76, %dma_wait3A_77] : memref<40x1x128xi32, #tpu.memory_space<vmem>> -> memref<1x1x128xi32, #tpu.memory_space<vmem>>
    %dma_wait3A_79 = tpu.memref_squeeze %dma_wait3A_78 : memref<1x1x128xi32, #tpu.memory_space<vmem>> -> memref<128xi32, #tpu.memory_space<vmem>>
    %dma_wait3A_80 = arith.constant 0 : i32
    %dma_wait3A_81 = arith.constant 0 : i32
    %dma_wait3A_82 = tpu.memref_slice %arg2[%dma_wait3A_80, %dma_wait3A_81] : memref<10000x128xf32, #tpu.memory_space<hbm>> -> memref<10000x128xf32, #tpu.memory_space<hbm>>
    tpu.wait_indirect_dma semaphore(%arg12 : memref<!tpu.dma_semaphore, #tpu.memory_space<semaphore_mem>>) src(%dma_wait3A_82 : memref<10000x128xf32, #tpu.memory_space<hbm>>) dst(%arg9 : memref<128x128xf32, #tpu.memory_space<vmem>>)
    %run_scoped3A_83 = arith.constant 38 : i32
    %run_scoped3A_84 = arith.constant 0 : i32
    "tpu.region"() ({
      %run_scoped3A_96 = tpu.sem_alloc : memref<!tpu.dma_semaphore, #tpu.memory_space<semaphore_mem>>
      %dma_start3A_97 = arith.constant 0 : i32
      %dma_start3A_98 = tpu.memref_slice %arg8[%run_scoped3A_83, %run_scoped3A_84, %dma_start3A_97] : memref<40x1x128xi32, #tpu.memory_space<vmem>> -> memref<1x1x128xi32, #tpu.memory_space<vmem>>
      %dma_start3A_99 = tpu.memref_squeeze %dma_start3A_98 : memref<1x1x128xi32, #tpu.memory_space<vmem>> -> memref<128xi32, #tpu.memory_space<vmem>>
      %dma_start3A_100 = arith.constant 0 : i32
      %dma_start3A_101 = arith.constant 0 : i32
      %dma_start3A_102 = tpu.memref_slice %arg11[%dma_start3A_100, %dma_start3A_101] : memref<10240x128xf32, #tpu.memory_space<vmem_shared>> -> memref<10240x128xf32, #tpu.memory_space<vmem_shared>>
      tpu.enqueue_indirect_dma source(%arg9 : memref<128x128xf32, #tpu.memory_space<vmem>>) target(%dma_start3A_102 : memref<10240x128xf32, #tpu.memory_space<vmem_shared>>) offsets(%dma_start3A_99 : memref<128xi32, #tpu.memory_space<vmem>>) semaphore(%run_scoped3A_96 : memref<!tpu.dma_semaphore, #tpu.memory_space<semaphore_mem>>) {add = true}
      %dma_wait3A_103 = arith.constant 0 : i32
      %dma_wait3A_104 = tpu.memref_slice %arg8[%run_scoped3A_83, %run_scoped3A_84, %dma_wait3A_103] : memref<40x1x128xi32, #tpu.memory_space<vmem>> -> memref<1x1x128xi32, #tpu.memory_space<vmem>>
      %dma_wait3A_105 = tpu.memref_squeeze %dma_wait3A_104 : memref<1x1x128xi32, #tpu.memory_space<vmem>> -> memref<128xi32, #tpu.memory_space<vmem>>
      %dma_wait3A_106 = arith.constant 0 : i32
      %dma_wait3A_107 = arith.constant 0 : i32
      %dma_wait3A_108 = tpu.memref_slice %arg11[%dma_wait3A_106, %dma_wait3A_107] : memref<10240x128xf32, #tpu.memory_space<vmem_shared>> -> memref<10240x128xf32, #tpu.memory_space<vmem_shared>>
      tpu.wait_indirect_dma semaphore(%run_scoped3A_96 : memref<!tpu.dma_semaphore, #tpu.memory_space<semaphore_mem>>) src(%arg9 : memref<128x128xf32, #tpu.memory_space<vmem>>) dst(%dma_wait3A_108 : memref<10240x128xf32, #tpu.memory_space<vmem_shared>>)
      tpu.yield
    }) : () -> ()
    %dma_wait3A_85 = arith.constant 39 : i32
    %dma_wait3A_86 = arith.constant 0 : i32
    %dma_wait3A_87 = arith.constant 0 : i32
    %dma_wait3A_88 = tpu.memref_slice %arg7[%dma_wait3A_85, %dma_wait3A_86, %dma_wait3A_87] : memref<40x1x128xi32, #tpu.memory_space<vmem>> -> memref<1x1x128xi32, #tpu.memory_space<vmem>>
    %dma_wait3A_89 = tpu.memref_squeeze %dma_wait3A_88 : memref<1x1x128xi32, #tpu.memory_space<vmem>> -> memref<128xi32, #tpu.memory_space<vmem>>
    %dma_wait3A_90 = arith.constant 0 : i32
    %dma_wait3A_91 = arith.constant 0 : i32
    %dma_wait3A_92 = tpu.memref_slice %arg2[%dma_wait3A_90, %dma_wait3A_91] : memref<10000x128xf32, #tpu.memory_space<hbm>> -> memref<10000x128xf32, #tpu.memory_space<hbm>>
    tpu.wait_indirect_dma semaphore(%arg13 : memref<!tpu.dma_semaphore, #tpu.memory_space<semaphore_mem>>) src(%dma_wait3A_92 : memref<10000x128xf32, #tpu.memory_space<hbm>>) dst(%arg10 : memref<128x128xf32, #tpu.memory_space<vmem>>)
    %run_scoped3A_93 = arith.constant 39 : i32
    %run_scoped3A_94 = arith.constant 0 : i32
    "tpu.region"() ({
      %run_scoped3A_96 = tpu.sem_alloc : memref<!tpu.dma_semaphore, #tpu.memory_space<semaphore_mem>>
      %dma_start3A_97 = arith.constant 0 : i32
      %dma_start3A_98 = tpu.memref_slice %arg8[%run_scoped3A_93, %run_scoped3A_94, %dma_start3A_97] : memref<40x1x128xi32, #tpu.memory_space<vmem>> -> memref<1x1x128xi32, #tpu.memory_space<vmem>>
      %dma_start3A_99 = tpu.memref_squeeze %dma_start3A_98 : memref<1x1x128xi32, #tpu.memory_space<vmem>> -> memref<128xi32, #tpu.memory_space<vmem>>
      %dma_start3A_100 = arith.constant 0 : i32
      %dma_start3A_101 = arith.constant 0 : i32
      %dma_start3A_102 = tpu.memref_slice %arg11[%dma_start3A_100, %dma_start3A_101] : memref<10240x128xf32, #tpu.memory_space<vmem_shared>> -> memref<10240x128xf32, #tpu.memory_space<vmem_shared>>
      tpu.enqueue_indirect_dma source(%arg10 : memref<128x128xf32, #tpu.memory_space<vmem>>) target(%dma_start3A_102 : memref<10240x128xf32, #tpu.memory_space<vmem_shared>>) offsets(%dma_start3A_99 : memref<128xi32, #tpu.memory_space<vmem>>) semaphore(%run_scoped3A_96 : memref<!tpu.dma_semaphore, #tpu.memory_space<semaphore_mem>>) {add = true}
      %dma_wait3A_103 = arith.constant 0 : i32
      %dma_wait3A_104 = tpu.memref_slice %arg8[%run_scoped3A_93, %run_scoped3A_94, %dma_wait3A_103] : memref<40x1x128xi32, #tpu.memory_space<vmem>> -> memref<1x1x128xi32, #tpu.memory_space<vmem>>
      %dma_wait3A_105 = tpu.memref_squeeze %dma_wait3A_104 : memref<1x1x128xi32, #tpu.memory_space<vmem>> -> memref<128xi32, #tpu.memory_space<vmem>>
      %dma_wait3A_106 = arith.constant 0 : i32
      %dma_wait3A_107 = arith.constant 0 : i32
      %dma_wait3A_108 = tpu.memref_slice %arg11[%dma_wait3A_106, %dma_wait3A_107] : memref<10240x128xf32, #tpu.memory_space<vmem_shared>> -> memref<10240x128xf32, #tpu.memory_space<vmem_shared>>
      tpu.wait_indirect_dma semaphore(%run_scoped3A_96 : memref<!tpu.dma_semaphore, #tpu.memory_space<semaphore_mem>>) src(%arg10 : memref<128x128xf32, #tpu.memory_space<vmem>>) dst(%dma_wait3A_108 : memref<10240x128xf32, #tpu.memory_space<vmem_shared>>)
      tpu.yield
    }) : () -> ()
    %barrier3A_95 = arith.constant 0 : index
    tpu.barrier barrier_id(%barrier3A_95)
    "tpu.region"() ({
      %run_scoped3A_96 = tpu.sem_alloc : memref<!tpu.dma_semaphore, #tpu.memory_space<semaphore_mem>>
      %dma_start3A_97 = arith.constant 0 : i32
      %dma_start3A_98 = tpu.memref_slice %arg6[%arg0, %mul3A_4, %dma_start3A_97] : memref<2x10240x128xf32, #tpu.memory_space<hbm>> -> memref<1x640x128xf32, #tpu.memory_space<hbm>>
      %dma_start3A_99 = tpu.memref_squeeze %dma_start3A_98 : memref<1x640x128xf32, #tpu.memory_space<hbm>> -> memref<640x128xf32, #tpu.memory_space<hbm>>
      %dma_start3A_100 = arith.constant 0 : i32
      %dma_start3A_101 = tpu.memref_slice %arg11[%mul3A_4, %dma_start3A_100] : memref<10240x128xf32, #tpu.memory_space<vmem_shared>> -> memref<640x128xf32, #tpu.memory_space<vmem_shared>>
      tpu.enqueue_dma source(%dma_start3A_101 : memref<640x128xf32, #tpu.memory_space<vmem_shared>>) target(%dma_start3A_99 : memref<640x128xf32, #tpu.memory_space<hbm>>) target_semaphore(%run_scoped3A_96 : memref<!tpu.dma_semaphore, #tpu.memory_space<semaphore_mem>>)
      %dma_wait3A_102 = arith.constant 0 : i32
      %dma_wait3A_103 = tpu.memref_slice %arg6[%arg0, %mul3A_4, %dma_wait3A_102] : memref<2x10240x128xf32, #tpu.memory_space<hbm>> -> memref<1x640x128xf32, #tpu.memory_space<hbm>>
      %dma_wait3A_104 = tpu.memref_squeeze %dma_wait3A_103 : memref<1x640x128xf32, #tpu.memory_space<hbm>> -> memref<640x128xf32, #tpu.memory_space<hbm>>
      %dma_wait3A_105 = arith.constant 0 : i32
      %dma_wait3A_106 = tpu.memref_slice %arg11[%mul3A_4, %dma_wait3A_105] : memref<10240x128xf32, #tpu.memory_space<vmem_shared>> -> memref<640x128xf32, #tpu.memory_space<vmem_shared>>
      tpu.wait_dma2 semaphore(%run_scoped3A_96 : memref<!tpu.dma_semaphore, #tpu.memory_space<semaphore_mem>>) src(%dma_wait3A_106 : memref<640x128xf32, #tpu.memory_space<vmem_shared>>) dst(%dma_wait3A_104 : memref<640x128xf32, #tpu.memory_space<hbm>>)
      tpu.yield
    }) : () -> ()
    return
  }
}

module attributes {stable_mosaic.version = 14 : i64} {
  func.func @_tc1a_body(%arg0: i32, %arg1: memref<2048x128xf32, #tpu.memory_space<vmem>>, %arg2: memref<128x128xf32, #tpu.memory_space<vmem>>, %arg3: memref<2048x128xf32, #tpu.memory_space<vmem>>) attributes {dimension_semantics = [#tpu.dimension_semantics<arbitrary>], iteration_bounds = array<i64: 5>, scalar_prefetch = 0 : i64, scratch_operands = 0 : i64, tpu.core_type = #tpu.core_type<tc>, window_params = [{transform_indices = @transform_0, window_bounds = array<i64: 2048, 128>}, {pipeline_mode = #tpu.pipeline_mode<synchronous>, transform_indices = @transform_1, window_bounds = array<i64: 128, 128>}, {transform_indices = @transform_2, window_bounds = array<i64: 2048, 128>}]} {
    %get3A = arith.constant 0 : index
    %get3A_0 = arith.constant 0 : index
    %get3A_1 = vector.load %arg1[%get3A, %get3A_0] : memref<2048x128xf32, #tpu.memory_space<vmem>>, vector<2048x128xf32>
    %get3A_2 = arith.constant 0 : index
    %get3A_3 = arith.constant 0 : index
    %get3A_4 = vector.load %arg2[%get3A_2, %get3A_3] : memref<128x128xf32, #tpu.memory_space<vmem>>, vector<128x128xf32>
    %dot_general3A = arith.constant dense<0.000000e+00> : vector<2048x128xf32>
    %dot_general3A_5 = tpu.matmul %get3A_1, %get3A_4, %dot_general3A {dimension_numbers = #tpu.dot_dimension_numbers<[1], [0], [0], [1], [0, 0, 1, 1], [], []>, transpose_lhs_hint = false} : vector<2048x128xf32>, vector<128x128xf32>, vector<2048x128xf32> -> vector<2048x128xf32>
    %swap3A = arith.constant 0 : index
    %swap3A_6 = arith.constant 0 : index
    %swap3A_7 = vector.load %arg3[%swap3A, %swap3A_6] : memref<2048x128xf32, #tpu.memory_space<vmem>>, vector<2048x128xf32>
    tpu.vector_store %arg3[%swap3A, %swap3A_6], %dot_general3A_5 {strides = array<i32>} : memref<2048x128xf32, #tpu.memory_space<vmem>>, vector<2048x128xf32>,
    return
  }
  func.func @transform_0(%arg0: i32) -> (i32, i32) {
    %c0_i32 = arith.constant 0 : i32
    %c0_i32_0 = arith.constant 0 : i32
    return %arg0, %c0_i32 : i32, i32
  }
  func.func @transform_1(%arg0: i32) -> (i32, i32) {
    %c0_i32 = arith.constant 0 : i32
    %c0_i32_0 = arith.constant 0 : i32
    %c0_i32_1 = arith.constant 0 : i32
    return %c0_i32, %c0_i32_0 : i32, i32
  }
  func.func @transform_2(%arg0: i32) -> (i32, i32) {
    %c0_i32 = arith.constant 0 : i32
    %c0_i32_0 = arith.constant 0 : i32
    return %arg0, %c0_i32 : i32, i32
  }
}

module attributes {stable_mosaic.version = 14 : i64} {
  func.func @_tc1b_body(%arg0: i32, %arg1: memref<2048x128xf32, #tpu.memory_space<vmem>>, %arg2: memref<2x2048xf32, #tpu.memory_space<vmem>>, %arg3: memref<2048x128xf32, #tpu.memory_space<vmem>>) attributes {dimension_semantics = [#tpu.dimension_semantics<arbitrary>], iteration_bounds = array<i64: 5>, scalar_prefetch = 0 : i64, scratch_operands = 0 : i64, tpu.core_type = #tpu.core_type<tc>, window_params = [{transform_indices = @transform_0, window_bounds = array<i64: 2048, 128>}, {transform_indices = @transform_1, window_bounds = array<i64: 2, 2048>}, {transform_indices = @transform_2, window_bounds = array<i64: 2048, 128>}]} {
    %get3A = arith.constant 0 : index
    %get3A_0 = arith.constant 0 : index
    %get3A_1 = vector.load %arg1[%get3A, %get3A_0] : memref<2048x128xf32, #tpu.memory_space<vmem>>, vector<2048x128xf32>
    %get3A_2 = arith.constant 0 : index
    %get3A_3 = arith.constant 0 : index
    %get3A_4 = vector.load %arg2[%get3A_2, %get3A_3] : memref<2x2048xf32, #tpu.memory_space<vmem>>, vector<2x2048xf32>
    %slice3A = vector.extract_strided_slice %get3A_4 {offsets = [0, 0], sizes = [1, 2048], strides = [1, 1]} : vector<2x2048xf32> to vector<1x2048xf32>
    %slice3A_5 = vector.extract_strided_slice %get3A_4 {offsets = [1, 0], sizes = [1, 2048], strides = [1, 1]} : vector<2x2048xf32> to vector<1x2048xf32>
    %add3A = arith.addf %slice3A, %slice3A_5 : vector<1x2048xf32>
    %add3A_6 = arith.constant 1.000000e+00 : f32
    %add3A_7 = vector.broadcast %add3A_6 : f32 to vector<1x2048xf32>
    %add3A_8 = arith.addf %add3A, %add3A_7 : vector<1x2048xf32>
    %rsqrt3A = math.rsqrt %add3A_8 : vector<1x2048xf32>
    %reshape3A = vector.shape_cast %rsqrt3A : vector<1x2048xf32> to vector<2048x1xf32>
    %mul3A = vector.broadcast %reshape3A : vector<2048x1xf32> to vector<2048x128xf32>
    %mul3A_9 = arith.mulf %get3A_1, %mul3A : vector<2048x128xf32>
    %swap3A = arith.constant 0 : index
    %swap3A_10 = arith.constant 0 : index
    %swap3A_11 = vector.load %arg3[%swap3A, %swap3A_10] : memref<2048x128xf32, #tpu.memory_space<vmem>>, vector<2048x128xf32>
    tpu.vector_store %arg3[%swap3A, %swap3A_10], %mul3A_9 {strides = array<i32>} : memref<2048x128xf32, #tpu.memory_space<vmem>>, vector<2048x128xf32>,
    return
  }
  func.func @transform_0(%arg0: i32) -> (i32, i32) {
    %c0_i32 = arith.constant 0 : i32
    %c0_i32_0 = arith.constant 0 : i32
    return %arg0, %c0_i32 : i32, i32
  }
  func.func @transform_1(%arg0: i32) -> (i32, i32) {
    %c0_i32 = arith.constant 0 : i32
    %c0_i32_0 = arith.constant 0 : i32
    return %c0_i32, %arg0 : i32, i32
  }
  func.func @transform_2(%arg0: i32) -> (i32, i32) {
    %c0_i32 = arith.constant 0 : i32
    %c0_i32_0 = arith.constant 0 : i32
    return %arg0, %c0_i32 : i32, i32
  }
}

module attributes {stable_mosaic.version = 14 : i64} {
  func.func @_tc3_body(%arg0: i32, %arg1: memref<2x2048x128xf32, #tpu.memory_space<vmem>>, %arg2: memref<2048x128xf32, #tpu.memory_space<vmem>>, %arg3: memref<2x2048xf32, #tpu.memory_space<vmem>>, %arg4: memref<1x128xf32, #tpu.memory_space<vmem>>, %arg5: memref<2048x128xf32, #tpu.memory_space<vmem>>, %arg6: memref<128x1xf32, #tpu.memory_space<vmem>>, %arg7: memref<128x1xf32, #tpu.memory_space<vmem>>, %arg8: memref<1x1xf32, #tpu.memory_space<vmem>>, %arg9: memref<2048x1xf32, #tpu.memory_space<vmem>>) attributes {dimension_semantics = [#tpu.dimension_semantics<arbitrary>], iteration_bounds = array<i64: 5>, scalar_prefetch = 0 : i64, scratch_operands = 0 : i64, tpu.core_type = #tpu.core_type<tc>, window_params = [{transform_indices = @transform_0, window_bounds = array<i64: 2, 2048, 128>}, {transform_indices = @transform_1, window_bounds = array<i64: 2048, 128>}, {transform_indices = @transform_2, window_bounds = array<i64: 2, 2048>}, {pipeline_mode = #tpu.pipeline_mode<synchronous>, transform_indices = @transform_3, window_bounds = array<i64: 1, 128>}, {transform_indices = @transform_4, window_bounds = array<i64: 2048, 128>}, {pipeline_mode = #tpu.pipeline_mode<synchronous>, transform_indices = @transform_5, window_bounds = array<i64: 128, 1>}, {pipeline_mode = #tpu.pipeline_mode<synchronous>, transform_indices = @transform_6, window_bounds = array<i64: 128, 1>}, {pipeline_mode = #tpu.pipeline_mode<synchronous>, transform_indices = @transform_7, window_bounds = array<i64: 1, 1>}, {transform_indices = @transform_8, window_bounds = array<i64: 2048, 1>}]} {
    %get3A = arith.constant 0 : index
    %get3A_0 = arith.constant 0 : index
    %get3A_1 = vector.load %arg3[%get3A, %get3A_0] : memref<2x2048xf32, #tpu.memory_space<vmem>>, vector<2x2048xf32>
    %slice3A = vector.extract_strided_slice %get3A_1 {offsets = [0, 0], sizes = [1, 2048], strides = [1, 1]} : vector<2x2048xf32> to vector<1x2048xf32>
    %slice3A_2 = vector.extract_strided_slice %get3A_1 {offsets = [1, 0], sizes = [1, 2048], strides = [1, 1]} : vector<2x2048xf32> to vector<1x2048xf32>
    %add3A = arith.addf %slice3A, %slice3A_2 : vector<1x2048xf32>
    %add3A_3 = arith.constant 1.000000e+00 : f32
    %add3A_4 = vector.broadcast %add3A_3 : f32 to vector<1x2048xf32>
    %add3A_5 = arith.addf %add3A, %add3A_4 : vector<1x2048xf32>
    %rsqrt3A = math.rsqrt %add3A_5 : vector<1x2048xf32>
    %reshape3A = vector.shape_cast %rsqrt3A : vector<1x2048xf32> to vector<2048x1xf32>
    %get3A_6 = arith.constant 0 : index
    %get3A_7 = arith.constant 0 : index
    %get3A_8 = arith.constant 0 : index
    %get3A_9 = vector.load %arg1[%get3A_6, %get3A_7, %get3A_8] : memref<2x2048x128xf32, #tpu.memory_space<vmem>>, vector<1x2048x128xf32>
    %get3A_10 = vector.shape_cast %get3A_9 : vector<1x2048x128xf32> to vector<2048x128xf32>
    %get3A_11 = arith.constant 1 : index
    %get3A_12 = arith.constant 0 : index
    %get3A_13 = arith.constant 0 : index
    %get3A_14 = vector.load %arg1[%get3A_11, %get3A_12, %get3A_13] : memref<2x2048x128xf32, #tpu.memory_space<vmem>>, vector<1x2048x128xf32>
    %get3A_15 = vector.shape_cast %get3A_14 : vector<1x2048x128xf32> to vector<2048x128xf32>
    %add3A_16 = arith.addf %get3A_10, %get3A_15 : vector<2048x128xf32>
    %get3A_17 = arith.constant 0 : index
    %get3A_18 = arith.constant 0 : index
    %get3A_19 = vector.load %arg2[%get3A_17, %get3A_18] : memref<2048x128xf32, #tpu.memory_space<vmem>>, vector<2048x128xf32>
    %add3A_20 = arith.addf %add3A_16, %get3A_19 : vector<2048x128xf32>
    %mul3A = vector.broadcast %reshape3A : vector<2048x1xf32> to vector<2048x128xf32>
    %mul3A_21 = arith.mulf %mul3A, %add3A_20 : vector<2048x128xf32>
    %get3A_22 = arith.constant 0 : index
    %get3A_23 = arith.constant 0 : index
    %get3A_24 = vector.load %arg4[%get3A_22, %get3A_23] : memref<1x128xf32, #tpu.memory_space<vmem>>, vector<1x128xf32>
    %add3A_25 = vector.broadcast %get3A_24 : vector<1x128xf32> to vector<2048x128xf32>
    %add3A_26 = arith.addf %mul3A_21, %add3A_25 : vector<2048x128xf32>
    %get3A_27 = arith.constant 0 : index
    %get3A_28 = arith.constant 0 : index
    %get3A_29 = vector.load %arg6[%get3A_27, %get3A_28] : memref<128x1xf32, #tpu.memory_space<vmem>>, vector<128x1xf32>
    %dot_general3A = arith.constant dense<0.000000e+00> : vector<2048x1xf32>
    %dot_general3A_30 = tpu.matmul %add3A_26, %get3A_29, %dot_general3A {dimension_numbers = #tpu.dot_dimension_numbers<[1], [0], [0], [1], [0, 0, 1, 1], [], []>, transpose_lhs_hint = false} : vector<2048x128xf32>, vector<128x1xf32>, vector<2048x1xf32> -> vector<2048x1xf32>
    %get3A_31 = arith.constant 0 : index
    %get3A_32 = arith.constant 0 : index
    %get3A_33 = vector.load %arg5[%get3A_31, %get3A_32] : memref<2048x128xf32, #tpu.memory_space<vmem>>, vector<2048x128xf32>
    %get3A_34 = arith.constant 0 : index
    %get3A_35 = arith.constant 0 : index
    %get3A_36 = vector.load %arg7[%get3A_34, %get3A_35] : memref<128x1xf32, #tpu.memory_space<vmem>>, vector<128x1xf32>
    %dot_general3A_37 = arith.constant dense<0.000000e+00> : vector<2048x1xf32>
    %dot_general3A_38 = tpu.matmul %get3A_33, %get3A_36, %dot_general3A_37 {dimension_numbers = #tpu.dot_dimension_numbers<[1], [0], [0], [1], [0, 0, 1, 1], [], []>, transpose_lhs_hint = false} : vector<2048x128xf32>, vector<128x1xf32>, vector<2048x1xf32> -> vector<2048x1xf32>
    %add3A_39 = arith.addf %dot_general3A_30, %dot_general3A_38 : vector<2048x1xf32>
    %get3A_40 = arith.constant 0 : index
    %get3A_41 = arith.constant 0 : index
    %get3A_42 = vector.load %arg8[%get3A_40, %get3A_41] : memref<1x1xf32, #tpu.memory_space<vmem>>, vector<1x1xf32>
    %get3A_43 = vector.extract %get3A_42[0, 0] : f32 from vector<1x1xf32>
    %add3A_44 = vector.broadcast %get3A_43 : f32 to vector<2048x1xf32>
    %add3A_45 = arith.addf %add3A_39, %add3A_44 : vector<2048x1xf32>
    %logistic3A = arith.negf %add3A_45 : vector<2048x1xf32>
    %logistic3A_46 = math.exp %logistic3A : vector<2048x1xf32>
    %logistic3A_47 = arith.constant 1.000000e+00 : f32
    %logistic3A_48 = vector.broadcast %logistic3A_47 : f32 to vector<2048x1xf32>
    %logistic3A_49 = arith.addf %logistic3A_48, %logistic3A_46 : vector<2048x1xf32>
    %logistic3A_50 = arith.divf %logistic3A_48, %logistic3A_49 : vector<2048x1xf32>
    %swap3A = arith.constant 0 : index
    %swap3A_51 = arith.constant 0 : index
    %swap3A_52 = vector.load %arg9[%swap3A, %swap3A_51] : memref<2048x1xf32, #tpu.memory_space<vmem>>, vector<2048x1xf32>
    tpu.vector_store %arg9[%swap3A, %swap3A_51], %logistic3A_50 {strides = array<i32>} : memref<2048x1xf32, #tpu.memory_space<vmem>>, vector<2048x1xf32>,
    return
  }
  func.func @transform_0(%arg0: i32) -> (i32, i32, i32) {
    %c0_i32 = arith.constant 0 : i32
    %c0_i32_0 = arith.constant 0 : i32
    %c0_i32_1 = arith.constant 0 : i32
    return %c0_i32, %arg0, %c0_i32_0 : i32, i32, i32
  }
  func.func @transform_1(%arg0: i32) -> (i32, i32) {
    %c0_i32 = arith.constant 0 : i32
    %c0_i32_0 = arith.constant 0 : i32
    return %arg0, %c0_i32 : i32, i32
  }
  func.func @transform_2(%arg0: i32) -> (i32, i32) {
    %c0_i32 = arith.constant 0 : i32
    %c0_i32_0 = arith.constant 0 : i32
    return %c0_i32, %arg0 : i32, i32
  }
  func.func @transform_3(%arg0: i32) -> (i32, i32) {
    %c0_i32 = arith.constant 0 : i32
    %c0_i32_0 = arith.constant 0 : i32
    %c0_i32_1 = arith.constant 0 : i32
    return %c0_i32, %c0_i32_0 : i32, i32
  }
  func.func @transform_4(%arg0: i32) -> (i32, i32) {
    %c0_i32 = arith.constant 0 : i32
    %c0_i32_0 = arith.constant 0 : i32
    return %arg0, %c0_i32 : i32, i32
  }
  func.func @transform_5(%arg0: i32) -> (i32, i32) {
    %c0_i32 = arith.constant 0 : i32
    %c0_i32_0 = arith.constant 0 : i32
    %c0_i32_1 = arith.constant 0 : i32
    return %c0_i32, %c0_i32_0 : i32, i32
  }
  func.func @transform_6(%arg0: i32) -> (i32, i32) {
    %c0_i32 = arith.constant 0 : i32
    %c0_i32_0 = arith.constant 0 : i32
    %c0_i32_1 = arith.constant 0 : i32
    return %c0_i32, %c0_i32_0 : i32, i32
  }
  func.func @transform_7(%arg0: i32) -> (i32, i32) {
    %c0_i32 = arith.constant 0 : i32
    %c0_i32_0 = arith.constant 0 : i32
    %c0_i32_1 = arith.constant 0 : i32
    return %c0_i32, %c0_i32_0 : i32, i32
  }
  func.func @transform_8(%arg0: i32) -> (i32, i32) {
    %c0_i32 = arith.constant 0 : i32
    %c0_i32_0 = arith.constant 0 : i32
    return %arg0, %c0_i32 : i32, i32
  }
}

module attributes {stable_mosaic.version = 14 : i64} {
  func.func @_tc2_body(%arg0: i32, %arg1: memref<2x2048x128xf32, #tpu.memory_space<vmem>>, %arg2: memref<2048x128xf32, #tpu.memory_space<vmem>>, %arg3: memref<2x2048xf32, #tpu.memory_space<vmem>>, %arg4: memref<1x128xf32, #tpu.memory_space<vmem>>, %arg5: memref<128x128xf32, #tpu.memory_space<vmem>>, %arg6: memref<2048x128xf32, #tpu.memory_space<vmem>>) attributes {dimension_semantics = [#tpu.dimension_semantics<arbitrary>], iteration_bounds = array<i64: 5>, scalar_prefetch = 0 : i64, scratch_operands = 0 : i64, tpu.core_type = #tpu.core_type<tc>, window_params = [{transform_indices = @transform_0, window_bounds = array<i64: 2, 2048, 128>}, {transform_indices = @transform_1, window_bounds = array<i64: 2048, 128>}, {transform_indices = @transform_2, window_bounds = array<i64: 2, 2048>}, {pipeline_mode = #tpu.pipeline_mode<synchronous>, transform_indices = @transform_3, window_bounds = array<i64: 1, 128>}, {pipeline_mode = #tpu.pipeline_mode<synchronous>, transform_indices = @transform_4, window_bounds = array<i64: 128, 128>}, {transform_indices = @transform_5, window_bounds = array<i64: 2048, 128>}]} {
    %get3A = arith.constant 0 : index
    %get3A_0 = arith.constant 0 : index
    %get3A_1 = vector.load %arg3[%get3A, %get3A_0] : memref<2x2048xf32, #tpu.memory_space<vmem>>, vector<2x2048xf32>
    %slice3A = vector.extract_strided_slice %get3A_1 {offsets = [0, 0], sizes = [1, 2048], strides = [1, 1]} : vector<2x2048xf32> to vector<1x2048xf32>
    %slice3A_2 = vector.extract_strided_slice %get3A_1 {offsets = [1, 0], sizes = [1, 2048], strides = [1, 1]} : vector<2x2048xf32> to vector<1x2048xf32>
    %add3A = arith.addf %slice3A, %slice3A_2 : vector<1x2048xf32>
    %add3A_3 = arith.constant 1.000000e+00 : f32
    %add3A_4 = vector.broadcast %add3A_3 : f32 to vector<1x2048xf32>
    %add3A_5 = arith.addf %add3A, %add3A_4 : vector<1x2048xf32>
    %rsqrt3A = math.rsqrt %add3A_5 : vector<1x2048xf32>
    %reshape3A = vector.shape_cast %rsqrt3A : vector<1x2048xf32> to vector<2048x1xf32>
    %get3A_6 = arith.constant 0 : index
    %get3A_7 = arith.constant 0 : index
    %get3A_8 = arith.constant 0 : index
    %get3A_9 = vector.load %arg1[%get3A_6, %get3A_7, %get3A_8] : memref<2x2048x128xf32, #tpu.memory_space<vmem>>, vector<1x2048x128xf32>
    %get3A_10 = vector.shape_cast %get3A_9 : vector<1x2048x128xf32> to vector<2048x128xf32>
    %get3A_11 = arith.constant 1 : index
    %get3A_12 = arith.constant 0 : index
    %get3A_13 = arith.constant 0 : index
    %get3A_14 = vector.load %arg1[%get3A_11, %get3A_12, %get3A_13] : memref<2x2048x128xf32, #tpu.memory_space<vmem>>, vector<1x2048x128xf32>
    %get3A_15 = vector.shape_cast %get3A_14 : vector<1x2048x128xf32> to vector<2048x128xf32>
    %add3A_16 = arith.addf %get3A_10, %get3A_15 : vector<2048x128xf32>
    %get3A_17 = arith.constant 0 : index
    %get3A_18 = arith.constant 0 : index
    %get3A_19 = vector.load %arg2[%get3A_17, %get3A_18] : memref<2048x128xf32, #tpu.memory_space<vmem>>, vector<2048x128xf32>
    %add3A_20 = arith.addf %add3A_16, %get3A_19 : vector<2048x128xf32>
    %mul3A = vector.broadcast %reshape3A : vector<2048x1xf32> to vector<2048x128xf32>
    %mul3A_21 = arith.mulf %mul3A, %add3A_20 : vector<2048x128xf32>
    %get3A_22 = arith.constant 0 : index
    %get3A_23 = arith.constant 0 : index
    %get3A_24 = vector.load %arg4[%get3A_22, %get3A_23] : memref<1x128xf32, #tpu.memory_space<vmem>>, vector<1x128xf32>
    %add3A_25 = vector.broadcast %get3A_24 : vector<1x128xf32> to vector<2048x128xf32>
    %add3A_26 = arith.addf %mul3A_21, %add3A_25 : vector<2048x128xf32>
    %max3A = arith.constant 0.000000e+00 : f32
    %max3A_27 = vector.broadcast %max3A : f32 to vector<2048x128xf32>
    %max3A_28 = arith.maximumf %add3A_26, %max3A_27 : vector<2048x128xf32>
    %get3A_29 = arith.constant 0 : index
    %get3A_30 = arith.constant 0 : index
    %get3A_31 = vector.load %arg5[%get3A_29, %get3A_30] : memref<128x128xf32, #tpu.memory_space<vmem>>, vector<128x128xf32>
    %dot_general3A = arith.constant dense<0.000000e+00> : vector<2048x128xf32>
    %dot_general3A_32 = tpu.matmul %max3A_28, %get3A_31, %dot_general3A {dimension_numbers = #tpu.dot_dimension_numbers<[1], [0], [0], [1], [0, 0, 1, 1], [], []>, transpose_lhs_hint = false} : vector<2048x128xf32>, vector<128x128xf32>, vector<2048x128xf32> -> vector<2048x128xf32>
    %mul3A_33 = vector.broadcast %reshape3A : vector<2048x1xf32> to vector<2048x128xf32>
    %mul3A_34 = arith.mulf %dot_general3A_32, %mul3A_33 : vector<2048x128xf32>
    %swap3A = arith.constant 0 : index
    %swap3A_35 = arith.constant 0 : index
    %swap3A_36 = vector.load %arg6[%swap3A, %swap3A_35] : memref<2048x128xf32, #tpu.memory_space<vmem>>, vector<2048x128xf32>
    tpu.vector_store %arg6[%swap3A, %swap3A_35], %mul3A_34 {strides = array<i32>} : memref<2048x128xf32, #tpu.memory_space<vmem>>, vector<2048x128xf32>,
    return
  }
  func.func @transform_0(%arg0: i32) -> (i32, i32, i32) {
    %c0_i32 = arith.constant 0 : i32
    %c0_i32_0 = arith.constant 0 : i32
    %c0_i32_1 = arith.constant 0 : i32
    return %c0_i32, %arg0, %c0_i32_0 : i32, i32, i32
  }
  func.func @transform_1(%arg0: i32) -> (i32, i32) {
    %c0_i32 = arith.constant 0 : i32
    %c0_i32_0 = arith.constant 0 : i32
    return %arg0, %c0_i32 : i32, i32
  }
  func.func @transform_2(%arg0: i32) -> (i32, i32) {
    %c0_i32 = arith.constant 0 : i32
    %c0_i32_0 = arith.constant 0 : i32
    return %c0_i32, %arg0 : i32, i32
  }
  func.func @transform_3(%arg0: i32) -> (i32, i32) {
    %c0_i32 = arith.constant 0 : i32
    %c0_i32_0 = arith.constant 0 : i32
    %c0_i32_1 = arith.constant 0 : i32
    return %c0_i32, %c0_i32_0 : i32, i32
  }
  func.func @transform_4(%arg0: i32) -> (i32, i32) {
    %c0_i32 = arith.constant 0 : i32
    %c0_i32_0 = arith.constant 0 : i32
    %c0_i32_1 = arith.constant 0 : i32
    return %c0_i32, %c0_i32_0 : i32, i32
  }
  func.func @transform_5(%arg0: i32) -> (i32, i32) {
    %c0_i32 = arith.constant 0 : i32
    %c0_i32_0 = arith.constant 0 : i32
    return %arg0, %c0_i32 : i32, i32
  }
}

</mosaic_0001>

<sc_bundles>
// kernel: kernel.12.cloned.1.call-start
scs
__scs_entry_jumppad:
0x0: {  	(pc) =	sbr.rel $0x88, $3  }
0x1: {  	(tag) =	ssettag $0x0;
	lr =	simm.s32 $0x1  }
0x2: {  	[smem:$0x3F99] =	sst lr;
	_ =	strace $0xD0000000  }
0x3: {  	_ = 	snop  }
0x4: {  	_ = 	snop  }
0x5: {  	_ = 	snop  }
0x6: {  	_ = 	snop  }
0x7: {  	_ = 	snop  }
__scs_overlays_trampoline_lowered:
0x8: {  	[smem:$0x3FA8] =	sst s0  }
0x9: {  	[smem:$0x3FA9] =	sst s1  }
0xa: {  	[smem:$0x3FAA] =	sst s2  }
0xb: {  	[smem:$0x3FAB] =	sst s3  }
0xc: {  	[smem:$0x3FAC] =	sst s4  }
0xd: {  	[smem:$0x3FAD] =	sst s5  }
0xe: {  	[smem:$0x3FAE] =	sst s6  }
0xf: {  	[smem:$0x3FAF] =	sst s7  }
0x10: {  	[smem:$0x3FB0] =	sst s8  }
0x11: {  	[smem:$0x3FB1] =	sst s9;
	s0 =	simm.s32 @!p0 $0x0  }
0x12: {  	s1 =	sld [smem:$0x3F97];
	s0 =	simm.s32 @p0 $0x1  }
0x13: {  	[smem:$0x3FB2] =	sst s0;
	s0 =	simm.s32 @!p1 $0x0  }
0x14: {  	s2 =	sld [smem:$0x3F96];
	s0 =	simm.s32 @p1 $0x1  }
0x15: {  	[smem:$0x3FB3] =	sst s0;
	s0 =	simm.s32 @!p2 $0x0  }
0x16: {  	s3 =	sld [smem:$0x3FDB];
	s0 =	simm.s32 @p2 $0x1  }
0x17: {  	s4 =	simm.s32 $0x1BF5;
	[smem:$0x3FB5] =	sst s0  }
0x18: {  	s0 =	sld [smem:$0x3F98];
	_ =	swait.ge [sflag:s4], $0x0  }
0x19: {  	s7 =	sld [smem:$0x3F99]  }
0x1a: {  	s8 =	sadd.s32 $0xFFFFE003, lr  }
0x1b: {  	s9 =	sadd.s32 $0xFFFFFEF7, lr;
	s5 =	simm.s32 $0xFFFFFFFF;
	p2 =	slt.u32 s8, $0xFFFFF086  }
0x1c: {  	p1 =	slt.u32 s9, $0xF7A;
	s5 =	simm.s32 @!p2 $0x0  }
0x1d: {  	s5 =	simm.s32 @p1 $0x1;
	p0 =	seq.s32 s7, s2  }
0x1e: {  	s7 =	smul.u32 @!p0 $0xF7A, s2;
	p2 =	seq.s32 @!p0 s5, $0x0  }
0x1f: {  	s9 =	smul.u32 $0xF7A, s1;
	s8 =	simm.s32 @!p0 $0x1BF5;
	p2 =	por !p2, p0  }
0x20: {  	[sflag:s8] =	ssyncset.s32 @!p0 $0xFFFFF086;
	s6 =	sadd.s32 @!p0 s3, s7;
	s7 =	simm.s32 @!p0 $0x108  }
0x21: {  	s3 =	sadd.s32 s3, s9;
	s6 =	sadd.s32 @!p0 $0x88, s6;
	s7 =	simm.s32 @p2 $0x1082  }
0x22: {  	[simem:s7], [sflag:s8] =	dma.local @!p0 [hbm:s6], $0xF7A  }
0x23: {  	s9 =	sor.u32 $0xD0000000, s2;
	s6 =	simm.s32 $0x108;
	_ =	swait.ge @!p0 [sflag:s8], $0x0  }
0x24: {  	s3 =	sadd.s32 $0x88, s3;
	s6 =	simm.s32 @!p1 $0x1082;
	[sflag:s4] =	ssyncset.s32 $0xFFFFF086  }
0x25: {  	[simem:s6], [sflag:s4] =	dma.local [hbm:s3], $0xF7A  }
0x26: {  	[smem:$0x3F99] =	sst s1;
	(tag) =	ssettag s2;
	_ =	strace s9  }
0x27: {  	s1 =	sld [smem:$0x3FA9]  }
0x28: {  	s2 =	sld [smem:$0x3FAA]  }
0x29: {  	s4 =	sld [smem:$0x3FAC]  }
0x2a: {  	p0 =	seq.s32 s5, $0x0;
	s5 =	sld [smem:$0x3FAD]  }
0x2b: {  	s6 =	sld [smem:$0x3FAE]  }
0x2c: {  	s7 =	sld [smem:$0x3FAF]  }
0x2d: {  	s3 =	simm.s32 $0x108;
	s8 =	sld [smem:$0x3FB0]  }
0x2e: {  	s3 =	simm.s32 @!p0 $0x1082;
	s9 =	sld [smem:$0x3FB1]  }
0x2f: {  	lr =	sadd.s32 s0, s3;
	s0 =	sld [smem:$0x3FA8]  }
0x30: {  	s3 =	sld [smem:$0x3FAB]  }
0x31: {  	[smem:$0x3FB4] =	sst s10  }
0x32: {  	s10 =	sld [smem:$0x3FB2];
	_ =	sdelay $0x3  }
0x33: {  	p0 =	seq.s32 s10, $0x1;
	s10 =	sld [smem:$0x3FB4];
	_ =	sdelay $0x3  }
0x34: {  	[smem:$0x3FB4] =	sst s10  }
0x35: {  	s10 =	sld [smem:$0x3FB3];
	_ =	sdelay $0x3  }
0x36: {  	p1 =	seq.s32 s10, $0x1;
	s10 =	sld [smem:$0x3FB4];
	_ =	sdelay $0x3  }
0x37: {  	[smem:$0x3FB4] =	sst s10  }
0x38: {  	s10 =	sld [smem:$0x3FB5]  }
0x39: {  	_ = 	snop;
	(pc) =	sbr.ind lr, $3  }
0x3a: {  	_ = 	snop  }
0x3b: {  	_ = 	snop  }
0x3c: {  	p2 =	seq.s32 s10, $0x1;
	s10 =	sld [smem:$0x3FB4]  }
0x3d: {  	_ =	shalt  }
0x3e: {  	_ =	shalt  }
0x3f: {  	_ =	shalt  }
0x40: {  	_ =	shalt  }
0x41: {  	_ =	shalt  }
0x42: {  	_ =	shalt  }
0x43: {  	_ =	shalt  }
0x44: {  	_ =	shalt  }
0x45: {  	_ =	shalt  }
0x46: {  	_ =	shalt  }
0x47: {  	_ =	shalt  }
0x48: {  	_ =	shalt  }
0x49: {  	_ =	shalt  }
0x4a: {  	_ =	shalt  }
0x4b: {  	_ =	shalt  }
0x4c: {  	_ =	shalt  }
0x4d: {  	_ =	shalt  }
0x4e: {  	_ =	shalt  }
0x4f: {  	_ =	shalt  }
0x50: {  	_ =	shalt  }
0x51: {  	_ =	shalt  }
0x52: {  	_ =	shalt  }
0x53: {  	_ =	shalt  }
0x54: {  	_ =	shalt  }
0x55: {  	_ =	shalt  }
0x56: {  	_ =	shalt  }
0x57: {  	_ =	shalt  }
0x58: {  	_ =	shalt  }
0x59: {  	_ =	shalt  }
0x5a: {  	_ =	shalt  }
0x5b: {  	_ =	shalt  }
0x5c: {  	_ =	shalt  }
0x5d: {  	_ =	shalt  }
0x5e: {  	_ =	shalt  }
0x5f: {  	_ =	shalt  }
0x60: {  	_ =	shalt  }
0x61: {  	_ =	shalt  }
0x62: {  	_ =	shalt  }
0x63: {  	_ =	shalt  }
0x64: {  	_ =	shalt  }
0x65: {  	_ =	shalt  }
0x66: {  	_ =	shalt  }
0x67: {  	_ =	shalt  }
0x68: {  	_ =	shalt  }
0x69: {  	_ =	shalt  }
0x6a: {  	_ =	shalt  }
0x6b: {  	_ =	shalt  }
0x6c: {  	_ =	shalt  }
0x6d: {  	_ =	shalt  }
0x6e: {  	_ =	shalt  }
0x6f: {  	_ =	shalt  }
0x70: {  	_ =	shalt  }
0x71: {  	_ =	shalt  }
0x72: {  	_ =	shalt  }
0x73: {  	_ =	shalt  }
0x74: {  	_ =	shalt  }
0x75: {  	_ =	shalt  }
0x76: {  	_ =	shalt  }
0x77: {  	_ =	shalt  }
0x78: {  	_ =	shalt  }
0x79: {  	_ =	shalt  }
0x7a: {  	_ =	shalt  }
0x7b: {  	_ =	shalt  }
0x7c: {  	_ =	shalt  }
0x7d: {  	_ =	shalt  }
0x7e: {  	_ =	shalt  }
0x7f: {  	_ =	shalt  }
0x80: {  	_ =	shalt  }
0x81: {  	_ =	shalt  }
0x82: {  	_ =	shalt  }
0x83: {  	_ =	shalt  }
0x84: {  	_ =	shalt  }
0x85: {  	_ =	shalt  }
0x86: {  	_ =	shalt  }
0x87: {  	_ =	shalt  }
.Lfunc_end0:
.L_simem_size_0:
called_computation.1_lowered:
.L_overlay_start_0:
0x88: {  	s2 =	sld [smem:$0x3FD9]  }
0x89: {  	s3 =	sld [smem:$0x3FFE];
	_ =	sdelay $0x1  }
0x8a: {  	s1 =	srdreg.scid  }
0x8b: {  	s0 =	sand.u32 $0x1, s1  }
0x8c: {  	s16 =	sshll.u32 s0, $0xA;
	s2 =	sadd.s32 s3, s2  }
0x8d: {  	s2 =	sadd.s32 s2, s16  }
0x8e: {  	[smem:$0x3FC0] =	sst s2  }
0x8f: {  	_ = 	snop  }
0x90: {  	(tm) =	ssettm $0x1  }
0x91: {  	s17 =	sld [smem:$0x3FFB];
	_ =	sdelay $0x3  }
0x92: {  	_ =	strace s17  }
0x93: {  	s2 =	sld [smem:$0x3FFC];
	_ =	sdelay $0x3  }
0x94: {  	_ =	strace s2  }
0x95: {  	s2 =	sld [smem:$0x3FFD];
	_ =	sdelay $0x3  }
0x96: {  	_ =	strace s2  }
0x97: {  	_ =	strace $0x8FFFFFFF  }
0x98: {  	s18 =	sld [smem:$0x3FDB];
	_ =	sdelay $0x1  }
0x99: {  	s19 =	simm.s32 $_scs_section_size  }
0x9a: {  	s4 =	simm.s32 $_size__tile_overlayer_lowered;
	s5 =	simm.s32 $_tile_overlayer_lowered  }
0x9b: {  	s22 =	simm.s32 $0x1BFF;
	s21 =	sshll.u32 s5, $0x1;
	s2 =	sadd.s32 s19, s18  }
0x9c: {  	s6 =	simm.s32 $0x0;
	s20 =	sshll.u32 s4, $0x1;
	s4 =	sadd.s32 s21, s2  }
0x9d: {  	[timem:s6], [sflag:s22] =	dma.local [hbm:s4], s20  }
0x9e: {  	_ =	swait.ge [sflag:s22], s20  }
0x9f: {  	s3 =	ssub.s32 $0x0, s20;
	[sflag:s22] =	ssyncset.done $0x0  }
0xa0: {  	[sflag:s22] =	ssyncadd.s32 s3;
	_ =	sdelay $0x1  }
0xa1: {  	s23 =	simm.s32 $0x1B8B  }
0xa2: {  	_ =	swait.ge [sflag:s23], $0x1  }
0xa3: {  	[sflag:s23] =	ssyncset.done $0x0  }
0xa4: {  	s25 =	simm.s32 $0x1B8E;
	s24 =	sld [smem:$0x3FFE];
	[sflag:s23] =	ssyncadd.s32 $0xFFFFFFFF  }
0xa5: {  	s26 =	simm.s32 $execute0_lowered;
	[smem:$0x3FD2] =	sst s25  }
0xa6: {  	s4 =	sshll.u32 s26, $0x1;
	_ =	strace $0x80000049;
	[dreg:$0x1] =	wrdreg $0xFFFFFFFF  }
0xa7: {  	s28 =	simm.s32 $_size_execute0_lowered;
	s2 =	sadd.s32 s2, s4;
	[dreg:$0x0] =	wrdreg $0x0  }
0xa8: {  	s4 =	sshll.u32 s28, $0x1;
	[dreg:$0x2] =	wrdreg s2  }
0xa9: {  	[dreg:$0x3] =	wrdreg s4  }
0xaa: {  	[dreg:$0x4] =	wrdreg $0xC0  }
0xab: {  	_ =	task [dreg:s6], $0x5FFFF  }
0xac: {  	[dreg:$0x1] =	wrdreg $0xFFFFFFFF  }
0xad: {  	[dreg:$0x0] =	wrdreg $0x60  }
0xae: {  	[dreg:$0x2] =	wrdreg s24  }
0xaf: {  	[dreg:$0x3] =	wrdreg $0xA8000  }
0xb0: {  	[dreg:$0x4] =	wrdreg $0x9  }
0xb1: {  	_ =	task.clear_ibuf [dreg:s6], $0x5FFFF;
	_ =	strace $0x90000049  }
0xb2: {  	s29 =	simm.s32 $0x9;
	_ =	strace $0x8000004B  }
0xb3: {  	_ =	swait.ge [sflag:s29], $0x1  }
0xb4: {  	[sflag:s29] =	ssyncadd.s32 $0xFFFFFFFF  }
0xb5: {  	_ =	strace $0x9000004B  }
0xb6: {  	_ =	sfence  }
0xb7: {  	s30 =	sld [smem:$0x0];
	_ =	sdelay $0x2  }
0xb8: {  	s31 =	sshll.u32 s1, $0xD;
	s1 =	sshrl.u32 s1, $0x2  }
0xb9: {  	s3 =	sand.u32 $0x4000, s31;
	s1 =	sadd.s32 s1, s30  }
0xba: {  	s0 =	sor.u32 s3, s0;
	s1 =	sshll.u32 s1, $0x11  }
0xbb: {  	s0 =	sor.u32 s1, s0  }
0xbc: {  	s0 =	sadd.s32 $0x8F2B, s0  }
0xbd: {  	[sflag:s0] =	ssyncadd.remote.s32 $0x1  }
0xbe: {  	_ =	sfence.sel $0xFFFF  }
0xbf: {  	[dreg:$0x0] =	wrdreg $0xFFFFFFFF;
	(pc) =	sbr.abs _section_cstart, $3  }
0xc0: {  	[dreg:$0x1] =	wrdreg $0xFFFFFFFF  }
0xc1: {  	_ =	task.clear_ibuf [dreg:s6], $0x2FFFF;
	_ =	strace $0x9FFFFFFF  }
0xc2: {  	(tm) =	ssettm $0x7FFFFFFF  }
0xc3: {  	_ =	shalt  }
tec
execute0_lowered:
.L_overlay_start_1:
0x0: {  	(tag) =	ssettag $0x1  }
0x1: {  	s5 =	rddreg [dreg:$0x0]  }
0x2: {  	s2 =	rddreg [dreg:$0x1];
	s3 =	simm.s32 $0x0;
	s1 =	stileid.u32  }
0x3: {  	s4 =	srdreg.scid;
	s17 =	simm.s32 $0x80;
	s18 =	simm.s32 $0x2800  }
0x4: {  	s19 =	simm.s32 $0x3;
	s20 =	simm.s32 $0x6800;
	s21 =	simm.s32 $0x1  }
0x5: {  	s22 =	simm.s32 $0x2;
	s23 =	simm.s32 $0x1380;
	s24 =	simm.s32 $0x2700  }
0x6: {  	[smem:$0x7FF] =	sst s3;
	s6 =	smul.u32 $0x14000, s1;
	s7 =	sand.u32 $0x1, s4  }
0x7: {  	s4 =	sadd.s32 $0x15E00, s5;
	s10 =	sadd.s32 $0xBE00, s5;
	s12 =	smul.u32 $0x50000, s1  }
0x8: {  	s11 =	sadd.s32 $0x1E00, s5;
	_ =	strace $0x8000004A;
	s8 =	smul.u32 $0x140000, s7  }
0x9: {  	s25 =	sshll.u32 s7, $0x4;
	s26 =	ssub.s32 $0x2, s7;
	s9 =	sshrl.u32 s6, $0x3  }
0xa: {  	s28 =	sor.u32 s1, s25;
	s7 =	sshrl.u32 s26, $0x1;
	s29 =	sshrl.u32 s12, $0x2  }
0xb: {  	s25 =	simm.s32 $0x2780;
	s9 =	sadd.s32 s9, s5;
	s6 =	sadd.s32 s6, s8  }
0xc: {  	s30 =	smul.u32 $0x2800, s28;
	s14 =	ssub.s32 s26, s7;
	s15 =	sadd.s32 s29, s2  }
0xd: {  	s16 =	smul.u32 $0x500, s28;
	s26 =	simm.s32 $0x0;
	s6 =	sshrl.u32 s6, $0x3  }
0xe: {  	s13 =	sadd.s32 s6, s5;
	s5 =	sadd.s32 $0x3D000, s9;
	s6 =	sshll.u32 s1, $0x6  }
0xf: {  	s31 =	sshrl.u32 s30, $0x3;
	s8 =	sadd.s32 s10, s16;
	s9 =	sadd.s32 s11, s16  }
0x10: {  	s16 =	simm.s32 $0x1400;
	s7 =	sor.u32 $0x1C03, s6;
	s12 =	sadd.s32 $0x280, s31  }
0x11: {  	s10 =	sadd.s32 s10, s12;
	s11 =	sadd.s32 s11, s12;
	s12 =	sadd.s32 $0x65000, s13  }
0x12: {  	s13 =	smax.u32 s14, $0x1;
	s14 =	sshrl.u32 s15, $0x3;
	s15 =	simm.s32 $0x4  }
.LBB2_1:
0x13: {  	[spmem:s14], [sflag:s7] =	dma.local [hbm:s5], $0x2800  }
0x14: {  	[tilespmem:s3], [sflag:$0x4] =	stream.linear.gather [hbm4b:s8+s3], $0x1400, $0x38;
	[tilespmem:$0x1E800] =	vst v63  }
0x15: {  	_ =	swait.ge [sflag:s15], $0x1400  }
0x16: {  	[sflag:s15] =	ssyncset.done $0x0  }
0x17: {  	[sflag:s15] =	ssyncadd.s32 $0xFFFFEC00  }
0x18: {  	[tilespmem:s16], [sflag:$0x4] =	stream.linear.gather [hbm4b:s9+s3], $0x1400, $0x38;
	[tilespmem:$0x1E800] =	vst v63  }
0x19: {  	_ =	swait.ge [sflag:s15], $0x1400  }
0x1a: {  	[sflag:s15] =	ssyncset.done $0x0  }
0x1b: {  	[sflag:s15] =	ssyncadd.s32 $0xFFFFEC00  }
0x1c: {  	[tilespmem:s18], [sflag:$0x1] =	stream.indirect.gather [hbm4b:s4+s17], $0x80, s3, s17, $0xb8;
	[tilespmem:$0x1E800] =	vst v63  }
0x1d: {  	_ =	swait.ge [sflag:s19], $0x2800  }
0x1e: {  	[sflag:s19] =	ssyncset.done $0x0  }
0x1f: {  	[sflag:s19] =	ssyncadd.s32 $0xFFFFD800  }
0x20: {  	s28 =	simm.s32 $0x80;
	[bflag:$0x0] =	sbarrier.arrive $0xFFFF  }
0x21: {  	[tilespmem:s20], [sflag:$0x2] =	stream.indirect.gather [hbm4b:s4+s17], $0x80, s28, s17, $0xb8;
	[tilespmem:$0x1E800] =	vst v63  }
0x22: {  	_ =	swait.ge [sflag:s21], $0x4000  }
0x23: {  	[sflag:s21] =	ssyncset.done $0x0  }
0x24: {  	s28 =	simm.s32 $0x1400;
	[sflag:s21] =	ssyncadd.s32 $0xFFFFC000  }
0x25: {  	[spmem:s2] =	stream.indirect.scatter.add.f32 [tilespmem:s18], [sflag:$0x4], $0x80, s28, s17, $0xb8;
	[tilespmem:$0x1E800] =	vst v63  }
0x26: {  	_ =	swait.ge [sflag:s15], $0x4000  }
0x27: {  	[sflag:s15] =	ssyncset.done $0x0  }
0x28: {  	s28 =	simm.s32 $0x100;
	[sflag:s15] =	ssyncadd.s32 $0xFFFFC000  }
0x29: {  	[tilespmem:s18], [sflag:$0x1] =	stream.indirect.gather [hbm4b:s4+s17], $0x80, s28, s17, $0xb8;
	[tilespmem:$0x1E800] =	vst v63  }
0x2a: {  	_ =	swait.ge [sflag:s22], $0x4000  }
0x2b: {  	[sflag:s22] =	ssyncset.done $0x0  }
0x2c: {  	s28 =	simm.s32 $0x1480;
	[sflag:s22] =	ssyncadd.s32 $0xFFFFC000  }
0x2d: {  	[spmem:s2] =	stream.indirect.scatter.add.f32 [tilespmem:s20], [sflag:$0x4], $0x80, s28, s17, $0xb8;
	[tilespmem:$0x1E800] =	vst v63  }
0x2e: {  	_ =	swait.ge [sflag:s15], $0x4000  }
0x2f: {  	s29 =	simm.s32 $0x800;
	s28 =	simm.s32 $0x100;
	[sflag:s15] =	ssyncset.done $0x0  }
.LBB2_2:
0x30: {  	s30 =	sadd.s32 $0x80, s28  }
0x31: {  	[sflag:s15] =	ssyncadd.s32 $0xFFFFC000;
	s31 =	smov.u32 s29;
	s0 =	sadd.s32 $0x400, s29  }
0x32: {  	[tilespmem:s20], [sflag:$0x2] =	stream.indirect.gather [hbm4b:s4+s17], $0x80, s30, s17, $0xb8;
	[tilespmem:$0x1E800] =	vst v63  }
0x33: {  	p0 =	sne.s32 s29, $0x4800;
	_ =	swait.ge [sflag:s21], $0x4000  }
0x34: {  	[sflag:s21] =	ssyncset.done $0x0  }
0x35: {  	s29 =	sadd.s32 $0x1400, s28;
	[sflag:s21] =	ssyncadd.s32 $0xFFFFC000  }
0x36: {  	[spmem:s2] =	stream.indirect.scatter.add.f32 [tilespmem:s18], [sflag:$0x4], $0x80, s29, s17, $0xb8;
	[tilespmem:$0x1E800] =	vst v63  }
0x37: {  	_ =	swait.ge [sflag:s15], $0x4000  }
0x38: {  	[sflag:s15] =	ssyncset.done $0x0  }
0x39: {  	s29 =	sadd.s32 $0x100, s28;
	[sflag:s15] =	ssyncadd.s32 $0xFFFFC000  }
0x3a: {  	[tilespmem:s18], [sflag:$0x1] =	stream.indirect.gather [hbm4b:s4+s17], $0x80, s29, s17, $0xb8;
	[tilespmem:$0x1E800] =	vst v63  }
0x3b: {  	_ =	swait.ge [sflag:s22], $0x4000  }
.Ltmp0:
0x3c: {  	[sflag:s22] =	ssyncset.done $0x0;
	(pc) =	sbr.rel @p0 .LBB2_2-.Ltmp0, $4  }
0x3d: {  	s28 =	sadd.s32 $0x1480, s28;
	[sflag:s22] =	ssyncadd.s32 $0xFFFFC000  }
0x3e: {  	[spmem:s2] =	stream.indirect.scatter.add.f32 [tilespmem:s20], [sflag:$0x4], $0x80, s28, s17, $0xb8;
	[tilespmem:$0x1E800] =	vst v63  }
0x3f: {  	_ =	swait.ge [sflag:s15], $0x4000  }
0x40: {  	s29 =	smov.u32 s0;
	s28 =	sshra.s32 s31, $0x2;
	[sflag:s15] =	ssyncset.done $0x0  }
0x41: {  	s0 =	sadd.s32 $0x80, s28;
	[sflag:s15] =	ssyncadd.s32 $0xFFFFC000  }
0x42: {  	[tilespmem:s20], [sflag:$0x2] =	stream.indirect.gather [hbm4b:s4+s17], $0x80, s0, s17, $0xb8;
	[tilespmem:$0x1E800] =	vst v63  }
0x43: {  	_ =	swait.ge [sflag:s21], $0x4000  }
0x44: {  	[sflag:s21] =	ssyncset.done $0x0  }
0x45: {  	s30 =	sadd.s32 $0x1400, s28;
	[sflag:s21] =	ssyncadd.s32 $0xFFFFC000  }
0x46: {  	[spmem:s2] =	stream.indirect.scatter.add.f32 [tilespmem:s18], [sflag:$0x4], $0x80, s30, s17, $0xb8;
	[tilespmem:$0x1E800] =	vst v63  }
0x47: {  	_ =	swait.ge [sflag:s15], $0x4000  }
0x48: {  	[sflag:s15] =	ssyncset.done $0x0  }
0x49: {  	s31 =	sadd.s32 $0x100, s28;
	[sflag:s15] =	ssyncadd.s32 $0xFFFFC000  }
0x4a: {  	[tilespmem:s18], [sflag:$0x1] =	stream.indirect.gather [hbm4b:s4+s17], $0x80, s31, s17, $0xb8;
	[tilespmem:$0x1E800] =	vst v63  }
0x4b: {  	_ =	swait.ge [sflag:s22], $0x4000  }
0x4c: {  	[sflag:s22] =	ssyncset.done $0x0  }
0x4d: {  	s30 =	sadd.s32 $0x1480, s28;
	[sflag:s22] =	ssyncadd.s32 $0xFFFFC000  }
0x4e: {  	[spmem:s2] =	stream.indirect.scatter.add.f32 [tilespmem:s20], [sflag:$0x4], $0x80, s30, s17, $0xb8;
	[tilespmem:$0x1E800] =	vst v63  }
0x4f: {  	_ =	swait.ge [sflag:s15], $0x4000  }
0x50: {  	[sflag:s15] =	ssyncset.done $0x0  }
0x51: {  	[sflag:s15] =	ssyncadd.s32 $0xFFFFC000  }
0x52: {  	[tilespmem:s20], [sflag:$0x2] =	stream.indirect.gather [hbm4b:s4+s17], $0x80, s23, s17, $0xb8;
	[tilespmem:$0x1E800] =	vst v63  }
0x53: {  	_ =	swait.ge [sflag:s21], $0x4000  }
0x54: {  	[sflag:s21] =	ssyncset.done $0x0  }
0x55: {  	[sflag:s21] =	ssyncadd.s32 $0xFFFFC000  }
0x56: {  	[spmem:s2] =	stream.indirect.scatter.add.f32 [tilespmem:s18], [sflag:$0x4], $0x80, s24, s17, $0xb8;
	[tilespmem:$0x1E800] =	vst v63  }
0x57: {  	_ =	swait.ge [sflag:s15], $0x4000  }
0x58: {  	[sflag:s15] =	ssyncset.done $0x0  }
0x59: {  	[sflag:s15] =	ssyncadd.s32 $0xFFFFC000  }
0x5a: {  	_ =	swait.ge [sflag:s22], $0x4000  }
0x5b: {  	[sflag:s22] =	ssyncset.done $0x0  }
0x5c: {  	[sflag:s22] =	ssyncadd.s32 $0xFFFFC000  }
0x5d: {  	[spmem:s2] =	stream.indirect.scatter.add.f32 [tilespmem:s20], [sflag:$0x4], $0x80, s25, s17, $0xb8;
	[tilespmem:$0x1E800] =	vst v63  }
0x5e: {  	_ =	swait.ge [sflag:s15], $0x4000  }
0x5f: {  	[sflag:s15] =	ssyncset.done $0x0  }
0x60: {  	s31 =	simm.s32 $0x0;
	[sflag:s15] =	ssyncadd.s32 $0xFFFFC000  }
0x61: {  	[tilespmem:s31], [sflag:$0x4] =	stream.linear.gather [hbm4b:s10+s31], $0x1400, $0x38;
	[tilespmem:$0x1E800] =	vst v63  }
0x62: {  	_ =	swait.ge [sflag:s15], $0x1400  }
0x63: {  	[sflag:s15] =	ssyncset.done $0x0  }
0x64: {  	[sflag:s15] =	ssyncadd.s32 $0xFFFFEC00  }
0x65: {  	[tilespmem:s16], [sflag:$0x4] =	stream.linear.gather [hbm4b:s11+s31], $0x1400, $0x38;
	[tilespmem:$0x1E800] =	vst v63  }
0x66: {  	_ =	swait.ge [sflag:s15], $0x1400  }
0x67: {  	[sflag:s15] =	ssyncset.done $0x0  }
0x68: {  	[sflag:s15] =	ssyncadd.s32 $0xFFFFEC00  }
0x69: {  	[tilespmem:s18], [sflag:$0x1] =	stream.indirect.gather [hbm4b:s4+s17], $0x80, s31, s17, $0xb8;
	[tilespmem:$0x1E800] =	vst v63  }
0x6a: {  	s30 =	simm.s32 $0x80  }
0x6b: {  	[tilespmem:s20], [sflag:$0x2] =	stream.indirect.gather [hbm4b:s4+s17], $0x80, s30, s17, $0xb8;
	[tilespmem:$0x1E800] =	vst v63  }
0x6c: {  	_ =	swait.ge [sflag:s21], $0x4000  }
0x6d: {  	[sflag:s21] =	ssyncset.done $0x0  }
0x6e: {  	s31 =	simm.s32 $0x1400;
	[sflag:s21] =	ssyncadd.s32 $0xFFFFC000  }
0x6f: {  	[spmem:s2] =	stream.indirect.scatter.add.f32 [tilespmem:s18], [sflag:$0x4], $0x80, s31, s17, $0xb8;
	[tilespmem:$0x1E800] =	vst v63  }
0x70: {  	_ =	swait.ge [sflag:s15], $0x4000  }
0x71: {  	[sflag:s15] =	ssyncset.done $0x0  }
0x72: {  	s30 =	simm.s32 $0x100;
	[sflag:s15] =	ssyncadd.s32 $0xFFFFC000  }
0x73: {  	[tilespmem:s18], [sflag:$0x1] =	stream.indirect.gather [hbm4b:s4+s17], $0x80, s30, s17, $0xb8;
	[tilespmem:$0x1E800] =	vst v63  }
0x74: {  	_ =	swait.ge [sflag:s22], $0x4000  }
0x75: {  	[sflag:s22] =	ssyncset.done $0x0  }
0x76: {  	s31 =	simm.s32 $0x1480;
	[sflag:s22] =	ssyncadd.s32 $0xFFFFC000  }
0x77: {  	[spmem:s2] =	stream.indirect.scatter.add.f32 [tilespmem:s20], [sflag:$0x4], $0x80, s31, s17, $0xb8;
	[tilespmem:$0x1E800] =	vst v63  }
0x78: {  	_ =	swait.ge [sflag:s15], $0x4000  }
0x79: {  	s29 =	simm.s32 $0x800;
	s28 =	simm.s32 $0x100;
	[sflag:s15] =	ssyncset.done $0x0  }
.LBB2_4:
0x7a: {  	s0 =	sadd.s32 $0x80, s28  }
0x7b: {  	[sflag:s15] =	ssyncadd.s32 $0xFFFFC000;
	s30 =	smov.u32 s29;
	s31 =	sadd.s32 $0x400, s29  }
0x7c: {  	[tilespmem:s20], [sflag:$0x2] =	stream.indirect.gather [hbm4b:s4+s17], $0x80, s0, s17, $0xb8;
	[tilespmem:$0x1E800] =	vst v63  }
0x7d: {  	p0 =	sne.s32 s29, $0x4800;
	_ =	swait.ge [sflag:s21], $0x4000  }
0x7e: {  	[sflag:s21] =	ssyncset.done $0x0  }
0x7f: {  	s0 =	sadd.s32 $0x1400, s28;
	[sflag:s21] =	ssyncadd.s32 $0xFFFFC000  }
0x80: {  	[spmem:s2] =	stream.indirect.scatter.add.f32 [tilespmem:s18], [sflag:$0x4], $0x80, s0, s17, $0xb8;
	[tilespmem:$0x1E800] =	vst v63  }
0x81: {  	_ =	swait.ge [sflag:s15], $0x4000  }
0x82: {  	[sflag:s15] =	ssyncset.done $0x0  }
0x83: {  	s0 =	sadd.s32 $0x100, s28;
	[sflag:s15] =	ssyncadd.s32 $0xFFFFC000  }
0x84: {  	[tilespmem:s18], [sflag:$0x1] =	stream.indirect.gather [hbm4b:s4+s17], $0x80, s0, s17, $0xb8;
	[tilespmem:$0x1E800] =	vst v63  }
0x85: {  	_ =	swait.ge [sflag:s22], $0x4000  }
.Ltmp1:
0x86: {  	[sflag:s22] =	ssyncset.done $0x0;
	(pc) =	sbr.rel @p0 .LBB2_4-.Ltmp1, $4  }
0x87: {  	s0 =	sadd.s32 $0x1480, s28;
	[sflag:s22] =	ssyncadd.s32 $0xFFFFC000  }
0x88: {  	[spmem:s2] =	stream.indirect.scatter.add.f32 [tilespmem:s20], [sflag:$0x4], $0x80, s0, s17, $0xb8;
	[tilespmem:$0x1E800] =	vst v63  }
0x89: {  	_ =	swait.ge [sflag:s15], $0x4000  }
0x8a: {  	s29 =	smov.u32 s31;
	s28 =	sshra.s32 s30, $0x2;
	[sflag:s15] =	ssyncset.done $0x0  }
0x8b: {  	s0 =	sadd.s32 $0x80, s28;
	[sflag:s15] =	ssyncadd.s32 $0xFFFFC000  }
0x8c: {  	[tilespmem:s20], [sflag:$0x2] =	stream.indirect.gather [hbm4b:s4+s17], $0x80, s0, s17, $0xb8;
	[tilespmem:$0x1E800] =	vst v63  }
0x8d: {  	_ =	swait.ge [sflag:s21], $0x4000  }
0x8e: {  	[sflag:s21] =	ssyncset.done $0x0  }
0x8f: {  	s31 =	sadd.s32 $0x1400, s28;
	[sflag:s21] =	ssyncadd.s32 $0xFFFFC000  }
0x90: {  	[spmem:s2] =	stream.indirect.scatter.add.f32 [tilespmem:s18], [sflag:$0x4], $0x80, s31, s17, $0xb8;
	[tilespmem:$0x1E800] =	vst v63  }
0x91: {  	_ =	swait.ge [sflag:s15], $0x4000  }
0x92: {  	[sflag:s15] =	ssyncset.done $0x0  }
0x93: {  	s29 =	sadd.s32 $0x100, s28;
	[sflag:s15] =	ssyncadd.s32 $0xFFFFC000  }
0x94: {  	[tilespmem:s18], [sflag:$0x1] =	stream.indirect.gather [hbm4b:s4+s17], $0x80, s29, s17, $0xb8;
	[tilespmem:$0x1E800] =	vst v63  }
0x95: {  	_ =	swait.ge [sflag:s22], $0x4000  }
0x96: {  	[sflag:s22] =	ssyncset.done $0x0  }
0x97: {  	s30 =	sadd.s32 $0x1480, s28;
	[sflag:s22] =	ssyncadd.s32 $0xFFFFC000  }
0x98: {  	[spmem:s2] =	stream.indirect.scatter.add.f32 [tilespmem:s20], [sflag:$0x4], $0x80, s30, s17, $0xb8;
	[tilespmem:$0x1E800] =	vst v63  }
0x99: {  	_ =	swait.ge [sflag:s15], $0x4000  }
0x9a: {  	[sflag:s15] =	ssyncset.done $0x0  }
0x9b: {  	[sflag:s15] =	ssyncadd.s32 $0xFFFFC000  }
0x9c: {  	[tilespmem:s20], [sflag:$0x2] =	stream.indirect.gather [hbm4b:s4+s17], $0x80, s23, s17, $0xb8;
	[tilespmem:$0x1E800] =	vst v63  }
0x9d: {  	_ =	swait.ge [sflag:s21], $0x4000  }
0x9e: {  	[sflag:s21] =	ssyncset.done $0x0  }
0x9f: {  	[sflag:s21] =	ssyncadd.s32 $0xFFFFC000  }
0xa0: {  	[spmem:s2] =	stream.indirect.scatter.add.f32 [tilespmem:s18], [sflag:$0x4], $0x80, s24, s17, $0xb8;
	[tilespmem:$0x1E800] =	vst v63  }
0xa1: {  	_ =	swait.ge [sflag:s15], $0x4000  }
0xa2: {  	[sflag:s15] =	ssyncset.done $0x0  }
0xa3: {  	[sflag:s15] =	ssyncadd.s32 $0xFFFFC000  }
0xa4: {  	_ =	swait.ge [sflag:s22], $0x4000  }
0xa5: {  	[sflag:s22] =	ssyncset.done $0x0  }
0xa6: {  	[sflag:s22] =	ssyncadd.s32 $0xFFFFC000  }
0xa7: {  	[spmem:s2] =	stream.indirect.scatter.add.f32 [tilespmem:s20], [sflag:$0x4], $0x80, s25, s17, $0xb8;
	[tilespmem:$0x1E800] =	vst v63  }
0xa8: {  	_ =	swait.ge [sflag:s15], $0x4000  }
0xa9: {  	s26 =	sadd.s32 $0x1, s26;
	[sflag:s15] =	ssyncset.done $0x0  }
0xaa: {  	p0 =	sne.s32 s26, s13;
	[sflag:s15] =	ssyncadd.s32 $0xFFFFC000  }
.Ltmp2:
0xab: {  	s31 =	sor.u32 $0x1C04, s6;
	[bflag:$0x0] =	sbarrier.arrive $0xFFFF;
	(pc) =	sbr.rel @p0 .LBB2_1-.Ltmp2, $4  }
0xac: {  	[hbm:s12], [sflag:s31] =	dma.local [spmem:s14], $0x2800  }
0xad: {  	_ =	swait.ge [sflag:s15], $0x2800  }
0xae: {  	[sflag:s15] =	ssyncset.done $0x0  }
0xaf: {  	[sflag:s15] =	ssyncadd.s32 $0xFFFFD800  }
0xb0: {  	_ =	sfence.sel $0x180000  }
0xb1: {  	[bflag:$0x0] =	sbarrier.arrive $0xFFFF  }
0xb2: {  	_ =	strace $0x9000004A  }
0xb3: {  	[bflag:$0x2] =	sbarrier.arrive $0xFFFF  }
0xb4: {  	p0 =	sne.s32 s1, $0x0;
	s0 =	rddreg [dreg:$0x2]  }
0xb5: {  	s0 =	sadd.s32 @!p0 $0x100000, s0  }
0xb6: {  	[sflag:s0] =	ssyncadd.tile.s32 @!p0 $0x1;
	_ =	shalt  }
.Lfunc_end2:
_tile_overlayer_lowered:
.L_overlay_start_2:
0xb7: {  	(tag) =	ssettag $0x2  }
0xb8: {  	s0 =	rddreg [dreg:$0x0];
	s2 =	stileid.u32  }
0xb9: {  	s1 =	rddreg [dreg:$0x1];
	p0 =	sne.s32 s2, $0x0  }
0xba: {  	s3 =	rddreg [dreg:$0x2];
	[bflag:$0x3] =	sbarrier.arrive $0xFFFF;
	s2 =	simm.s32 @!p0 $0x1C04  }
0xbb: {  	[timem:s3], [sflag:s2] =	dma.local @!p0 [hbm:s0], s1  }
0xbc: {  	s0 =	simm.s32 @!p0 $0x4  }
0xbd: {  	_ =	swait.ge @!p0 [sflag:s0], s1  }
0xbe: {  	s1 =	ssub.s32 @!p0 $0x0, s1;
	[sflag:s0] =	ssyncset.done @!p0 $0x0  }
0xbf: {  	[sflag:s0] =	ssyncadd.s32 @!p0 s1  }
0xc0: {  	[bflag:$0x3] =	sbarrier.arrive $0xFFFF  }
0xc1: {  	_ =	shalt  }

// kernel: kernel.15.cloned.1.call-start
scs
__scs_entry_jumppad:
0x0: {  	(pc) =	sbr.rel $0x88, $3  }
0x1: {  	(tag) =	ssettag $0x0;
	lr =	simm.s32 $0x1  }
0x2: {  	[smem:$0x3F99] =	sst lr;
	_ =	strace $0xD0000000  }
0x3: {  	_ = 	snop  }
0x4: {  	_ = 	snop  }
0x5: {  	_ = 	snop  }
0x6: {  	_ = 	snop  }
0x7: {  	_ = 	snop  }
__scs_overlays_trampoline_lowered:
0x8: {  	[smem:$0x3FA8] =	sst s0  }
0x9: {  	[smem:$0x3FA9] =	sst s1  }
0xa: {  	[smem:$0x3FAA] =	sst s2  }
0xb: {  	[smem:$0x3FAB] =	sst s3  }
0xc: {  	[smem:$0x3FAC] =	sst s4  }
0xd: {  	[smem:$0x3FAD] =	sst s5  }
0xe: {  	[smem:$0x3FAE] =	sst s6  }
0xf: {  	[smem:$0x3FAF] =	sst s7  }
0x10: {  	[smem:$0x3FB0] =	sst s8  }
0x11: {  	[smem:$0x3FB1] =	sst s9;
	s0 =	simm.s32 @!p0 $0x0  }
0x12: {  	s1 =	sld [smem:$0x3F97];
	s0 =	simm.s32 @p0 $0x1  }
0x13: {  	[smem:$0x3FB2] =	sst s0;
	s0 =	simm.s32 @!p1 $0x0  }
0x14: {  	s2 =	sld [smem:$0x3F96];
	s0 =	simm.s32 @p1 $0x1  }
0x15: {  	[smem:$0x3FB3] =	sst s0;
	s0 =	simm.s32 @!p2 $0x0  }
0x16: {  	s3 =	sld [smem:$0x3FDB];
	s0 =	simm.s32 @p2 $0x1  }
0x17: {  	s4 =	simm.s32 $0x1BF5;
	[smem:$0x3FB5] =	sst s0  }
0x18: {  	s0 =	sld [smem:$0x3F98];
	_ =	swait.ge [sflag:s4], $0x0  }
0x19: {  	s7 =	sld [smem:$0x3F99]  }
0x1a: {  	s8 =	sadd.s32 $0xFFFFE003, lr  }
0x1b: {  	s9 =	sadd.s32 $0xFFFFFEF7, lr;
	s5 =	simm.s32 $0xFFFFFFFF;
	p2 =	slt.u32 s8, $0xFFFFF086  }
0x1c: {  	p1 =	slt.u32 s9, $0xF7A;
	s5 =	simm.s32 @!p2 $0x0  }
0x1d: {  	s5 =	simm.s32 @p1 $0x1;
	p0 =	seq.s32 s7, s2  }
0x1e: {  	s7 =	smul.u32 @!p0 $0xF7A, s2;
	p2 =	seq.s32 @!p0 s5, $0x0  }
0x1f: {  	s9 =	smul.u32 $0xF7A, s1;
	s8 =	simm.s32 @!p0 $0x1BF5;
	p2 =	por !p2, p0  }
0x20: {  	[sflag:s8] =	ssyncset.s32 @!p0 $0xFFFFF086;
	s6 =	sadd.s32 @!p0 s3, s7;
	s7 =	simm.s32 @!p0 $0x108  }
0x21: {  	s3 =	sadd.s32 s3, s9;
	s6 =	sadd.s32 @!p0 $0x88, s6;
	s7 =	simm.s32 @p2 $0x1082  }
0x22: {  	[simem:s7], [sflag:s8] =	dma.local @!p0 [hbm:s6], $0xF7A  }
0x23: {  	s9 =	sor.u32 $0xD0000000, s2;
	s6 =	simm.s32 $0x108;
	_ =	swait.ge @!p0 [sflag:s8], $0x0  }
0x24: {  	s3 =	sadd.s32 $0x88, s3;
	s6 =	simm.s32 @!p1 $0x1082;
	[sflag:s4] =	ssyncset.s32 $0xFFFFF086  }
0x25: {  	[simem:s6], [sflag:s4] =	dma.local [hbm:s3], $0xF7A  }
0x26: {  	[smem:$0x3F99] =	sst s1;
	(tag) =	ssettag s2;
	_ =	strace s9  }
0x27: {  	s1 =	sld [smem:$0x3FA9]  }
0x28: {  	s2 =	sld [smem:$0x3FAA]  }
0x29: {  	s4 =	sld [smem:$0x3FAC]  }
0x2a: {  	p0 =	seq.s32 s5, $0x0;
	s5 =	sld [smem:$0x3FAD]  }
0x2b: {  	s6 =	sld [smem:$0x3FAE]  }
0x2c: {  	s7 =	sld [smem:$0x3FAF]  }
0x2d: {  	s3 =	simm.s32 $0x108;
	s8 =	sld [smem:$0x3FB0]  }
0x2e: {  	s3 =	simm.s32 @!p0 $0x1082;
	s9 =	sld [smem:$0x3FB1]  }
0x2f: {  	lr =	sadd.s32 s0, s3;
	s0 =	sld [smem:$0x3FA8]  }
0x30: {  	s3 =	sld [smem:$0x3FAB]  }
0x31: {  	[smem:$0x3FB4] =	sst s10  }
0x32: {  	s10 =	sld [smem:$0x3FB2];
	_ =	sdelay $0x3  }
0x33: {  	p0 =	seq.s32 s10, $0x1;
	s10 =	sld [smem:$0x3FB4];
	_ =	sdelay $0x3  }
0x34: {  	[smem:$0x3FB4] =	sst s10  }
0x35: {  	s10 =	sld [smem:$0x3FB3];
	_ =	sdelay $0x3  }
0x36: {  	p1 =	seq.s32 s10, $0x1;
	s10 =	sld [smem:$0x3FB4];
	_ =	sdelay $0x3  }
0x37: {  	[smem:$0x3FB4] =	sst s10  }
0x38: {  	s10 =	sld [smem:$0x3FB5]  }
0x39: {  	_ = 	snop;
	(pc) =	sbr.ind lr, $3  }
0x3a: {  	_ = 	snop  }
0x3b: {  	_ = 	snop  }
0x3c: {  	p2 =	seq.s32 s10, $0x1;
	s10 =	sld [smem:$0x3FB4]  }
0x3d: {  	_ =	shalt  }
0x3e: {  	_ =	shalt  }
0x3f: {  	_ =	shalt  }
0x40: {  	_ =	shalt  }
0x41: {  	_ =	shalt  }
0x42: {  	_ =	shalt  }
0x43: {  	_ =	shalt  }
0x44: {  	_ =	shalt  }
0x45: {  	_ =	shalt  }
0x46: {  	_ =	shalt  }
0x47: {  	_ =	shalt  }
0x48: {  	_ =	shalt  }
0x49: {  	_ =	shalt  }
0x4a: {  	_ =	shalt  }
0x4b: {  	_ =	shalt  }
0x4c: {  	_ =	shalt  }
0x4d: {  	_ =	shalt  }
0x4e: {  	_ =	shalt  }
0x4f: {  	_ =	shalt  }
0x50: {  	_ =	shalt  }
0x51: {  	_ =	shalt  }
0x52: {  	_ =	shalt  }
0x53: {  	_ =	shalt  }
0x54: {  	_ =	shalt  }
0x55: {  	_ =	shalt  }
0x56: {  	_ =	shalt  }
0x57: {  	_ =	shalt  }
0x58: {  	_ =	shalt  }
0x59: {  	_ =	shalt  }
0x5a: {  	_ =	shalt  }
0x5b: {  	_ =	shalt  }
0x5c: {  	_ =	shalt  }
0x5d: {  	_ =	shalt  }
0x5e: {  	_ =	shalt  }
0x5f: {  	_ =	shalt  }
0x60: {  	_ =	shalt  }
0x61: {  	_ =	shalt  }
0x62: {  	_ =	shalt  }
0x63: {  	_ =	shalt  }
0x64: {  	_ =	shalt  }
0x65: {  	_ =	shalt  }
0x66: {  	_ =	shalt  }
0x67: {  	_ =	shalt  }
0x68: {  	_ =	shalt  }
0x69: {  	_ =	shalt  }
0x6a: {  	_ =	shalt  }
0x6b: {  	_ =	shalt  }
0x6c: {  	_ =	shalt  }
0x6d: {  	_ =	shalt  }
0x6e: {  	_ =	shalt  }
0x6f: {  	_ =	shalt  }
0x70: {  	_ =	shalt  }
0x71: {  	_ =	shalt  }
0x72: {  	_ =	shalt  }
0x73: {  	_ =	shalt  }
0x74: {  	_ =	shalt  }
0x75: {  	_ =	shalt  }
0x76: {  	_ =	shalt  }
0x77: {  	_ =	shalt  }
0x78: {  	_ =	shalt  }
0x79: {  	_ =	shalt  }
0x7a: {  	_ =	shalt  }
0x7b: {  	_ =	shalt  }
0x7c: {  	_ =	shalt  }
0x7d: {  	_ =	shalt  }
0x7e: {  	_ =	shalt  }
0x7f: {  	_ =	shalt  }
0x80: {  	_ =	shalt  }
0x81: {  	_ =	shalt  }
0x82: {  	_ =	shalt  }
0x83: {  	_ =	shalt  }
0x84: {  	_ =	shalt  }
0x85: {  	_ =	shalt  }
0x86: {  	_ =	shalt  }
0x87: {  	_ =	shalt  }
.Lfunc_end0:
.L_simem_size_0:
called_computation.2_lowered:
.L_overlay_start_0:
0x88: {  	s2 =	sld [smem:$0x3FD9]  }
0x89: {  	s3 =	sld [smem:$0x3FFE];
	_ =	sdelay $0x1  }
0x8a: {  	s1 =	srdreg.scid  }
0x8b: {  	s0 =	sand.u32 $0x1, s1  }
0x8c: {  	s16 =	sshll.u32 s0, $0xA;
	s2 =	sadd.s32 s3, s2  }
0x8d: {  	s2 =	sadd.s32 s2, s16  }
0x8e: {  	[smem:$0x3FC0] =	sst s2  }
0x8f: {  	_ = 	snop  }
0x90: {  	(tm) =	ssettm $0x1  }
0x91: {  	s17 =	sld [smem:$0x3FFB];
	_ =	sdelay $0x3  }
0x92: {  	_ =	strace s17  }
0x93: {  	s2 =	sld [smem:$0x3FFC];
	_ =	sdelay $0x3  }
0x94: {  	_ =	strace s2  }
0x95: {  	s2 =	sld [smem:$0x3FFD];
	_ =	sdelay $0x3  }
0x96: {  	_ =	strace s2  }
0x97: {  	_ =	strace $0x8FFFFFFF  }
0x98: {  	s18 =	sld [smem:$0x3FDB];
	_ =	sdelay $0x1  }
0x99: {  	s19 =	simm.s32 $_scs_section_size  }
0x9a: {  	s4 =	simm.s32 $_size__tile_overlayer_lowered;
	s5 =	simm.s32 $_tile_overlayer_lowered  }
0x9b: {  	s22 =	simm.s32 $0x1BFF;
	s21 =	sshll.u32 s5, $0x1;
	s2 =	sadd.s32 s19, s18  }
0x9c: {  	s6 =	simm.s32 $0x0;
	s20 =	sshll.u32 s4, $0x1;
	s4 =	sadd.s32 s21, s2  }
0x9d: {  	[timem:s6], [sflag:s22] =	dma.local [hbm:s4], s20  }
0x9e: {  	_ =	swait.ge [sflag:s22], s20  }
0x9f: {  	s3 =	ssub.s32 $0x0, s20;
	[sflag:s22] =	ssyncset.done $0x0  }
0xa0: {  	[sflag:s22] =	ssyncadd.s32 s3;
	_ =	sdelay $0x1  }
0xa1: {  	s23 =	simm.s32 $0x1B8B  }
0xa2: {  	_ =	swait.ge [sflag:s23], $0x1  }
0xa3: {  	[sflag:s23] =	ssyncset.done $0x0  }
0xa4: {  	s25 =	simm.s32 $0x1B8E;
	s24 =	sld [smem:$0x3FFE];
	[sflag:s23] =	ssyncadd.s32 $0xFFFFFFFF  }
0xa5: {  	s26 =	simm.s32 $execute0_lowered;
	[smem:$0x3FD2] =	sst s25  }
0xa6: {  	s4 =	sshll.u32 s26, $0x1;
	_ =	strace $0x8000004C;
	[dreg:$0x1] =	wrdreg $0xFFFFFFFF  }
0xa7: {  	s28 =	simm.s32 $_size_execute0_lowered;
	s2 =	sadd.s32 s2, s4;
	[dreg:$0x0] =	wrdreg $0x0  }
0xa8: {  	s4 =	sshll.u32 s28, $0x1;
	[dreg:$0x2] =	wrdreg s2  }
0xa9: {  	[dreg:$0x3] =	wrdreg s4  }
0xaa: {  	[dreg:$0x4] =	wrdreg $0xC0  }
0xab: {  	_ =	task [dreg:s6], $0x5FFFF  }
0xac: {  	[dreg:$0x1] =	wrdreg $0xFFFFFFFF  }
0xad: {  	[dreg:$0x0] =	wrdreg $0x60  }
0xae: {  	[dreg:$0x2] =	wrdreg s24  }
0xaf: {  	[dreg:$0x3] =	wrdreg $0xA8000  }
0xb0: {  	[dreg:$0x4] =	wrdreg $0x9  }
0xb1: {  	_ =	task.clear_ibuf [dreg:s6], $0x5FFFF;
	_ =	strace $0x9000004C  }
0xb2: {  	s29 =	simm.s32 $0x9;
	_ =	strace $0x8000004E  }
0xb3: {  	_ =	swait.ge [sflag:s29], $0x1  }
0xb4: {  	[sflag:s29] =	ssyncadd.s32 $0xFFFFFFFF  }
0xb5: {  	_ =	strace $0x9000004E  }
0xb6: {  	_ =	sfence  }
0xb7: {  	s30 =	sld [smem:$0x0];
	_ =	sdelay $0x2  }
0xb8: {  	s31 =	sshll.u32 s1, $0xD;
	s1 =	sshrl.u32 s1, $0x2  }
0xb9: {  	s3 =	sand.u32 $0x4000, s31;
	s1 =	sadd.s32 s1, s30  }
0xba: {  	s0 =	sor.u32 s3, s0;
	s1 =	sshll.u32 s1, $0x11  }
0xbb: {  	s0 =	sor.u32 s1, s0  }
0xbc: {  	s0 =	sadd.s32 $0x8F2B, s0  }
0xbd: {  	[sflag:s0] =	ssyncadd.remote.s32 $0x1  }
0xbe: {  	_ =	sfence.sel $0xFFFF  }
0xbf: {  	[dreg:$0x0] =	wrdreg $0xFFFFFFFF;
	(pc) =	sbr.abs _section_cstart, $3  }
0xc0: {  	[dreg:$0x1] =	wrdreg $0xFFFFFFFF  }
0xc1: {  	_ =	task.clear_ibuf [dreg:s6], $0x2FFFF;
	_ =	strace $0x9FFFFFFF  }
0xc2: {  	(tm) =	ssettm $0x7FFFFFFF  }
0xc3: {  	_ =	shalt  }
tec
execute0_lowered:
.L_overlay_start_1:
0x0: {  	(tag) =	ssettag $0x1  }
0x1: {  	s5 =	rddreg [dreg:$0x0]  }
0x2: {  	s2 =	rddreg [dreg:$0x1];
	s3 =	simm.s32 $0x0;
	s1 =	stileid.u32  }
0x3: {  	s4 =	srdreg.scid;
	s17 =	simm.s32 $0x80;
	s18 =	simm.s32 $0x2800  }
0x4: {  	s19 =	simm.s32 $0x3;
	s20 =	simm.s32 $0x6800;
	s21 =	simm.s32 $0x1  }
0x5: {  	s22 =	simm.s32 $0x2;
	s23 =	simm.s32 $0x1380;
	s24 =	simm.s32 $0x2700  }
0x6: {  	[smem:$0x7FF] =	sst s3;
	s6 =	smul.u32 $0x14000, s1;
	s7 =	sand.u32 $0x1, s4  }
0x7: {  	s4 =	sadd.s32 $0x15E00, s5;
	s10 =	sadd.s32 $0xBE00, s5;
	s12 =	smul.u32 $0x50000, s1  }
0x8: {  	s11 =	sadd.s32 $0x1E00, s5;
	_ =	strace $0x8000004D;
	s8 =	smul.u32 $0x140000, s7  }
0x9: {  	s25 =	sshll.u32 s7, $0x4;
	s26 =	ssub.s32 $0x2, s7;
	s9 =	sshrl.u32 s6, $0x3  }
0xa: {  	s28 =	sor.u32 s1, s25;
	s7 =	sshrl.u32 s26, $0x1;
	s29 =	sshrl.u32 s12, $0x2  }
0xb: {  	s25 =	simm.s32 $0x2780;
	s9 =	sadd.s32 s9, s5;
	s6 =	sadd.s32 s6, s8  }
0xc: {  	s30 =	smul.u32 $0x2800, s28;
	s14 =	ssub.s32 s26, s7;
	s15 =	sadd.s32 s29, s2  }
0xd: {  	s16 =	smul.u32 $0x500, s28;
	s26 =	simm.s32 $0x0;
	s6 =	sshrl.u32 s6, $0x3  }
0xe: {  	s13 =	sadd.s32 s6, s5;
	s5 =	sadd.s32 $0x3D000, s9;
	s6 =	sshll.u32 s1, $0x6  }
0xf: {  	s31 =	sshrl.u32 s30, $0x3;
	s8 =	sadd.s32 s10, s16;
	s9 =	sadd.s32 s11, s16  }
0x10: {  	s16 =	simm.s32 $0x1400;
	s7 =	sor.u32 $0x1C03, s6;
	s12 =	sadd.s32 $0x280, s31  }
0x11: {  	s10 =	sadd.s32 s10, s12;
	s11 =	sadd.s32 s11, s12;
	s12 =	sadd.s32 $0x65000, s13  }
0x12: {  	s13 =	smax.u32 s14, $0x1;
	s14 =	sshrl.u32 s15, $0x3;
	s15 =	simm.s32 $0x4  }
.LBB2_1:
0x13: {  	[spmem:s14], [sflag:s7] =	dma.local [hbm:s5], $0x2800  }
0x14: {  	[tilespmem:s3], [sflag:$0x4] =	stream.linear.gather [hbm4b:s8+s3], $0x1400, $0x38;
	[tilespmem:$0x1E800] =	vst v63  }
0x15: {  	_ =	swait.ge [sflag:s15], $0x1400  }
0x16: {  	[sflag:s15] =	ssyncset.done $0x0  }
0x17: {  	[sflag:s15] =	ssyncadd.s32 $0xFFFFEC00  }
0x18: {  	[tilespmem:s16], [sflag:$0x4] =	stream.linear.gather [hbm4b:s9+s3], $0x1400, $0x38;
	[tilespmem:$0x1E800] =	vst v63  }
0x19: {  	_ =	swait.ge [sflag:s15], $0x1400  }
0x1a: {  	[sflag:s15] =	ssyncset.done $0x0  }
0x1b: {  	[sflag:s15] =	ssyncadd.s32 $0xFFFFEC00  }
0x1c: {  	[tilespmem:s18], [sflag:$0x1] =	stream.indirect.gather [hbm4b:s4+s17], $0x80, s3, s17, $0xb8;
	[tilespmem:$0x1E800] =	vst v63  }
0x1d: {  	_ =	swait.ge [sflag:s19], $0x2800  }
0x1e: {  	[sflag:s19] =	ssyncset.done $0x0  }
0x1f: {  	[sflag:s19] =	ssyncadd.s32 $0xFFFFD800  }
0x20: {  	s28 =	simm.s32 $0x80;
	[bflag:$0x0] =	sbarrier.arrive $0xFFFF  }
0x21: {  	[tilespmem:s20], [sflag:$0x2] =	stream.indirect.gather [hbm4b:s4+s17], $0x80, s28, s17, $0xb8;
	[tilespmem:$0x1E800] =	vst v63  }
0x22: {  	_ =	swait.ge [sflag:s21], $0x4000  }
0x23: {  	[sflag:s21] =	ssyncset.done $0x0  }
0x24: {  	s28 =	simm.s32 $0x1400;
	[sflag:s21] =	ssyncadd.s32 $0xFFFFC000  }
0x25: {  	[spmem:s2] =	stream.indirect.scatter.add.f32 [tilespmem:s18], [sflag:$0x4], $0x80, s28, s17, $0xb8;
	[tilespmem:$0x1E800] =	vst v63  }
0x26: {  	_ =	swait.ge [sflag:s15], $0x4000  }
0x27: {  	[sflag:s15] =	ssyncset.done $0x0  }
0x28: {  	s28 =	simm.s32 $0x100;
	[sflag:s15] =	ssyncadd.s32 $0xFFFFC000  }
0x29: {  	[tilespmem:s18], [sflag:$0x1] =	stream.indirect.gather [hbm4b:s4+s17], $0x80, s28, s17, $0xb8;
	[tilespmem:$0x1E800] =	vst v63  }
0x2a: {  	_ =	swait.ge [sflag:s22], $0x4000  }
0x2b: {  	[sflag:s22] =	ssyncset.done $0x0  }
0x2c: {  	s28 =	simm.s32 $0x1480;
	[sflag:s22] =	ssyncadd.s32 $0xFFFFC000  }
0x2d: {  	[spmem:s2] =	stream.indirect.scatter.add.f32 [tilespmem:s20], [sflag:$0x4], $0x80, s28, s17, $0xb8;
	[tilespmem:$0x1E800] =	vst v63  }
0x2e: {  	_ =	swait.ge [sflag:s15], $0x4000  }
0x2f: {  	s29 =	simm.s32 $0x800;
	s28 =	simm.s32 $0x100;
	[sflag:s15] =	ssyncset.done $0x0  }
.LBB2_2:
0x30: {  	s30 =	sadd.s32 $0x80, s28  }
0x31: {  	[sflag:s15] =	ssyncadd.s32 $0xFFFFC000;
	s31 =	smov.u32 s29;
	s0 =	sadd.s32 $0x400, s29  }
0x32: {  	[tilespmem:s20], [sflag:$0x2] =	stream.indirect.gather [hbm4b:s4+s17], $0x80, s30, s17, $0xb8;
	[tilespmem:$0x1E800] =	vst v63  }
0x33: {  	p0 =	sne.s32 s29, $0x4800;
	_ =	swait.ge [sflag:s21], $0x4000  }
0x34: {  	[sflag:s21] =	ssyncset.done $0x0  }
0x35: {  	s29 =	sadd.s32 $0x1400, s28;
	[sflag:s21] =	ssyncadd.s32 $0xFFFFC000  }
0x36: {  	[spmem:s2] =	stream.indirect.scatter.add.f32 [tilespmem:s18], [sflag:$0x4], $0x80, s29, s17, $0xb8;
	[tilespmem:$0x1E800] =	vst v63  }
0x37: {  	_ =	swait.ge [sflag:s15], $0x4000  }
0x38: {  	[sflag:s15] =	ssyncset.done $0x0  }
0x39: {  	s29 =	sadd.s32 $0x100, s28;
	[sflag:s15] =	ssyncadd.s32 $0xFFFFC000  }
0x3a: {  	[tilespmem:s18], [sflag:$0x1] =	stream.indirect.gather [hbm4b:s4+s17], $0x80, s29, s17, $0xb8;
	[tilespmem:$0x1E800] =	vst v63  }
0x3b: {  	_ =	swait.ge [sflag:s22], $0x4000  }
.Ltmp0:
0x3c: {  	[sflag:s22] =	ssyncset.done $0x0;
	(pc) =	sbr.rel @p0 .LBB2_2-.Ltmp0, $4  }
0x3d: {  	s28 =	sadd.s32 $0x1480, s28;
	[sflag:s22] =	ssyncadd.s32 $0xFFFFC000  }
0x3e: {  	[spmem:s2] =	stream.indirect.scatter.add.f32 [tilespmem:s20], [sflag:$0x4], $0x80, s28, s17, $0xb8;
	[tilespmem:$0x1E800] =	vst v63  }
0x3f: {  	_ =	swait.ge [sflag:s15], $0x4000  }
0x40: {  	s29 =	smov.u32 s0;
	s28 =	sshra.s32 s31, $0x2;
	[sflag:s15] =	ssyncset.done $0x0  }
0x41: {  	s0 =	sadd.s32 $0x80, s28;
	[sflag:s15] =	ssyncadd.s32 $0xFFFFC000  }
0x42: {  	[tilespmem:s20], [sflag:$0x2] =	stream.indirect.gather [hbm4b:s4+s17], $0x80, s0, s17, $0xb8;
	[tilespmem:$0x1E800] =	vst v63  }
0x43: {  	_ =	swait.ge [sflag:s21], $0x4000  }
0x44: {  	[sflag:s21] =	ssyncset.done $0x0  }
0x45: {  	s30 =	sadd.s32 $0x1400, s28;
	[sflag:s21] =	ssyncadd.s32 $0xFFFFC000  }
0x46: {  	[spmem:s2] =	stream.indirect.scatter.add.f32 [tilespmem:s18], [sflag:$0x4], $0x80, s30, s17, $0xb8;
	[tilespmem:$0x1E800] =	vst v63  }
0x47: {  	_ =	swait.ge [sflag:s15], $0x4000  }
0x48: {  	[sflag:s15] =	ssyncset.done $0x0  }
0x49: {  	s31 =	sadd.s32 $0x100, s28;
	[sflag:s15] =	ssyncadd.s32 $0xFFFFC000  }
0x4a: {  	[tilespmem:s18], [sflag:$0x1] =	stream.indirect.gather [hbm4b:s4+s17], $0x80, s31, s17, $0xb8;
	[tilespmem:$0x1E800] =	vst v63  }
0x4b: {  	_ =	swait.ge [sflag:s22], $0x4000  }
0x4c: {  	[sflag:s22] =	ssyncset.done $0x0  }
0x4d: {  	s30 =	sadd.s32 $0x1480, s28;
	[sflag:s22] =	ssyncadd.s32 $0xFFFFC000  }
0x4e: {  	[spmem:s2] =	stream.indirect.scatter.add.f32 [tilespmem:s20], [sflag:$0x4], $0x80, s30, s17, $0xb8;
	[tilespmem:$0x1E800] =	vst v63  }
0x4f: {  	_ =	swait.ge [sflag:s15], $0x4000  }
0x50: {  	[sflag:s15] =	ssyncset.done $0x0  }
0x51: {  	[sflag:s15] =	ssyncadd.s32 $0xFFFFC000  }
0x52: {  	[tilespmem:s20], [sflag:$0x2] =	stream.indirect.gather [hbm4b:s4+s17], $0x80, s23, s17, $0xb8;
	[tilespmem:$0x1E800] =	vst v63  }
0x53: {  	_ =	swait.ge [sflag:s21], $0x4000  }
0x54: {  	[sflag:s21] =	ssyncset.done $0x0  }
0x55: {  	[sflag:s21] =	ssyncadd.s32 $0xFFFFC000  }
0x56: {  	[spmem:s2] =	stream.indirect.scatter.add.f32 [tilespmem:s18], [sflag:$0x4], $0x80, s24, s17, $0xb8;
	[tilespmem:$0x1E800] =	vst v63  }
0x57: {  	_ =	swait.ge [sflag:s15], $0x4000  }
0x58: {  	[sflag:s15] =	ssyncset.done $0x0  }
0x59: {  	[sflag:s15] =	ssyncadd.s32 $0xFFFFC000  }
0x5a: {  	_ =	swait.ge [sflag:s22], $0x4000  }
0x5b: {  	[sflag:s22] =	ssyncset.done $0x0  }
0x5c: {  	[sflag:s22] =	ssyncadd.s32 $0xFFFFC000  }
0x5d: {  	[spmem:s2] =	stream.indirect.scatter.add.f32 [tilespmem:s20], [sflag:$0x4], $0x80, s25, s17, $0xb8;
	[tilespmem:$0x1E800] =	vst v63  }
0x5e: {  	_ =	swait.ge [sflag:s15], $0x4000  }
0x5f: {  	[sflag:s15] =	ssyncset.done $0x0  }
0x60: {  	s31 =	simm.s32 $0x0;
	[sflag:s15] =	ssyncadd.s32 $0xFFFFC000  }
0x61: {  	[tilespmem:s31], [sflag:$0x4] =	stream.linear.gather [hbm4b:s10+s31], $0x1400, $0x38;
	[tilespmem:$0x1E800] =	vst v63  }
0x62: {  	_ =	swait.ge [sflag:s15], $0x1400  }
0x63: {  	[sflag:s15] =	ssyncset.done $0x0  }
0x64: {  	[sflag:s15] =	ssyncadd.s32 $0xFFFFEC00  }
0x65: {  	[tilespmem:s16], [sflag:$0x4] =	stream.linear.gather [hbm4b:s11+s31], $0x1400, $0x38;
	[tilespmem:$0x1E800] =	vst v63  }
0x66: {  	_ =	swait.ge [sflag:s15], $0x1400  }
0x67: {  	[sflag:s15] =	ssyncset.done $0x0  }
0x68: {  	[sflag:s15] =	ssyncadd.s32 $0xFFFFEC00  }
0x69: {  	[tilespmem:s18], [sflag:$0x1] =	stream.indirect.gather [hbm4b:s4+s17], $0x80, s31, s17, $0xb8;
	[tilespmem:$0x1E800] =	vst v63  }
0x6a: {  	s30 =	simm.s32 $0x80  }
0x6b: {  	[tilespmem:s20], [sflag:$0x2] =	stream.indirect.gather [hbm4b:s4+s17], $0x80, s30, s17, $0xb8;
	[tilespmem:$0x1E800] =	vst v63  }
0x6c: {  	_ =	swait.ge [sflag:s21], $0x4000  }
0x6d: {  	[sflag:s21] =	ssyncset.done $0x0  }
0x6e: {  	s31 =	simm.s32 $0x1400;
	[sflag:s21] =	ssyncadd.s32 $0xFFFFC000  }
0x6f: {  	[spmem:s2] =	stream.indirect.scatter.add.f32 [tilespmem:s18], [sflag:$0x4], $0x80, s31, s17, $0xb8;
	[tilespmem:$0x1E800] =	vst v63  }
0x70: {  	_ =	swait.ge [sflag:s15], $0x4000  }
0x71: {  	[sflag:s15] =	ssyncset.done $0x0  }
0x72: {  	s30 =	simm.s32 $0x100;
	[sflag:s15] =	ssyncadd.s32 $0xFFFFC000  }
0x73: {  	[tilespmem:s18], [sflag:$0x1] =	stream.indirect.gather [hbm4b:s4+s17], $0x80, s30, s17, $0xb8;
	[tilespmem:$0x1E800] =	vst v63  }
0x74: {  	_ =	swait.ge [sflag:s22], $0x4000  }
0x75: {  	[sflag:s22] =	ssyncset.done $0x0  }
0x76: {  	s31 =	simm.s32 $0x1480;
	[sflag:s22] =	ssyncadd.s32 $0xFFFFC000  }
0x77: {  	[spmem:s2] =	stream.indirect.scatter.add.f32 [tilespmem:s20], [sflag:$0x4], $0x80, s31, s17, $0xb8;
	[tilespmem:$0x1E800] =	vst v63  }
0x78: {  	_ =	swait.ge [sflag:s15], $0x4000  }
0x79: {  	s29 =	simm.s32 $0x800;
	s28 =	simm.s32 $0x100;
	[sflag:s15] =	ssyncset.done $0x0  }
.LBB2_4:
0x7a: {  	s0 =	sadd.s32 $0x80, s28  }
0x7b: {  	[sflag:s15] =	ssyncadd.s32 $0xFFFFC000;
	s30 =	smov.u32 s29;
	s31 =	sadd.s32 $0x400, s29  }
0x7c: {  	[tilespmem:s20], [sflag:$0x2] =	stream.indirect.gather [hbm4b:s4+s17], $0x80, s0, s17, $0xb8;
	[tilespmem:$0x1E800] =	vst v63  }
0x7d: {  	p0 =	sne.s32 s29, $0x4800;
	_ =	swait.ge [sflag:s21], $0x4000  }
0x7e: {  	[sflag:s21] =	ssyncset.done $0x0  }
0x7f: {  	s0 =	sadd.s32 $0x1400, s28;
	[sflag:s21] =	ssyncadd.s32 $0xFFFFC000  }
0x80: {  	[spmem:s2] =	stream.indirect.scatter.add.f32 [tilespmem:s18], [sflag:$0x4], $0x80, s0, s17, $0xb8;
	[tilespmem:$0x1E800] =	vst v63  }
0x81: {  	_ =	swait.ge [sflag:s15], $0x4000  }
0x82: {  	[sflag:s15] =	ssyncset.done $0x0  }
0x83: {  	s0 =	sadd.s32 $0x100, s28;
	[sflag:s15] =	ssyncadd.s32 $0xFFFFC000  }
0x84: {  	[tilespmem:s18], [sflag:$0x1] =	stream.indirect.gather [hbm4b:s4+s17], $0x80, s0, s17, $0xb8;
	[tilespmem:$0x1E800] =	vst v63  }
0x85: {  	_ =	swait.ge [sflag:s22], $0x4000  }
.Ltmp1:
0x86: {  	[sflag:s22] =	ssyncset.done $0x0;
	(pc) =	sbr.rel @p0 .LBB2_4-.Ltmp1, $4  }
0x87: {  	s0 =	sadd.s32 $0x1480, s28;
	[sflag:s22] =	ssyncadd.s32 $0xFFFFC000  }
0x88: {  	[spmem:s2] =	stream.indirect.scatter.add.f32 [tilespmem:s20], [sflag:$0x4], $0x80, s0, s17, $0xb8;
	[tilespmem:$0x1E800] =	vst v63  }
0x89: {  	_ =	swait.ge [sflag:s15], $0x4000  }
0x8a: {  	s29 =	smov.u32 s31;
	s28 =	sshra.s32 s30, $0x2;
	[sflag:s15] =	ssyncset.done $0x0  }
0x8b: {  	s0 =	sadd.s32 $0x80, s28;
	[sflag:s15] =	ssyncadd.s32 $0xFFFFC000  }
0x8c: {  	[tilespmem:s20], [sflag:$0x2] =	stream.indirect.gather [hbm4b:s4+s17], $0x80, s0, s17, $0xb8;
	[tilespmem:$0x1E800] =	vst v63  }
0x8d: {  	_ =	swait.ge [sflag:s21], $0x4000  }
0x8e: {  	[sflag:s21] =	ssyncset.done $0x0  }
0x8f: {  	s31 =	sadd.s32 $0x1400, s28;
	[sflag:s21] =	ssyncadd.s32 $0xFFFFC000  }
0x90: {  	[spmem:s2] =	stream.indirect.scatter.add.f32 [tilespmem:s18], [sflag:$0x4], $0x80, s31, s17, $0xb8;
	[tilespmem:$0x1E800] =	vst v63  }
0x91: {  	_ =	swait.ge [sflag:s15], $0x4000  }
0x92: {  	[sflag:s15] =	ssyncset.done $0x0  }
0x93: {  	s29 =	sadd.s32 $0x100, s28;
	[sflag:s15] =	ssyncadd.s32 $0xFFFFC000  }
0x94: {  	[tilespmem:s18], [sflag:$0x1] =	stream.indirect.gather [hbm4b:s4+s17], $0x80, s29, s17, $0xb8;
	[tilespmem:$0x1E800] =	vst v63  }
0x95: {  	_ =	swait.ge [sflag:s22], $0x4000  }
0x96: {  	[sflag:s22] =	ssyncset.done $0x0  }
0x97: {  	s30 =	sadd.s32 $0x1480, s28;
	[sflag:s22] =	ssyncadd.s32 $0xFFFFC000  }
0x98: {  	[spmem:s2] =	stream.indirect.scatter.add.f32 [tilespmem:s20], [sflag:$0x4], $0x80, s30, s17, $0xb8;
	[tilespmem:$0x1E800] =	vst v63  }
0x99: {  	_ =	swait.ge [sflag:s15], $0x4000  }
0x9a: {  	[sflag:s15] =	ssyncset.done $0x0  }
0x9b: {  	[sflag:s15] =	ssyncadd.s32 $0xFFFFC000  }
0x9c: {  	[tilespmem:s20], [sflag:$0x2] =	stream.indirect.gather [hbm4b:s4+s17], $0x80, s23, s17, $0xb8;
	[tilespmem:$0x1E800] =	vst v63  }
0x9d: {  	_ =	swait.ge [sflag:s21], $0x4000  }
0x9e: {  	[sflag:s21] =	ssyncset.done $0x0  }
0x9f: {  	[sflag:s21] =	ssyncadd.s32 $0xFFFFC000  }
0xa0: {  	[spmem:s2] =	stream.indirect.scatter.add.f32 [tilespmem:s18], [sflag:$0x4], $0x80, s24, s17, $0xb8;
	[tilespmem:$0x1E800] =	vst v63  }
0xa1: {  	_ =	swait.ge [sflag:s15], $0x4000  }
0xa2: {  	[sflag:s15] =	ssyncset.done $0x0  }
0xa3: {  	[sflag:s15] =	ssyncadd.s32 $0xFFFFC000  }
0xa4: {  	_ =	swait.ge [sflag:s22], $0x4000  }
0xa5: {  	[sflag:s22] =	ssyncset.done $0x0  }
0xa6: {  	[sflag:s22] =	ssyncadd.s32 $0xFFFFC000  }
0xa7: {  	[spmem:s2] =	stream.indirect.scatter.add.f32 [tilespmem:s20], [sflag:$0x4], $0x80, s25, s17, $0xb8;
	[tilespmem:$0x1E800] =	vst v63  }
0xa8: {  	_ =	swait.ge [sflag:s15], $0x4000  }
0xa9: {  	s26 =	sadd.s32 $0x1, s26;
	[sflag:s15] =	ssyncset.done $0x0  }
0xaa: {  	p0 =	sne.s32 s26, s13;
	[sflag:s15] =	ssyncadd.s32 $0xFFFFC000  }
.Ltmp2:
0xab: {  	s31 =	sor.u32 $0x1C04, s6;
	[bflag:$0x0] =	sbarrier.arrive $0xFFFF;
	(pc) =	sbr.rel @p0 .LBB2_1-.Ltmp2, $4  }
0xac: {  	[hbm:s12], [sflag:s31] =	dma.local [spmem:s14], $0x2800  }
0xad: {  	_ =	swait.ge [sflag:s15], $0x2800  }
0xae: {  	[sflag:s15] =	ssyncset.done $0x0  }
0xaf: {  	[sflag:s15] =	ssyncadd.s32 $0xFFFFD800  }
0xb0: {  	_ =	sfence.sel $0x180000  }
0xb1: {  	[bflag:$0x0] =	sbarrier.arrive $0xFFFF  }
0xb2: {  	_ =	strace $0x9000004D  }
0xb3: {  	[bflag:$0x2] =	sbarrier.arrive $0xFFFF  }
0xb4: {  	p0 =	sne.s32 s1, $0x0;
	s0 =	rddreg [dreg:$0x2]  }
0xb5: {  	s0 =	sadd.s32 @!p0 $0x100000, s0  }
0xb6: {  	[sflag:s0] =	ssyncadd.tile.s32 @!p0 $0x1;
	_ =	shalt  }
.Lfunc_end2:
_tile_overlayer_lowered:
.L_overlay_start_2:
0xb7: {  	(tag) =	ssettag $0x2  }
0xb8: {  	s0 =	rddreg [dreg:$0x0];
	s2 =	stileid.u32  }
0xb9: {  	s1 =	rddreg [dreg:$0x1];
	p0 =	sne.s32 s2, $0x0  }
0xba: {  	s3 =	rddreg [dreg:$0x2];
	[bflag:$0x3] =	sbarrier.arrive $0xFFFF;
	s2 =	simm.s32 @!p0 $0x1C04  }
0xbb: {  	[timem:s3], [sflag:s2] =	dma.local @!p0 [hbm:s0], s1  }
0xbc: {  	s0 =	simm.s32 @!p0 $0x4  }
0xbd: {  	_ =	swait.ge @!p0 [sflag:s0], s1  }
0xbe: {  	s1 =	ssub.s32 @!p0 $0x0, s1;
	[sflag:s0] =	ssyncset.done @!p0 $0x0  }
0xbf: {  	[sflag:s0] =	ssyncadd.s32 @!p0 s1  }
0xc0: {  	[bflag:$0x3] =	sbarrier.arrive $0xFFFF  }
0xc1: {  	_ =	shalt  }

// kernel: kernel.9.cloned.1.call-start
scs
__scs_entry_jumppad:
0x0: {  	(pc) =	sbr.rel $0x88, $3  }
0x1: {  	(tag) =	ssettag $0x0;
	lr =	simm.s32 $0x1  }
0x2: {  	[smem:$0x3F99] =	sst lr;
	_ =	strace $0xD0000000  }
0x3: {  	_ = 	snop  }
0x4: {  	_ = 	snop  }
0x5: {  	_ = 	snop  }
0x6: {  	_ = 	snop  }
0x7: {  	_ = 	snop  }
__scs_overlays_trampoline_lowered:
0x8: {  	[smem:$0x3FA8] =	sst s0  }
0x9: {  	[smem:$0x3FA9] =	sst s1  }
0xa: {  	[smem:$0x3FAA] =	sst s2  }
0xb: {  	[smem:$0x3FAB] =	sst s3  }
0xc: {  	[smem:$0x3FAC] =	sst s4  }
0xd: {  	[smem:$0x3FAD] =	sst s5  }
0xe: {  	[smem:$0x3FAE] =	sst s6  }
0xf: {  	[smem:$0x3FAF] =	sst s7  }
0x10: {  	[smem:$0x3FB0] =	sst s8  }
0x11: {  	[smem:$0x3FB1] =	sst s9;
	s0 =	simm.s32 @!p0 $0x0  }
0x12: {  	s1 =	sld [smem:$0x3F97];
	s0 =	simm.s32 @p0 $0x1  }
0x13: {  	[smem:$0x3FB2] =	sst s0;
	s0 =	simm.s32 @!p1 $0x0  }
0x14: {  	s2 =	sld [smem:$0x3F96];
	s0 =	simm.s32 @p1 $0x1  }
0x15: {  	[smem:$0x3FB3] =	sst s0;
	s0 =	simm.s32 @!p2 $0x0  }
0x16: {  	s3 =	sld [smem:$0x3FDB];
	s0 =	simm.s32 @p2 $0x1  }
0x17: {  	s4 =	simm.s32 $0x1BF5;
	[smem:$0x3FB5] =	sst s0  }
0x18: {  	s0 =	sld [smem:$0x3F98];
	_ =	swait.ge [sflag:s4], $0x0  }
0x19: {  	s7 =	sld [smem:$0x3F99]  }
0x1a: {  	s8 =	sadd.s32 $0xFFFFE003, lr  }
0x1b: {  	s9 =	sadd.s32 $0xFFFFFEF7, lr;
	s5 =	simm.s32 $0xFFFFFFFF;
	p2 =	slt.u32 s8, $0xFFFFF086  }
0x1c: {  	p1 =	slt.u32 s9, $0xF7A;
	s5 =	simm.s32 @!p2 $0x0  }
0x1d: {  	s5 =	simm.s32 @p1 $0x1;
	p0 =	seq.s32 s7, s2  }
0x1e: {  	s7 =	smul.u32 @!p0 $0xF7A, s2;
	p2 =	seq.s32 @!p0 s5, $0x0  }
0x1f: {  	s9 =	smul.u32 $0xF7A, s1;
	s8 =	simm.s32 @!p0 $0x1BF5;
	p2 =	por !p2, p0  }
0x20: {  	[sflag:s8] =	ssyncset.s32 @!p0 $0xFFFFF086;
	s6 =	sadd.s32 @!p0 s3, s7;
	s7 =	simm.s32 @!p0 $0x108  }
0x21: {  	s3 =	sadd.s32 s3, s9;
	s6 =	sadd.s32 @!p0 $0x88, s6;
	s7 =	simm.s32 @p2 $0x1082  }
0x22: {  	[simem:s7], [sflag:s8] =	dma.local @!p0 [hbm:s6], $0xF7A  }
0x23: {  	s9 =	sor.u32 $0xD0000000, s2;
	s6 =	simm.s32 $0x108;
	_ =	swait.ge @!p0 [sflag:s8], $0x0  }
0x24: {  	s3 =	sadd.s32 $0x88, s3;
	s6 =	simm.s32 @!p1 $0x1082;
	[sflag:s4] =	ssyncset.s32 $0xFFFFF086  }
0x25: {  	[simem:s6], [sflag:s4] =	dma.local [hbm:s3], $0xF7A  }
0x26: {  	[smem:$0x3F99] =	sst s1;
	(tag) =	ssettag s2;
	_ =	strace s9  }
0x27: {  	s1 =	sld [smem:$0x3FA9]  }
0x28: {  	s2 =	sld [smem:$0x3FAA]  }
0x29: {  	s4 =	sld [smem:$0x3FAC]  }
0x2a: {  	p0 =	seq.s32 s5, $0x0;
	s5 =	sld [smem:$0x3FAD]  }
0x2b: {  	s6 =	sld [smem:$0x3FAE]  }
0x2c: {  	s7 =	sld [smem:$0x3FAF]  }
0x2d: {  	s3 =	simm.s32 $0x108;
	s8 =	sld [smem:$0x3FB0]  }
0x2e: {  	s3 =	simm.s32 @!p0 $0x1082;
	s9 =	sld [smem:$0x3FB1]  }
0x2f: {  	lr =	sadd.s32 s0, s3;
	s0 =	sld [smem:$0x3FA8]  }
0x30: {  	s3 =	sld [smem:$0x3FAB]  }
0x31: {  	[smem:$0x3FB4] =	sst s10  }
0x32: {  	s10 =	sld [smem:$0x3FB2];
	_ =	sdelay $0x3  }
0x33: {  	p0 =	seq.s32 s10, $0x1;
	s10 =	sld [smem:$0x3FB4];
	_ =	sdelay $0x3  }
0x34: {  	[smem:$0x3FB4] =	sst s10  }
0x35: {  	s10 =	sld [smem:$0x3FB3];
	_ =	sdelay $0x3  }
0x36: {  	p1 =	seq.s32 s10, $0x1;
	s10 =	sld [smem:$0x3FB4];
	_ =	sdelay $0x3  }
0x37: {  	[smem:$0x3FB4] =	sst s10  }
0x38: {  	s10 =	sld [smem:$0x3FB5]  }
0x39: {  	_ = 	snop;
	(pc) =	sbr.ind lr, $3  }
0x3a: {  	_ = 	snop  }
0x3b: {  	_ = 	snop  }
0x3c: {  	p2 =	seq.s32 s10, $0x1;
	s10 =	sld [smem:$0x3FB4]  }
0x3d: {  	_ =	shalt  }
0x3e: {  	_ =	shalt  }
0x3f: {  	_ =	shalt  }
0x40: {  	_ =	shalt  }
0x41: {  	_ =	shalt  }
0x42: {  	_ =	shalt  }
0x43: {  	_ =	shalt  }
0x44: {  	_ =	shalt  }
0x45: {  	_ =	shalt  }
0x46: {  	_ =	shalt  }
0x47: {  	_ =	shalt  }
0x48: {  	_ =	shalt  }
0x49: {  	_ =	shalt  }
0x4a: {  	_ =	shalt  }
0x4b: {  	_ =	shalt  }
0x4c: {  	_ =	shalt  }
0x4d: {  	_ =	shalt  }
0x4e: {  	_ =	shalt  }
0x4f: {  	_ =	shalt  }
0x50: {  	_ =	shalt  }
0x51: {  	_ =	shalt  }
0x52: {  	_ =	shalt  }
0x53: {  	_ =	shalt  }
0x54: {  	_ =	shalt  }
0x55: {  	_ =	shalt  }
0x56: {  	_ =	shalt  }
0x57: {  	_ =	shalt  }
0x58: {  	_ =	shalt  }
0x59: {  	_ =	shalt  }
0x5a: {  	_ =	shalt  }
0x5b: {  	_ =	shalt  }
0x5c: {  	_ =	shalt  }
0x5d: {  	_ =	shalt  }
0x5e: {  	_ =	shalt  }
0x5f: {  	_ =	shalt  }
0x60: {  	_ =	shalt  }
0x61: {  	_ =	shalt  }
0x62: {  	_ =	shalt  }
0x63: {  	_ =	shalt  }
0x64: {  	_ =	shalt  }
0x65: {  	_ =	shalt  }
0x66: {  	_ =	shalt  }
0x67: {  	_ =	shalt  }
0x68: {  	_ =	shalt  }
0x69: {  	_ =	shalt  }
0x6a: {  	_ =	shalt  }
0x6b: {  	_ =	shalt  }
0x6c: {  	_ =	shalt  }
0x6d: {  	_ =	shalt  }
0x6e: {  	_ =	shalt  }
0x6f: {  	_ =	shalt  }
0x70: {  	_ =	shalt  }
0x71: {  	_ =	shalt  }
0x72: {  	_ =	shalt  }
0x73: {  	_ =	shalt  }
0x74: {  	_ =	shalt  }
0x75: {  	_ =	shalt  }
0x76: {  	_ =	shalt  }
0x77: {  	_ =	shalt  }
0x78: {  	_ =	shalt  }
0x79: {  	_ =	shalt  }
0x7a: {  	_ =	shalt  }
0x7b: {  	_ =	shalt  }
0x7c: {  	_ =	shalt  }
0x7d: {  	_ =	shalt  }
0x7e: {  	_ =	shalt  }
0x7f: {  	_ =	shalt  }
0x80: {  	_ =	shalt  }
0x81: {  	_ =	shalt  }
0x82: {  	_ =	shalt  }
0x83: {  	_ =	shalt  }
0x84: {  	_ =	shalt  }
0x85: {  	_ =	shalt  }
0x86: {  	_ =	shalt  }
0x87: {  	_ =	shalt  }
.Lfunc_end0:
.L_simem_size_0:
called_computation_lowered:
.L_overlay_start_0:
0x88: {  	s2 =	sld [smem:$0x3FD9]  }
0x89: {  	s3 =	sld [smem:$0x3FFE];
	_ =	sdelay $0x1  }
0x8a: {  	s1 =	srdreg.scid  }
0x8b: {  	s0 =	sand.u32 $0x1, s1  }
0x8c: {  	s17 =	sshll.u32 s0, $0xA;
	s2 =	sadd.s32 s3, s2  }
0x8d: {  	s2 =	sadd.s32 s2, s17  }
0x8e: {  	[smem:$0x3FC0] =	sst s2  }
0x8f: {  	_ = 	snop  }
0x90: {  	s2 =	sld [smem:$0x3FD0];
	(tm) =	ssettm $0x1  }
0x91: {  	s18 =	sld [smem:$0x3FFB];
	_ =	sdelay $0x3  }
0x92: {  	_ =	strace s18  }
0x93: {  	s3 =	sld [smem:$0x3FFC];
	_ =	sdelay $0x3  }
0x94: {  	_ =	strace s3  }
0x95: {  	s3 =	sld [smem:$0x3FFD];
	_ =	sdelay $0x3  }
0x96: {  	_ =	strace s3  }
0x97: {  	_ =	strace $0x8FFFFFFF  }
0x98: {  	s19 =	sld [smem:$0x3FDB];
	_ =	sdelay $0x1  }
0x99: {  	s4 =	simm.s32 $_scs_section_size  }
0x9a: {  	s5 =	simm.s32 $_size__tile_overlayer_lowered;
	s6 =	simm.s32 $_tile_overlayer_lowered  }
0x9b: {  	s22 =	simm.s32 $0x1BFF;
	s21 =	sshll.u32 s6, $0x1;
	s3 =	sadd.s32 s4, s19  }
0x9c: {  	s7 =	simm.s32 $0x0;
	s20 =	sshll.u32 s5, $0x1;
	s5 =	sadd.s32 s21, s3  }
0x9d: {  	[timem:s7], [sflag:s22] =	dma.local [hbm:s5], s20  }
0x9e: {  	_ =	swait.ge [sflag:s22], s20  }
0x9f: {  	s4 =	ssub.s32 $0x0, s20;
	[sflag:s22] =	ssyncset.done $0x0  }
0xa0: {  	[sflag:s22] =	ssyncadd.s32 s4;
	_ =	sdelay $0x1  }
0xa1: {  	s23 =	simm.s32 $0x1B8B  }
0xa2: {  	_ =	swait.ge [sflag:s23], $0x1  }
0xa3: {  	[sflag:s23] =	ssyncset.done $0x0  }
0xa4: {  	s25 =	simm.s32 $0x1B8E;
	s24 =	sld [smem:$0x3FFE];
	[sflag:s23] =	ssyncadd.s32 $0xFFFFFFFF  }
0xa5: {  	s26 =	simm.s32 $execute0_lowered;
	[smem:$0x3FD2] =	sst s25  }
0xa6: {  	s5 =	sshll.u32 s26, $0x1;
	_ =	strace $0x80000046;
	[dreg:$0x1] =	wrdreg $0xFFFFFFFF  }
0xa7: {  	s28 =	simm.s32 $_size_execute0_lowered;
	s3 =	sadd.s32 s3, s5;
	[dreg:$0x0] =	wrdreg $0x0  }
0xa8: {  	s5 =	sshll.u32 s28, $0x1;
	[dreg:$0x2] =	wrdreg s3  }
0xa9: {  	[dreg:$0x3] =	wrdreg s5  }
0xaa: {  	[dreg:$0x4] =	wrdreg $0xC0  }
0xab: {  	_ =	task [dreg:s7], $0x5FFFF  }
0xac: {  	[dreg:$0x1] =	wrdreg $0xFFFFFFFF  }
0xad: {  	[dreg:$0x0] =	wrdreg $0x60  }
0xae: {  	[dreg:$0x2] =	wrdreg s24  }
0xaf: {  	[dreg:$0x3] =	wrdreg s2  }
0xb0: {  	[dreg:$0x4] =	wrdreg $0x7A800  }
0xb1: {  	[dreg:$0x5] =	wrdreg $0x9  }
0xb2: {  	_ =	task.clear_ibuf [dreg:s7], $0x6FFFF;
	_ =	strace $0x90000046  }
0xb3: {  	s29 =	simm.s32 $0x9;
	_ =	strace $0x80000048  }
0xb4: {  	_ =	swait.ge [sflag:s29], $0x1  }
0xb5: {  	[sflag:s29] =	ssyncadd.s32 $0xFFFFFFFF  }
0xb6: {  	_ =	strace $0x90000048  }
0xb7: {  	_ =	sfence  }
0xb8: {  	s30 =	sld [smem:$0x0];
	_ =	sdelay $0x2  }
0xb9: {  	s31 =	sshll.u32 s1, $0xD;
	s1 =	sshrl.u32 s1, $0x2  }
0xba: {  	s3 =	sand.u32 $0x4000, s31;
	s1 =	sadd.s32 s1, s30  }
0xbb: {  	s0 =	sor.u32 s3, s0;
	s1 =	sshll.u32 s1, $0x11  }
0xbc: {  	s0 =	sor.u32 s1, s0  }
0xbd: {  	s0 =	sadd.s32 $0x8F2B, s0  }
0xbe: {  	[sflag:s0] =	ssyncadd.remote.s32 $0x1  }
0xbf: {  	_ =	sfence.sel $0xFFFF  }
0xc0: {  	[dreg:$0x0] =	wrdreg $0xFFFFFFFF;
	(pc) =	sbr.abs _section_cstart, $3  }
0xc1: {  	[dreg:$0x1] =	wrdreg $0xFFFFFFFF  }
0xc2: {  	_ =	task.clear_ibuf [dreg:s7], $0x2FFFF;
	_ =	strace $0x9FFFFFFF  }
0xc3: {  	(tm) =	ssettm $0x7FFFFFFF  }
tec
execute0_lowered:
.L_overlay_start_1:
0x0: {  	(tag) =	ssettag $0x1  }
0x1: {  	s3 =	rddreg [dreg:$0x0]  }
0x2: {  	s6 =	rddreg [dreg:$0x1]  }
0x3: {  	s5 =	rddreg [dreg:$0x2]  }
0x4: {  	s1 =	srdreg.scid;
	s0 =	rddreg [dreg:$0x3]  }
0x5: {  	s2 =	simm.s32 $0x0;
	s12 =	simm.s32 $0x1400;
	s13 =	simm.s32 $0x14000  }
0x6: {  	s14 =	simm.s32 $0x5000;
	s15 =	simm.s32 $0x100;
	s16 =	simm.s32 $0x7800  }
0x7: {  	s17 =	simm.s32 $0x0;
	s4 =	sand.u32 $0x1, s1;
	s1 =	stileid.u32  }
0x8: {  	[smem:$0x7FF] =	sst s2;
	s7 =	sshll.u32 s4, $0x4;
	s8 =	ssub.s32 $0x2, s4  }
0x9: {  	s9 =	sshrl.u32 s1, $0x3;
	_ =	strace $0x80000047;
	s29 =	smul.u32 $0x5000, s1  }
0xa: {  	s30 =	sshll.u32 s1, $0x7;
	s11 =	smul.u32 $0x500, s1;
	s4 =	sshll.u32 s4, $0x7  }
0xb: {  	s7 =	sor.u32 s1, s7;
	s10 =	sshrl.u32 s8, $0x1;
	s9 =	smul.u32 $0x50000, s9  }
0xc: {  	s7 =	smul.u32 $0x500, s7;
	s28 =	ssub.s32 s8, s10;
	s10 =	sand.u32 $0x380, s30  }
0xd: {  	s8 =	sshrl.u32 s29, $0x2;
	s11 =	sor.u32 s4, s11;
	s9 =	sshrl.u32 s9, $0x2  }
0xe: {  	s31 =	sshrl.u32 s11, $0x3;
	s11 =	simm.s32 $0x400;
	s3 =	sadd.s32 s7, s3  }
0xf: {  	s9 =	sadd.s32 s9, s5;
	s5 =	sadd.s32 s8, s5;
	s6 =	sadd.s32 s6, s31  }
0x10: {  	s7 =	smax.u32 s28, $0x1;
	s8 =	simm.s32 $0x1;
	s3 =	sadd.s32 $0x1E00, s3  }
0x11: {  	v0 =	vimm.f32 $0.0e+00;
	v1 =	vimm.f32 $1.000000000e+00;
	s4 =	sadd.s32 s10, s9;
	s9 =	simm.s32 $0x2800;
	s10 =	simm.s32 $0x80  }
.LBB2_1:
0x12: {  	[tilespmem:s2], [sflag:$0x1] =	stream.linear.gather [hbm4b:s3+s2], $0x2800, $0x38;
	[tilespmem:$0xA280] =	vst v63  }
0x13: {  	_ =	swait.ge [sflag:s8], $0x2800  }
0x14: {  	[sflag:s8] =	ssyncset.done $0x0  }
0x15: {  	s18 =	simm.s32 $0x0;
	[sflag:s8] =	ssyncadd.s32 $0xFFFFD800  }
.LBB2_2:
0x16: {  	p0 =	sne.s32 s18, $0x9FC0  }
.Ltmp0:
0x17: {  	_ = 	snop;
	(pc) =	sbr.rel @p0 .LBB2_2-.Ltmp0, $3  }
0x18: {  	_ =	sdelay $0x1  }
0x19: {  	s19 =	sshra.s32 s18, $0x2  }
0x1a: {  	s18 =	sadd.s32 $0x40, s18;
	[tilespmem:s19+$0x2800] =	vst v0  }
0x1b: {  	s18 =	simm.s32 $0x0  }
.LBB2_4:
0x1c: {  	s19 =	sshra.s32 s18, $0x2  }
0x1d: {  	v2 =	vld [tilespmem:s19+$0x0];
	_ =	sdelay $0x7  }
0x1e: {  	[tilespmem:v2+s9+$0x0] =	vst.idx.add.f32.msk $0xffff, v1  }
0x1f: {  	v2 =	vld [tilespmem:s19+$0x10];
	_ =	sdelay $0x7  }
0x20: {  	[tilespmem:v2+s9+$0x0] =	vst.idx.add.f32.msk $0xffff, v1  }
0x21: {  	v2 =	vld [tilespmem:s19+$0x20];
	_ =	sdelay $0x7  }
0x22: {  	[tilespmem:v2+s9+$0x0] =	vst.idx.add.f32.msk $0xffff, v1  }
0x23: {  	v2 =	vld [tilespmem:s19+$0x30];
	_ =	sdelay $0x7  }
0x24: {  	[tilespmem:v2+s9+$0x0] =	vst.idx.add.f32.msk $0xffff, v1  }
0x25: {  	v2 =	vld [tilespmem:s19+$0x40];
	_ =	sdelay $0x7  }
0x26: {  	[tilespmem:v2+s9+$0x0] =	vst.idx.add.f32.msk $0xffff, v1  }
0x27: {  	v2 =	vld [tilespmem:s19+$0x50];
	_ =	sdelay $0x7  }
0x28: {  	[tilespmem:v2+s9+$0x0] =	vst.idx.add.f32.msk $0xffff, v1  }
0x29: {  	v2 =	vld [tilespmem:s19+$0x60];
	_ =	sdelay $0x7  }
0x2a: {  	[tilespmem:v2+s9+$0x0] =	vst.idx.add.f32.msk $0xffff, v1  }
0x2b: {  	v2 =	vld [tilespmem:s19+$0x70];
	_ =	sdelay $0x2  }
0x2c: {  	p0 =	sne.s32 s18, $0x9E00  }
.Ltmp1:
0x2d: {  	_ = 	snop;
	(pc) =	sbr.rel @p0 .LBB2_4-.Ltmp1, $2  }
0x2e: {  	_ =	sdelay $0x2  }
0x2f: {  	s18 =	sadd.s32 $0x200, s18;
	[tilespmem:v2+s9+$0x0] =	vst.idx.add.f32.msk $0xffff, v1  }
0x30: {  	[spmem:s4] =	stream.strided.scatter [tilespmem:s9], [sflag:$0x1], $0x2800, s11, s10, $0x38;
	[tilespmem:$0xA280] =	vst v63  }
0x31: {  	_ =	swait.ge [sflag:s8], $0x2800  }
0x32: {  	[sflag:s8] =	ssyncset.done $0x0  }
0x33: {  	[sflag:s8] =	ssyncadd.s32 $0xFFFFD800  }
0x34: {  	[bflag:$0x0] =	sbarrier.arrive $0xFFFF  }
0x35: {  	[tilespmem:s14], [sflag:$0x1] =	stream.strided.gather [spmem:s5], $0x2800, s13, s12, $0x38;
	[tilespmem:$0xA280] =	vst v63  }
0x36: {  	s18 =	simm.s32 $0x0;
	_ =	swait.ge [sflag:s8], $0x2800  }
0x37: {  	s19 =	sand.u32 $0x70, s18;
	s18 =	sand.u32 $0x1C00, s18;
	[sflag:s8] =	ssyncset.done $0x0  }
0x38: {  	s18 =	sor.u32 s19, s18;
	[sflag:s8] =	ssyncadd.s32 $0xFFFFD800  }
0x39: {  	v2 =	vld [tilespmem:s18+$0x5080]  }
0x3a: {  	v3 =	vld [tilespmem:s18+$0x5000];
	_ =	sdelay $0x1  }
0x3b: {  	v4 =	vld [tilespmem:s18+$0x5100];
	_ =	sdelay $0x1  }
0x3c: {  	v5 =	vld [tilespmem:s18+$0x5180]  }
0x3d: {  	v2 =	vadd.f32 v2, v3  }
0x3e: {  	v3 =	vld [tilespmem:s18+$0x5200]  }
0x3f: {  	v2 =	vadd.f32 v4, v2  }
0x40: {  	v56 =	vld [tilespmem:s18+$0x5280]  }
0x41: {  	v2 =	vadd.f32 v5, v2  }
0x42: {  	v57 =	vld [tilespmem:s18+$0x5300]  }
0x43: {  	v2 =	vadd.f32 v3, v2  }
0x44: {  	v3 =	vld [tilespmem:s18+$0x5380]  }
0x45: {  	v2 =	vadd.f32 v56, v2  }
0x46: {  	v58 =	vld [tilespmem:s18+$0x6400]  }
0x47: {  	v2 =	vadd.f32 v57, v2  }
0x48: {  	v59 =	vld [tilespmem:s18+$0x6480]  }
0x49: {  	v2 =	vadd.f32 v3, v2  }
0x4a: {  	v3 =	vld [tilespmem:s18+$0x6500]  }
0x4b: {  	v2 =	vadd.f32 v58, v2  }
0x4c: {  	v60 =	vld [tilespmem:s18+$0x6580]  }
0x4d: {  	v2 =	vadd.f32 v59, v2  }
0x4e: {  	v61 =	vld [tilespmem:s18+$0x6600]  }
0x4f: {  	v2 =	vadd.f32 v3, v2  }
0x50: {  	v3 =	vld [tilespmem:s18+$0x6680]  }
0x51: {  	v2 =	vadd.f32 v60, v2  }
0x52: {  	v62 =	vld [tilespmem:s18+$0x6700]  }
0x53: {  	v2 =	vadd.f32 v61, v2  }
0x54: {  	v63 =	vld [tilespmem:s18+$0x6780]  }
0x55: {  	v2 =	vadd.f32 v3, v2;
	_ =	sdelay $0x1  }
0x56: {  	v2 =	vadd.f32 v62, v2;
	_ =	sdelay $0x1  }
0x57: {  	s31 =	simm.s32 $0x10;
	s20 =	simm.s32 $0x80;
	v2 =	vadd.f32 v63, v2  }
0x58: {  	s21 =	sand.u32 $0x1C00, s20;
	s19 =	sand.u32 $0x70, s31;
	s18 =	simm.s32 $0x7800  }
0x59: {  	s19 =	sor.u32 s19, s21;
	s21 =	simm.s32 $0x20;
	[tilespmem:s18+$0x0] =	vst v2  }
.LBB2_6:
0x5a: {  	p0 =	sne.s32 s21, $0x270;
	v2 =	vld [tilespmem:s19+$0x5080]  }
0x5b: {  	v3 =	vld [tilespmem:s19+$0x5000];
	_ =	sdelay $0x1  }
0x5c: {  	v4 =	vld [tilespmem:s19+$0x5100];
	_ =	sdelay $0x1  }
0x5d: {  	v5 =	vld [tilespmem:s19+$0x5180]  }
0x5e: {  	v2 =	vadd.f32 v2, v3  }
0x5f: {  	v3 =	vld [tilespmem:s19+$0x5200]  }
0x60: {  	v2 =	vadd.f32 v4, v2  }
0x61: {  	v4 =	vld [tilespmem:s19+$0x5280]  }
0x62: {  	v2 =	vadd.f32 v5, v2  }
0x63: {  	v5 =	vld [tilespmem:s19+$0x5300]  }
0x64: {  	v2 =	vadd.f32 v3, v2  }
0x65: {  	v3 =	vld [tilespmem:s19+$0x5380]  }
0x66: {  	v2 =	vadd.f32 v4, v2  }
0x67: {  	v4 =	vld [tilespmem:s19+$0x6400]  }
0x68: {  	v2 =	vadd.f32 v5, v2  }
0x69: {  	v5 =	vld [tilespmem:s19+$0x6480]  }
0x6a: {  	v2 =	vadd.f32 v3, v2  }
0x6b: {  	v3 =	vld [tilespmem:s19+$0x6500]  }
0x6c: {  	v2 =	vadd.f32 v4, v2  }
0x6d: {  	v4 =	vld [tilespmem:s19+$0x6580]  }
0x6e: {  	v2 =	vadd.f32 v5, v2  }
0x6f: {  	v5 =	vld [tilespmem:s19+$0x6600]  }
0x70: {  	v2 =	vadd.f32 v3, v2  }
0x71: {  	v3 =	vld [tilespmem:s19+$0x6680]  }
0x72: {  	v2 =	vadd.f32 v4, v2  }
0x73: {  	v4 =	vld [tilespmem:s19+$0x6700]  }
0x74: {  	v2 =	vadd.f32 v5, v2  }
0x75: {  	v5 =	vld [tilespmem:s19+$0x6780]  }
0x76: {  	v2 =	vadd.f32 v3, v2;
	_ =	sdelay $0x1  }
.Ltmp2:
0x77: {  	v2 =	vadd.f32 v4, v2;
	(pc) =	sbr.rel @p0 .LBB2_6-.Ltmp2, $4  }
0x78: {  	_ = 	snop  }
0x79: {  	s20 =	sadd.s32 $0x80, s20;
	v2 =	vadd.f32 v5, v2  }
0x7a: {  	s18 =	sadd.s32 $0x10, s18;
	s22 =	sand.u32 $0x1C00, s20;
	s19 =	sand.u32 $0x70, s21  }
0x7b: {  	s21 =	sadd.s32 $0x10, s21;
	s19 =	sor.u32 s19, s22;
	[tilespmem:s18+$0x0] =	vst v2  }
0x7c: {  	v2 =	vld [tilespmem:s19+$0x5080]  }
0x7d: {  	v3 =	vld [tilespmem:s19+$0x5000];
	_ =	sdelay $0x1  }
0x7e: {  	v4 =	vld [tilespmem:s19+$0x5100];
	_ =	sdelay $0x1  }
0x7f: {  	v5 =	vld [tilespmem:s19+$0x5180]  }
0x80: {  	v2 =	vadd.f32 v2, v3  }
0x81: {  	v3 =	vld [tilespmem:s19+$0x5200]  }
0x82: {  	v2 =	vadd.f32 v4, v2  }
0x83: {  	v56 =	vld [tilespmem:s19+$0x5280]  }
0x84: {  	v2 =	vadd.f32 v5, v2  }
0x85: {  	v57 =	vld [tilespmem:s19+$0x5300]  }
0x86: {  	v2 =	vadd.f32 v3, v2  }
0x87: {  	v3 =	vld [tilespmem:s19+$0x5380]  }
0x88: {  	v2 =	vadd.f32 v56, v2  }
0x89: {  	v58 =	vld [tilespmem:s19+$0x6400]  }
0x8a: {  	v2 =	vadd.f32 v57, v2  }
0x8b: {  	v59 =	vld [tilespmem:s19+$0x6480]  }
0x8c: {  	v2 =	vadd.f32 v3, v2  }
0x8d: {  	v3 =	vld [tilespmem:s19+$0x6500]  }
0x8e: {  	v2 =	vadd.f32 v58, v2  }
0x8f: {  	v60 =	vld [tilespmem:s19+$0x6580]  }
0x90: {  	v2 =	vadd.f32 v59, v2  }
0x91: {  	v61 =	vld [tilespmem:s19+$0x6600]  }
0x92: {  	v2 =	vadd.f32 v3, v2  }
0x93: {  	v3 =	vld [tilespmem:s19+$0x6680]  }
0x94: {  	v2 =	vadd.f32 v60, v2  }
0x95: {  	v62 =	vld [tilespmem:s19+$0x6700]  }
0x96: {  	v2 =	vadd.f32 v61, v2  }
0x97: {  	v63 =	vld [tilespmem:s19+$0x6780]  }
0x98: {  	v2 =	vadd.f32 v3, v2;
	_ =	sdelay $0x1  }
0x99: {  	v2 =	vadd.f32 v62, v2;
	_ =	sdelay $0x1  }
0x9a: {  	s17 =	sadd.s32 $0x1, s17;
	v2 =	vadd.f32 v63, v2  }
0x9b: {  	s18 =	sadd.s32 $0x10, s18;
	p0 =	sne.s32 s17, s7  }
.Ltmp3:
0x9c: {  	[tilespmem:s18+$0x0] =	vst v2;
	(pc) =	sbr.rel @p0 .LBB2_1-.Ltmp3, $4  }
0x9d: {  	[hbm4b:s6+s10] =	stream.strided.scatter [tilespmem:s16], [sflag:$0x1], $0x280, s15, s10, $0x38;
	[tilespmem:$0xA280] =	vst v63  }
0x9e: {  	_ =	swait.ge [sflag:s8], $0x280  }
0x9f: {  	[sflag:s8] =	ssyncset.done $0x0  }
0xa0: {  	[sflag:s8] =	ssyncadd.s32 $0xFFFFFD80  }
0xa1: {  	_ =	sfence.sel $0x180000  }
0xa2: {  	[bflag:$0x0] =	sbarrier.arrive $0xFFFF  }
0xa3: {  	p0 =	sne.s32 s1, $0x0;
	_ =	strace $0x90000047  }
0xa4: {  	s0 =	sadd.s32 @!p0 $0x100000, s0;
	[bflag:$0x2] =	sbarrier.arrive $0xFFFF  }
0xa5: {  	[sflag:s0] =	ssyncadd.tile.s32 @!p0 $0x1;
	_ =	shalt  }
.Lfunc_end2:
_tile_overlayer_lowered:
.L_overlay_start_2:
0xa6: {  	(tag) =	ssettag $0x2  }
0xa7: {  	s0 =	rddreg [dreg:$0x0];
	s2 =	stileid.u32  }
0xa8: {  	s1 =	rddreg [dreg:$0x1];
	p0 =	sne.s32 s2, $0x0  }
0xa9: {  	s3 =	rddreg [dreg:$0x2];
	[bflag:$0x3] =	sbarrier.arrive $0xFFFF;
	s2 =	simm.s32 @!p0 $0x1C01  }
0xaa: {  	[timem:s3], [sflag:s2] =	dma.local @!p0 [hbm:s0], s1  }
0xab: {  	s0 =	simm.s32 @!p0 $0x1  }
0xac: {  	_ =	swait.ge @!p0 [sflag:s0], s1  }
0xad: {  	s1 =	ssub.s32 @!p0 $0x0, s1;
	[sflag:s0] =	ssyncset.done @!p0 $0x0  }
0xae: {  	[sflag:s0] =	ssyncadd.s32 @!p0 s1  }
0xaf: {  	[bflag:$0x3] =	sbarrier.arrive $0xFFFF  }
0xb0: {  	_ =	shalt  }

</sc_bundles>
